<compile_context>
chip_gen: v7x
topology: tpu7x:2x2x1
jax: 0.10.2.dev20260603
libtpu: 0.0.44.dev20260713+nightly
codegen_flags: <defaults>
</compile_context>

<pallas_src>
import functools

import jax
import jax.numpy as jnp
from jax import lax
from jax.experimental import pallas as pl
from jax.experimental.pallas import tpu as pltpu
from jax.experimental.pallas import tpu_sc as plsc

N_WORKERS = 32
NPW = 320
NPAD = N_WORKERS * NPW
EB = 128
KB = 4
OC = 64
LANES = 16
MASK_HI = -65536


def _make_pack_kernel(N, D):
    CH = 80
    nch_full = NPW // CH
    rows_last = N - NPW * (N_WORKERS - 1)
    nch_last = (rows_last + CH - 1) // CH
    assert rows_last % CH == 0 and N % CH == 0
    mesh = plsc.VectorSubcoreMesh(core_axis_name="c", subcore_axis_name="s")

    @functools.partial(
        pl.kernel,
        mesh=mesh,
        out_type=jax.ShapeDtypeStruct((N, D // 2), jnp.int32),
        scratch_types=[
            pltpu.VMEM((2 * CH, D), jnp.float32),
            pltpu.VMEM((2 * CH, D // 2), jnp.int32),
            pltpu.SemaphoreType.DMA,
            pltpu.SemaphoreType.DMA,
            pltpu.SemaphoreType.DMA,
            pltpu.SemaphoreType.DMA,
        ],
    )
    def pack(x_hbm, out_hbm, buf_in, buf_out, sin0, sin1, sout0, sout1):
        wid = lax.axis_index("s") * 2 + lax.axis_index("c")
        base = wid * NPW
        nch = jnp.where(wid < N_WORKERS - 1, nch_full, nch_last)

        in_slc = (buf_in.at[pl.ds(0, CH)], buf_in.at[pl.ds(CH, CH)])
        out_slc = (buf_out.at[pl.ds(0, CH)], buf_out.at[pl.ds(CH, CH)])
        sins = (sin0, sin1)
        souts = (sout0, sout1)

        def src_at(c):
            return pl.multiple_of(base + c * CH, 8)

        def copy_in(c, k):
            pltpu.async_copy(x_hbm.at[pl.ds(src_at(c), CH)], in_slc[k],
                             sins[k])

        def wait_in(c, k):
            pltpu.make_async_copy(x_hbm.at[pl.ds(src_at(c), CH)], in_slc[k],
                                  sins[k]).wait()

        def copy_out(c, k):
            pltpu.async_copy(out_slc[k], out_hbm.at[pl.ds(src_at(c), CH)],
                             souts[k])

        def wait_out(c, k):
            pltpu.make_async_copy(out_slc[k],
                                  out_hbm.at[pl.ds(src_at(c), CH)],
                                  souts[k]).wait()

        copy_in(0, 0)

        half = jnp.full((LANES,), 0x8000, jnp.int32)
        mask_hi = jnp.full((LANES,), MASK_HI, jnp.int32)
        sh16 = jnp.full((LANES,), 16, jnp.int32)

        @pl.loop(0, nch)
        def chunk_loop(c):
            par = jnp.bitwise_and(c, 1)
            for k in range(2):
                @pl.when(par == k)
                def _():
                    wait_in(c, k)

                    @pl.when(c + 1 < nch)
                    def _():
                        copy_in(c + 1, 1 - k)

                    @pl.when(c >= 2)
                    def _():
                        wait_out(c - 2, k)

                    @pl.loop(0, CH)
                    def row_loop(r):
                        rr = r + k * CH
                        for m in range(D // (2 * LANES)):
                            lo = buf_in[rr, pl.ds(2 * m * LANES, LANES)]
                            hi = buf_in[rr, pl.ds((2 * m + 1) * LANES,
                                                  LANES)]
                            li = lax.bitcast_convert_type(lo, jnp.int32)
                            hi_i = lax.bitcast_convert_type(hi, jnp.int32)
                            pk = jnp.bitwise_or(
                                lax.shift_right_logical(li + half, sh16),
                                jnp.bitwise_and(hi_i + half, mask_hi),
                            )
                            buf_out[rr, pl.ds(m * LANES, LANES)] = pk

                    copy_out(c, k)

        @pl.when(nch >= 2)
        def _():
            for k in range(2):
                @pl.when(jnp.bitwise_and(nch - 2, 1) == k)
                def _():
                    wait_out(nch - 2, k)
        for k in range(2):
            @pl.when(jnp.bitwise_and(nch - 1, 1) == k)
            def _():
                wait_out(nch - 1, k)

    return pack


def _make_agg_kernel(D, E):
    nv = D // LANES
    nw = D // (2 * LANES)
    mesh = plsc.VectorSubcoreMesh(core_axis_name="c", subcore_axis_name="s")

    @functools.partial(
        pl.kernel,
        mesh=mesh,
        out_type=jax.ShapeDtypeStruct((NPAD, D), jnp.float32),
        scratch_types=[
            pltpu.VMEM((NPW + 16,), jnp.int32),
            pltpu.VMEM((2 * EB,), jnp.int32),
            pltpu.VMEM((2 * EB, D // 2), jnp.int32),
            pltpu.VMEM((OC, D), jnp.float32),
            pltpu.SemaphoreType.DMA,
            pltpu.SemaphoreType.DMA,
            pltpu.SemaphoreType.DMA,
            pltpu.SemaphoreType.DMA,
        ],
    )
    def agg(x_hbm, ptr_hbm, idx_hbm, out_hbm, ptr_v, idx_v, rows_v, out_v,
            si0, si1, sr0, sr1):
        wid = lax.axis_index("s") * 2 + lax.axis_index("c")
        base = wid * NPW
        pltpu.sync_copy(ptr_hbm.at[pl.ds(base, NPW + 16)], ptr_v)

        e0 = ptr_v[pl.ds(0, LANES)][0]
        e0a = e0 - jnp.bitwise_and(e0, 7)
        e0a = pl.multiple_of(e0a, 8)

        idx_slc = (idx_v.at[pl.ds(0, EB)], idx_v.at[pl.ds(EB, EB)])
        row_slc = (rows_v.at[pl.ds(0, EB)], rows_v.at[pl.ds(EB, EB)])
        sis = (si0, si1)
        srs = (sr0, sr1)

        def idx_copy(b, par):
            pltpu.async_copy(
                idx_hbm.at[pl.ds(e0a + b * EB, EB)], idx_slc[par], sis[par]
            )

        def idx_wait(b, par):
            pltpu.make_async_copy(
                idx_hbm.at[pl.ds(e0a + b * EB, EB)], idx_slc[par], sis[par]
            ).wait()

        def row_gather(par):
            pltpu.async_copy(x_hbm.at[idx_slc[par]], row_slc[par], srs[par])

        def row_wait(par):
            pltpu.make_async_copy(
                x_hbm.at[idx_slc[par]], row_slc[par], srs[par]
            ).wait()

        idx_copy(0, 0)
        idx_copy(1, 1)
        idx_wait(0, 0)
        row_gather(0)

        zero = jnp.zeros((LANES,), jnp.float32)

        def node_body(n, loaded):
            pv = ptr_v[pl.ds(n, LANES)]
            s = pv[0]
            t = pv[1]
            b_lo = lax.shift_right_logical(s - e0a, 7)
            b_hi = jnp.where(
                t > s, lax.shift_right_logical(t - 1 - e0a, 7) + 1, b_lo
            )

            @pl.loop(b_lo, b_hi, init_carry=(loaded, (zero,) * nv))
            def batch_loop(b, carry):
                loaded, acc = carry
                par = jnp.bitwise_and(b, 1)

                @pl.when(b != loaded)
                def _():
                    @pl.when(par == 0)
                    def _():
                        row_wait(0)
                        idx_wait(1, 1)
                        idx_copy(b + 2, 0)
                        row_gather(1)

                    @pl.when(par == 1)
                    def _():
                        row_wait(1)
                        idx_wait(0, 0)
                        idx_copy(b + 2, 1)
                        row_gather(0)

                bs = e0a + b * EB
                el = jnp.maximum(s, bs)
                eh = jnp.minimum(t, bs + EB)
                off = par * EB - bs

                mask_hi = jnp.full((LANES,), -65536, jnp.int32)
                sh16 = jnp.full((LANES,), 16, jnp.int32)

                @pl.loop(el, eh, init_carry=acc)
                def edge_loop(e, acc):
                    pos = e + off
                    nacc = []
                    for j in range(nw):
                        v = rows_v[pos, pl.ds(j * LANES, LANES)]
                        even = lax.bitcast_convert_type(
                            lax.shift_left(v, sh16), jnp.float32
                        )
                        odd = lax.bitcast_convert_type(
                            jnp.bitwise_and(v, mask_hi), jnp.float32
                        )
                        nacc.append(acc[2 * j] + even)
                        nacc.append(acc[2 * j + 1] + odd)
                    return tuple(nacc)

                return (b, edge_loop)

            loaded, acc = batch_loop
            cnt = jnp.broadcast_to(
                jnp.maximum(t - s, 1), (LANES,)
            ).astype(jnp.float32)
            scale = jnp.ones((LANES,), jnp.float32) / cnt
            slot = jnp.bitwise_and(n, OC - 1)
            for k in range(nv):
                out_v[slot, pl.ds(k * LANES, LANES)] = acc[k] * scale

            @pl.when(slot == OC - 1)
            def _():
                dst = pl.multiple_of(base + n - (OC - 1), OC)
                pltpu.sync_copy(out_v, out_hbm.at[pl.ds(dst, OC)])

            return loaded

        loaded = lax.fori_loop(0, NPW, node_body, jnp.int32(-1))

        lpar = jnp.bitwise_and(loaded, 1)

        @pl.when(lpar == 0)
        def _():
            idx_wait(loaded + 2, 0)
            row_wait(1)

        @pl.when(lpar == 1)
        def _():
            idx_wait(loaded + 2, 1)
            row_wait(0)

    return agg


def _mm_kernel(agg_ref, x_ref, wl_ref, wr_ref, b_ref, o_ref):
    a = agg_ref[...].astype(jnp.bfloat16)
    xb = x_ref[...].astype(jnp.bfloat16)
    o_ref[...] = (
        jnp.dot(a, wl_ref[...], preferred_element_type=jnp.float32)
        + jnp.dot(xb, wr_ref[...], preferred_element_type=jnp.float32)
        + b_ref[...]
    )


def kernel(x, ptr, idx, num_node, W_l, b_l, W_r):
    N, D = x.shape
    H = W_l.shape[1]
    E = idx.shape[0]

    ptr = ptr.astype(jnp.int32)
    idx = idx.astype(jnp.int32)
    ptr_pad = jnp.concatenate(
        [ptr, jnp.full((NPAD + 16 - (N + 1),), ptr[-1], jnp.int32)]
    )
    idx_pad = jnp.concatenate([idx, jnp.zeros((6 * EB + 8,), jnp.int32)])

    x_pk = _make_pack_kernel(N, D)(x)

    agg = _make_agg_kernel(D, E)(x_pk, ptr_pad, idx_pad)

    b2 = b_l.reshape(1, H)

    BN = 1000
    out = pl.pallas_call(
        _mm_kernel,
        grid=(N // BN,),
        in_specs=[
            pl.BlockSpec((BN, D), lambda i: (i, 0)),
            pl.BlockSpec((BN, D), lambda i: (i, 0)),
            pl.BlockSpec((D, H), lambda i: (0, 0)),
            pl.BlockSpec((D, H), lambda i: (0, 0)),
            pl.BlockSpec((1, H), lambda i: (0, 0)),
        ],
        out_specs=pl.BlockSpec((BN, H), lambda i: (i, 0)),
        out_shape=jax.ShapeDtypeStruct((N, H), jnp.float32),
    )(agg, x, W_l.astype(jnp.bfloat16), W_r.astype(jnp.bfloat16), b2)

    return out

# --- scband reference (transcript-rebuilt; emitter-appended) ---
"""Pipeline reference for scband-my-sage-conv-35536559407729 (READ-ONLY COPY).

The authoritative reference and input builder live on the scoring server;
editing this copy changes nothing except your own understanding.
"""

import jax, jax.numpy as jnp
import numpy as np

N = 10000
E = 160000
D = 256
H = 512

def setup_inputs(seed: int = 0) -> dict:
    key = jax.random.key(seed)
    k1, k2, k3, k4, k5, k6 = jax.random.split(key, 6)
    x = jax.random.normal(k1, (N, D), dtype=jnp.float32)
    ptr = jnp.sort(jax.random.randint(k2, (N + 1,), 0, E))
    idx = jax.random.randint(k3, (E,), 0, N)
    W_l = jax.random.normal(k4, (D, H), dtype=jnp.float32) * 0.05
    b_l = jax.random.normal(k5, (H,), dtype=jnp.float32) * 0.05
    W_r = jax.random.normal(k6, (D, H), dtype=jnp.float32) * 0.05
    return {"x": x, "ptr": ptr, "idx": idx, "num_node": N, "W_l": W_l, "b_l": b_l, "W_r": W_r}


def _sage_mean(x, ptr, idx, num_node):
    # CSR mean aggregation: out[i] = mean_{e in [ptr[i], ptr[i+1])} x[idx[e]]
    n = x.shape[0]
    e_pos = jnp.arange(idx.shape[0])
    seg = jnp.searchsorted(ptr, e_pos, side='right') - 1  # dst node id per edge; out-of-range ids are dropped by segment_sum
    seg = jnp.where(seg < num_node, seg, n)
    gathered = jnp.take(x, idx, axis=0)
    summed = jax.ops.segment_sum(gathered, seg, num_segments=n)
    counts = (ptr[1:] - ptr[:-1]).astype(x.dtype)
    return summed / jnp.maximum(counts, 1)[:, None]


def reference(x, ptr, idx, num_node, W_l, b_l, W_r):
    agg = _sage_mean(x, ptr, idx, num_node)
    out = agg @ W_l + b_l
    out = out + x @ W_r
    return out

if __name__ == "__main__":
    import jax
    _d = setup_inputs()
    print(jax.jit(kernel)(*tuple(_d.values())))

</pallas_src>

<mosaic_0001>
#map = affine_map<(d0, d1) -> (0, 0)>
#map1 = affine_map<(d0, d1) -> (0)>
module attributes {stable_mosaic.version = 14 : i64} {
  func.func @agg(%arg0: i32, %arg1: i32, %arg2: memref<10000x128xi32, #tpu.memory_space<hbm>>, %arg3: memref<10256xi32, #tpu.memory_space<hbm>>, %arg4: memref<160776xi32, #tpu.memory_space<hbm>>, %arg5: memref<10240x256xf32, #tpu.memory_space<hbm>>, %arg6: memref<336xi32, #tpu.memory_space<vmem>>, %arg7: memref<256xi32, #tpu.memory_space<vmem>>, %arg8: memref<256x128xi32, #tpu.memory_space<vmem>>, %arg9: memref<64x256xf32, #tpu.memory_space<vmem>>, %arg10: memref<!tpu.dma_semaphore, #tpu.memory_space<semaphore_mem>>, %arg11: memref<!tpu.dma_semaphore, #tpu.memory_space<semaphore_mem>>, %arg12: memref<!tpu.dma_semaphore, #tpu.memory_space<semaphore_mem>>, %arg13: memref<!tpu.dma_semaphore, #tpu.memory_space<semaphore_mem>>) attributes {dimension_semantics = [#tpu.dimension_semantics<core_parallel>, #tpu.dimension_semantics<subcore_parallel>], iteration_bounds = array<i64: 2, 16>, scalar_prefetch = 0 : i64, scratch_operands = 8 : i64, tpu.core_type = #tpu.core_type<sc_vector_subcore>, window_params = [{transform_indices = #map}, {transform_indices = #map1}, {transform_indices = #map1}, {transform_indices = #map}]} {
    %mul3A = arith.constant 2 : i32
    %mul3A_0 = arith.muli %arg1, %mul3A : i32
    %add3A = arith.addi %mul3A_0, %arg0 : i32
    %mul3A_1 = arith.constant 320 : i32
    %mul3A_2 = arith.muli %add3A, %mul3A_1 : i32
    "tpu.region"() ({
      %run_scoped3A = tpu.sem_alloc : memref<!tpu.dma_semaphore, #tpu.memory_space<semaphore_mem>>
      %dma_start3A_52 = tpu.memref_slice %arg3[%mul3A_2] : memref<10256xi32, #tpu.memory_space<hbm>> -> memref<336xi32, #tpu.memory_space<hbm>>
      %dma_start3A_53 = tpu.memref_slice %arg3[%mul3A_2] : memref<10256xi32, #tpu.memory_space<hbm>> -> memref<336xi32, #tpu.memory_space<hbm>>
      tpu.enqueue_dma source(%dma_start3A_53 : memref<336xi32, #tpu.memory_space<hbm>>) target(%arg6 : memref<336xi32, #tpu.memory_space<vmem>>) target_semaphore(%run_scoped3A : memref<!tpu.dma_semaphore, #tpu.memory_space<semaphore_mem>>)
      %dma_wait3A_54 = tpu.memref_slice %arg3[%mul3A_2] : memref<10256xi32, #tpu.memory_space<hbm>> -> memref<336xi32, #tpu.memory_space<hbm>>
      %dma_wait3A_55 = tpu.memref_slice %arg3[%mul3A_2] : memref<10256xi32, #tpu.memory_space<hbm>> -> memref<336xi32, #tpu.memory_space<hbm>>
      tpu.wait_dma2 semaphore(%run_scoped3A : memref<!tpu.dma_semaphore, #tpu.memory_space<semaphore_mem>>) src(%dma_wait3A_55 : memref<336xi32, #tpu.memory_space<hbm>>) dst(%arg6 : memref<336xi32, #tpu.memory_space<vmem>>)
      tpu.yield
    }) : () -> ()
    %get3A = arith.constant 0 : index
    %get3A_3 = tpu.vector_load %arg6[%get3A] {strides = array<i32>} : memref<336xi32, #tpu.memory_space<vmem>>, vector<16xi32>,
    %get3A_4 = vector.shape_cast %get3A_3 : vector<16xi32> to vector<16xi32>
    %slice3A = vector.extract_strided_slice %get3A_4 {offsets = [0], sizes = [1], strides = [1]} : vector<16xi32> to vector<1xi32>
    %squeeze3A = vector.extract %slice3A[0] : i32 from vector<1xi32>
    %and3A = arith.constant 7 : i32
    %and3A_5 = arith.andi %squeeze3A, %and3A : i32
    %sub3A = arith.subi %squeeze3A, %and3A_5 : i32
    %multiple_of3A = tpu.assume_multiple %sub3A, 8 : i32
    %add3A_6 = arith.constant 0 : i32
    %add3A_7 = arith.addi %multiple_of3A, %add3A_6 : i32
    %dma_start3A = arith.constant 0 : i32
    %dma_start3A_8 = tpu.memref_slice %arg7[%dma_start3A] : memref<256xi32, #tpu.memory_space<vmem>> -> memref<128xi32, #tpu.memory_space<vmem>>
    %dma_start3A_9 = tpu.memref_slice %arg4[%add3A_7] : memref<160776xi32, #tpu.memory_space<hbm>> -> memref<128xi32, #tpu.memory_space<hbm>>
    %dma_start3A_10 = arith.constant 0 : i32
    %dma_start3A_11 = tpu.memref_slice %arg7[%dma_start3A_10] : memref<256xi32, #tpu.memory_space<vmem>> -> memref<128xi32, #tpu.memory_space<vmem>>
    %dma_start3A_12 = tpu.memref_slice %arg4[%add3A_7] : memref<160776xi32, #tpu.memory_space<hbm>> -> memref<128xi32, #tpu.memory_space<hbm>>
    tpu.enqueue_dma source(%dma_start3A_12 : memref<128xi32, #tpu.memory_space<hbm>>) target(%dma_start3A_11 : memref<128xi32, #tpu.memory_space<vmem>>) target_semaphore(%arg10 : memref<!tpu.dma_semaphore, #tpu.memory_space<semaphore_mem>>)
    %add3A_13 = arith.constant 128 : i32
    %add3A_14 = arith.addi %multiple_of3A, %add3A_13 : i32
    %dma_start3A_15 = arith.constant 128 : i32
    %dma_start3A_16 = tpu.memref_slice %arg7[%dma_start3A_15] : memref<256xi32, #tpu.memory_space<vmem>> -> memref<128xi32, #tpu.memory_space<vmem>>
    %dma_start3A_17 = tpu.memref_slice %arg4[%add3A_14] : memref<160776xi32, #tpu.memory_space<hbm>> -> memref<128xi32, #tpu.memory_space<hbm>>
    %dma_start3A_18 = arith.constant 128 : i32
    %dma_start3A_19 = tpu.memref_slice %arg7[%dma_start3A_18] : memref<256xi32, #tpu.memory_space<vmem>> -> memref<128xi32, #tpu.memory_space<vmem>>
    %dma_start3A_20 = tpu.memref_slice %arg4[%add3A_14] : memref<160776xi32, #tpu.memory_space<hbm>> -> memref<128xi32, #tpu.memory_space<hbm>>
    tpu.enqueue_dma source(%dma_start3A_20 : memref<128xi32, #tpu.memory_space<hbm>>) target(%dma_start3A_19 : memref<128xi32, #tpu.memory_space<vmem>>) target_semaphore(%arg11 : memref<!tpu.dma_semaphore, #tpu.memory_space<semaphore_mem>>)
    %add3A_21 = arith.constant 0 : i32
    %add3A_22 = arith.addi %multiple_of3A, %add3A_21 : i32
    %dma_wait3A = arith.constant 0 : i32
    %dma_wait3A_23 = tpu.memref_slice %arg7[%dma_wait3A] : memref<256xi32, #tpu.memory_space<vmem>> -> memref<128xi32, #tpu.memory_space<vmem>>
    %dma_wait3A_24 = tpu.memref_slice %arg4[%add3A_22] : memref<160776xi32, #tpu.memory_space<hbm>> -> memref<128xi32, #tpu.memory_space<hbm>>
    %dma_wait3A_25 = arith.constant 0 : i32
    %dma_wait3A_26 = tpu.memref_slice %arg7[%dma_wait3A_25] : memref<256xi32, #tpu.memory_space<vmem>> -> memref<128xi32, #tpu.memory_space<vmem>>
    %dma_wait3A_27 = tpu.memref_slice %arg4[%add3A_22] : memref<160776xi32, #tpu.memory_space<hbm>> -> memref<128xi32, #tpu.memory_space<hbm>>
    tpu.wait_dma2 semaphore(%arg10 : memref<!tpu.dma_semaphore, #tpu.memory_space<semaphore_mem>>) src(%dma_wait3A_27 : memref<128xi32, #tpu.memory_space<hbm>>) dst(%dma_wait3A_26 : memref<128xi32, #tpu.memory_space<vmem>>)
    %dma_start3A_28 = arith.constant 0 : i32
    %dma_start3A_29 = arith.constant 0 : i32
    %dma_start3A_30 = tpu.memref_slice %arg8[%dma_start3A_28, %dma_start3A_29] : memref<256x128xi32, #tpu.memory_space<vmem>> -> memref<128x128xi32, #tpu.memory_space<vmem>>
    %dma_start3A_31 = arith.constant 0 : i32
    %dma_start3A_32 = tpu.memref_slice %arg7[%dma_start3A_31] : memref<256xi32, #tpu.memory_space<vmem>> -> memref<128xi32, #tpu.memory_space<vmem>>
    %dma_start3A_33 = arith.constant 0 : i32
    %dma_start3A_34 = arith.constant 0 : i32
    %dma_start3A_35 = tpu.memref_slice %arg2[%dma_start3A_33, %dma_start3A_34] : memref<10000x128xi32, #tpu.memory_space<hbm>> -> memref<10000x128xi32, #tpu.memory_space<hbm>>
    tpu.enqueue_indirect_dma source(%dma_start3A_35 : memref<10000x128xi32, #tpu.memory_space<hbm>>) target(%dma_start3A_30 : memref<128x128xi32, #tpu.memory_space<vmem>>) offsets(%dma_start3A_32 : memref<128xi32, #tpu.memory_space<vmem>>) semaphore(%arg12 : memref<!tpu.dma_semaphore, #tpu.memory_space<semaphore_mem>>)
    %broadcast_in_dim3A = arith.constant 0.000000e+00 : f32
    %broadcast_in_dim3A_36 = vector.broadcast %broadcast_in_dim3A : f32 to vector<16xf32>
    %scan3A = arith.constant -1 : i32
    %scan3A_37 = arith.constant 0 : i32
    %scan3A_38 = arith.constant 320 : i32
    %scan3A_39 = arith.addi %scan3A_37, %scan3A_38 : i32
    %scan3A_40 = arith.constant 1 : i32
    %scan3A_41 = scf.for %scan3A_52 = %scan3A_37 to %scan3A_39 step %scan3A_40 iter_args(%scan3A_53 = %scan3A) -> (i32)  : i32 {
      %get3A_54 = arith.index_cast %scan3A_52 : i32 to index
      %get3A_55 = tpu.vector_load %arg6[%get3A_54] {strides = array<i32>} : memref<336xi32, #tpu.memory_space<vmem>>, vector<16xi32>,
      %get3A_56 = vector.shape_cast %get3A_55 : vector<16xi32> to vector<16xi32>
      %slice3A_57 = vector.extract_strided_slice %get3A_56 {offsets = [0], sizes = [1], strides = [1]} : vector<16xi32> to vector<1xi32>
      %squeeze3A_58 = vector.extract %slice3A_57[0] : i32 from vector<1xi32>
      %slice3A_59 = vector.extract_strided_slice %get3A_56 {offsets = [1], sizes = [1], strides = [1]} : vector<16xi32> to vector<1xi32>
      %squeeze3A_60 = vector.extract %slice3A_59[0] : i32 from vector<1xi32>
      %sub3A_61 = arith.subi %squeeze3A_58, %multiple_of3A : i32
      %shift_right_logical3A = arith.constant 7 : i32
      %shift_right_logical3A_62 = arith.shrui %sub3A_61, %shift_right_logical3A : i32
      %gt3A = arith.cmpi sgt, %squeeze3A_60, %squeeze3A_58 : i32
      %sub3A_63 = arith.constant 1 : i32
      %sub3A_64 = arith.subi %squeeze3A_60, %sub3A_63 : i32
      %sub3A_65 = arith.subi %sub3A_64, %multiple_of3A : i32
      %shift_right_logical3A_66 = arith.constant 7 : i32
      %shift_right_logical3A_67 = arith.shrui %sub3A_65, %shift_right_logical3A_66 : i32
      %add3A_68 = arith.constant 1 : i32
      %add3A_69 = arith.addi %shift_right_logical3A_67, %add3A_68 : i32
      %select_n3A = arith.select %gt3A, %add3A_69, %shift_right_logical3A_62 : i32
      %sub3A_70 = arith.subi %select_n3A, %shift_right_logical3A_62 : i32
      %sub3A_71 = arith.constant 1 : i32
      %sub3A_72 = arith.constant 1 : i32
      %sub3A_73 = arith.subi %sub3A_71, %sub3A_72 : i32
      %add3A_74 = arith.addi %sub3A_70, %sub3A_73 : i32
      %div3A = arith.constant 1 : i32
      %div3A_75 = arith.divsi %add3A_74, %div3A : i32
      %while3A = arith.constant 1 : i32
      %while3A_76 = arith.constant 0 : i32
      %while3A_77 = arith.subi %div3A_75, %while3A_76 : i32
      %while3A_78 = arith.addi %while3A_76, %while3A_77 : i32
      %while3A_79 = arith.constant 1 : i32
      %while3A_80 = arith.divsi %while3A_77, %while3A_79 : i32
      %while3A_81 = arith.muli %while3A_80, %while3A_79 : i32
      %while3A_82 = arith.addi %while3A_76, %while3A_81 : i32
      %while3A_83 = arith.constant 1 : i32
      %while3A_84:17 = scf.for %while3A_196 = %while3A_76 to %while3A_82 step %while3A_83 iter_args(%while3A_197 = %scan3A_53, %while3A_198 = %broadcast_in_dim3A_36, %while3A_199 = %broadcast_in_dim3A_36, %while3A_200 = %broadcast_in_dim3A_36, %while3A_201 = %broadcast_in_dim3A_36, %while3A_202 = %broadcast_in_dim3A_36, %while3A_203 = %broadcast_in_dim3A_36, %while3A_204 = %broadcast_in_dim3A_36, %while3A_205 = %broadcast_in_dim3A_36, %while3A_206 = %broadcast_in_dim3A_36, %while3A_207 = %broadcast_in_dim3A_36, %while3A_208 = %broadcast_in_dim3A_36, %while3A_209 = %broadcast_in_dim3A_36, %while3A_210 = %broadcast_in_dim3A_36, %while3A_211 = %broadcast_in_dim3A_36, %while3A_212 = %broadcast_in_dim3A_36, %while3A_213 = %broadcast_in_dim3A_36) -> (i32, vector<16xf32>, vector<16xf32>, vector<16xf32>, vector<16xf32>, vector<16xf32>, vector<16xf32>, vector<16xf32>, vector<16xf32>, vector<16xf32>, vector<16xf32>, vector<16xf32>, vector<16xf32>, vector<16xf32>, vector<16xf32>, vector<16xf32>, vector<16xf32>)  : i32 {
        %mul3A_214 = arith.muli %while3A_196, %while3A : i32
        %add3A_215 = arith.addi %shift_right_logical3A_62, %mul3A_214 : i32
        %and3A_216 = arith.constant 1 : i32
        %and3A_217 = arith.andi %add3A_215, %and3A_216 : i32
        %ne3A = arith.cmpi ne, %add3A_215, %while3A_197 : i32
        %convert_element_type3A_218 = arith.extui %ne3A : i1 to i32
        %cond3A_219 = arith.constant 0 : i32
        %cond3A_220 = arith.cmpi ne, %convert_element_type3A_218, %cond3A_219 : i32
        scf.if %cond3A_220 {
          %eq3A_253 = arith.constant 0 : i32
          %eq3A_254 = arith.cmpi eq, %and3A_217, %eq3A_253 : i32
          %convert_element_type3A_255 = arith.extui %eq3A_254 : i1 to i32
          %cond3A_256 = arith.constant 0 : i32
          %cond3A_257 = arith.cmpi ne, %convert_element_type3A_255, %cond3A_256 : i32
          scf.if %cond3A_257 {
            %dma_wait3A_263 = arith.constant 0 : i32
            %dma_wait3A_264 = arith.constant 0 : i32
            %dma_wait3A_265 = tpu.memref_slice %arg8[%dma_wait3A_263, %dma_wait3A_264] : memref<256x128xi32, #tpu.memory_space<vmem>> -> memref<128x128xi32, #tpu.memory_space<vmem>>
            %dma_wait3A_266 = arith.constant 0 : i32
            %dma_wait3A_267 = tpu.memref_slice %arg7[%dma_wait3A_266] : memref<256xi32, #tpu.memory_space<vmem>> -> memref<128xi32, #tpu.memory_space<vmem>>
            %dma_wait3A_268 = arith.constant 0 : i32
            %dma_wait3A_269 = arith.constant 0 : i32
            %dma_wait3A_270 = tpu.memref_slice %arg2[%dma_wait3A_268, %dma_wait3A_269] : memref<10000x128xi32, #tpu.memory_space<hbm>> -> memref<10000x128xi32, #tpu.memory_space<hbm>>
            tpu.wait_indirect_dma semaphore(%arg12 : memref<!tpu.dma_semaphore, #tpu.memory_space<semaphore_mem>>) src(%dma_wait3A_270 : memref<10000x128xi32, #tpu.memory_space<hbm>>) dst(%dma_wait3A_265 : memref<128x128xi32, #tpu.memory_space<vmem>>)
            %add3A_271 = arith.constant 128 : i32
            %add3A_272 = arith.addi %multiple_of3A, %add3A_271 : i32
            %dma_wait3A_273 = arith.constant 128 : i32
            %dma_wait3A_274 = tpu.memref_slice %arg7[%dma_wait3A_273] : memref<256xi32, #tpu.memory_space<vmem>> -> memref<128xi32, #tpu.memory_space<vmem>>
            %dma_wait3A_275 = tpu.memref_slice %arg4[%add3A_272] : memref<160776xi32, #tpu.memory_space<hbm>> -> memref<128xi32, #tpu.memory_space<hbm>>
            %dma_wait3A_276 = arith.constant 128 : i32
            %dma_wait3A_277 = tpu.memref_slice %arg7[%dma_wait3A_276] : memref<256xi32, #tpu.memory_space<vmem>> -> memref<128xi32, #tpu.memory_space<vmem>>
            %dma_wait3A_278 = tpu.memref_slice %arg4[%add3A_272] : memref<160776xi32, #tpu.memory_space<hbm>> -> memref<128xi32, #tpu.memory_space<hbm>>
            tpu.wait_dma2 semaphore(%arg11 : memref<!tpu.dma_semaphore, #tpu.memory_space<semaphore_mem>>) src(%dma_wait3A_278 : memref<128xi32, #tpu.memory_space<hbm>>) dst(%dma_wait3A_277 : memref<128xi32, #tpu.memory_space<vmem>>)
            %add3A_279 = arith.constant 2 : i32
            %add3A_280 = arith.addi %add3A_215, %add3A_279 : i32
            %mul3A_281 = arith.constant 128 : i32
            %mul3A_282 = arith.muli %add3A_280, %mul3A_281 : i32
            %add3A_283 = arith.addi %multiple_of3A, %mul3A_282 : i32
            %dma_start3A_284 = arith.constant 0 : i32
            %dma_start3A_285 = tpu.memref_slice %arg7[%dma_start3A_284] : memref<256xi32, #tpu.memory_space<vmem>> -> memref<128xi32, #tpu.memory_space<vmem>>
            %dma_start3A_286 = tpu.memref_slice %arg4[%add3A_283] : memref<160776xi32, #tpu.memory_space<hbm>> -> memref<128xi32, #tpu.memory_space<hbm>>
            %dma_start3A_287 = arith.constant 0 : i32
            %dma_start3A_288 = tpu.memref_slice %arg7[%dma_start3A_287] : memref<256xi32, #tpu.memory_space<vmem>> -> memref<128xi32, #tpu.memory_space<vmem>>
            %dma_start3A_289 = tpu.memref_slice %arg4[%add3A_283] : memref<160776xi32, #tpu.memory_space<hbm>> -> memref<128xi32, #tpu.memory_space<hbm>>
            tpu.enqueue_dma source(%dma_start3A_289 : memref<128xi32, #tpu.memory_space<hbm>>) target(%dma_start3A_288 : memref<128xi32, #tpu.memory_space<vmem>>) target_semaphore(%arg10 : memref<!tpu.dma_semaphore, #tpu.memory_space<semaphore_mem>>)
            %dma_start3A_290 = arith.constant 128 : i32
            %dma_start3A_291 = arith.constant 0 : i32
            %dma_start3A_292 = tpu.memref_slice %arg8[%dma_start3A_290, %dma_start3A_291] : memref<256x128xi32, #tpu.memory_space<vmem>> -> memref<128x128xi32, #tpu.memory_space<vmem>>
            %dma_start3A_293 = arith.constant 128 : i32
            %dma_start3A_294 = tpu.memref_slice %arg7[%dma_start3A_293] : memref<256xi32, #tpu.memory_space<vmem>> -> memref<128xi32, #tpu.memory_space<vmem>>
            %dma_start3A_295 = arith.constant 0 : i32
            %dma_start3A_296 = arith.constant 0 : i32
            %dma_start3A_297 = tpu.memref_slice %arg2[%dma_start3A_295, %dma_start3A_296] : memref<10000x128xi32, #tpu.memory_space<hbm>> -> memref<10000x128xi32, #tpu.memory_space<hbm>>
            tpu.enqueue_indirect_dma source(%dma_start3A_297 : memref<10000x128xi32, #tpu.memory_space<hbm>>) target(%dma_start3A_292 : memref<128x128xi32, #tpu.memory_space<vmem>>) offsets(%dma_start3A_294 : memref<128xi32, #tpu.memory_space<vmem>>) semaphore(%arg13 : memref<!tpu.dma_semaphore, #tpu.memory_space<semaphore_mem>>)
          } else {
          }
          %eq3A_258 = arith.constant 1 : i32
          %eq3A_259 = arith.cmpi eq, %and3A_217, %eq3A_258 : i32
          %convert_element_type3A_260 = arith.extui %eq3A_259 : i1 to i32
          %cond3A_261 = arith.constant 0 : i32
          %cond3A_262 = arith.cmpi ne, %convert_element_type3A_260, %cond3A_261 : i32
          scf.if %cond3A_262 {
            %dma_wait3A_263 = arith.constant 128 : i32
            %dma_wait3A_264 = arith.constant 0 : i32
            %dma_wait3A_265 = tpu.memref_slice %arg8[%dma_wait3A_263, %dma_wait3A_264] : memref<256x128xi32, #tpu.memory_space<vmem>> -> memref<128x128xi32, #tpu.memory_space<vmem>>
            %dma_wait3A_266 = arith.constant 128 : i32
            %dma_wait3A_267 = tpu.memref_slice %arg7[%dma_wait3A_266] : memref<256xi32, #tpu.memory_space<vmem>> -> memref<128xi32, #tpu.memory_space<vmem>>
            %dma_wait3A_268 = arith.constant 0 : i32
            %dma_wait3A_269 = arith.constant 0 : i32
            %dma_wait3A_270 = tpu.memref_slice %arg2[%dma_wait3A_268, %dma_wait3A_269] : memref<10000x128xi32, #tpu.memory_space<hbm>> -> memref<10000x128xi32, #tpu.memory_space<hbm>>
            tpu.wait_indirect_dma semaphore(%arg13 : memref<!tpu.dma_semaphore, #tpu.memory_space<semaphore_mem>>) src(%dma_wait3A_270 : memref<10000x128xi32, #tpu.memory_space<hbm>>) dst(%dma_wait3A_265 : memref<128x128xi32, #tpu.memory_space<vmem>>)
            %add3A_271 = arith.constant 0 : i32
            %add3A_272 = arith.addi %multiple_of3A, %add3A_271 : i32
            %dma_wait3A_273 = arith.constant 0 : i32
            %dma_wait3A_274 = tpu.memref_slice %arg7[%dma_wait3A_273] : memref<256xi32, #tpu.memory_space<vmem>> -> memref<128xi32, #tpu.memory_space<vmem>>
            %dma_wait3A_275 = tpu.memref_slice %arg4[%add3A_272] : memref<160776xi32, #tpu.memory_space<hbm>> -> memref<128xi32, #tpu.memory_space<hbm>>
            %dma_wait3A_276 = arith.constant 0 : i32
            %dma_wait3A_277 = tpu.memref_slice %arg7[%dma_wait3A_276] : memref<256xi32, #tpu.memory_space<vmem>> -> memref<128xi32, #tpu.memory_space<vmem>>
            %dma_wait3A_278 = tpu.memref_slice %arg4[%add3A_272] : memref<160776xi32, #tpu.memory_space<hbm>> -> memref<128xi32, #tpu.memory_space<hbm>>
            tpu.wait_dma2 semaphore(%arg10 : memref<!tpu.dma_semaphore, #tpu.memory_space<semaphore_mem>>) src(%dma_wait3A_278 : memref<128xi32, #tpu.memory_space<hbm>>) dst(%dma_wait3A_277 : memref<128xi32, #tpu.memory_space<vmem>>)
            %add3A_279 = arith.constant 2 : i32
            %add3A_280 = arith.addi %add3A_215, %add3A_279 : i32
            %mul3A_281 = arith.constant 128 : i32
            %mul3A_282 = arith.muli %add3A_280, %mul3A_281 : i32
            %add3A_283 = arith.addi %multiple_of3A, %mul3A_282 : i32
            %dma_start3A_284 = arith.constant 128 : i32
            %dma_start3A_285 = tpu.memref_slice %arg7[%dma_start3A_284] : memref<256xi32, #tpu.memory_space<vmem>> -> memref<128xi32, #tpu.memory_space<vmem>>
            %dma_start3A_286 = tpu.memref_slice %arg4[%add3A_283] : memref<160776xi32, #tpu.memory_space<hbm>> -> memref<128xi32, #tpu.memory_space<hbm>>
            %dma_start3A_287 = arith.constant 128 : i32
            %dma_start3A_288 = tpu.memref_slice %arg7[%dma_start3A_287] : memref<256xi32, #tpu.memory_space<vmem>> -> memref<128xi32, #tpu.memory_space<vmem>>
            %dma_start3A_289 = tpu.memref_slice %arg4[%add3A_283] : memref<160776xi32, #tpu.memory_space<hbm>> -> memref<128xi32, #tpu.memory_space<hbm>>
            tpu.enqueue_dma source(%dma_start3A_289 : memref<128xi32, #tpu.memory_space<hbm>>) target(%dma_start3A_288 : memref<128xi32, #tpu.memory_space<vmem>>) target_semaphore(%arg11 : memref<!tpu.dma_semaphore, #tpu.memory_space<semaphore_mem>>)
            %dma_start3A_290 = arith.constant 0 : i32
            %dma_start3A_291 = arith.constant 0 : i32
            %dma_start3A_292 = tpu.memref_slice %arg8[%dma_start3A_290, %dma_start3A_291] : memref<256x128xi32, #tpu.memory_space<vmem>> -> memref<128x128xi32, #tpu.memory_space<vmem>>
            %dma_start3A_293 = arith.constant 0 : i32
            %dma_start3A_294 = tpu.memref_slice %arg7[%dma_start3A_293] : memref<256xi32, #tpu.memory_space<vmem>> -> memref<128xi32, #tpu.memory_space<vmem>>
            %dma_start3A_295 = arith.constant 0 : i32
            %dma_start3A_296 = arith.constant 0 : i32
            %dma_start3A_297 = tpu.memref_slice %arg2[%dma_start3A_295, %dma_start3A_296] : memref<10000x128xi32, #tpu.memory_space<hbm>> -> memref<10000x128xi32, #tpu.memory_space<hbm>>
            tpu.enqueue_indirect_dma source(%dma_start3A_297 : memref<10000x128xi32, #tpu.memory_space<hbm>>) target(%dma_start3A_292 : memref<128x128xi32, #tpu.memory_space<vmem>>) offsets(%dma_start3A_294 : memref<128xi32, #tpu.memory_space<vmem>>) semaphore(%arg12 : memref<!tpu.dma_semaphore, #tpu.memory_space<semaphore_mem>>)
          } else {
          }
        } else {
        }
        %mul3A_221 = arith.constant 128 : i32
        %mul3A_222 = arith.muli %add3A_215, %mul3A_221 : i32
        %add3A_223 = arith.addi %multiple_of3A, %mul3A_222 : i32
        %max3A_224 = arith.maxsi %squeeze3A_58, %add3A_223 : i32
        %add3A_225 = arith.constant 128 : i32
        %add3A_226 = arith.addi %add3A_223, %add3A_225 : i32
        %min3A = arith.minsi %squeeze3A_60, %add3A_226 : i32
        %mul3A_227 = arith.constant 128 : i32
        %mul3A_228 = arith.muli %and3A_217, %mul3A_227 : i32
        %sub3A_229 = arith.subi %mul3A_228, %add3A_223 : i32
        %broadcast_in_dim3A_230 = arith.constant -65536 : i32
        %broadcast_in_dim3A_231 = vector.broadcast %broadcast_in_dim3A_230 : i32 to vector<16xi32>
        %broadcast_in_dim3A_232 = arith.constant 16 : i32
        %broadcast_in_dim3A_233 = vector.broadcast %broadcast_in_dim3A_232 : i32 to vector<16xi32>
        %sub3A_234 = arith.subi %min3A, %max3A_224 : i32
        %sub3A_235 = arith.constant 1 : i32
        %sub3A_236 = arith.constant 1 : i32
        %sub3A_237 = arith.subi %sub3A_235, %sub3A_236 : i32
        %add3A_238 = arith.addi %sub3A_234, %sub3A_237 : i32
        %div3A_239 = arith.constant 1 : i32
        %div3A_240 = arith.divsi %add3A_238, %div3A_239 : i32
        %while3A_241 = arith.constant 1 : i32
        %while3A_242 = arith.constant 0 : i32
        %while3A_243 = arith.subi %div3A_240, %while3A_242 : i32
        %while3A_244 = arith.addi %while3A_242, %while3A_243 : i32
        %while3A_245 = arith.constant 1 : i32
        %while3A_246 = arith.divsi %while3A_243, %while3A_245 : i32
        %while3A_247 = arith.muli %while3A_246, %while3A_245 : i32
        %while3A_248 = arith.addi %while3A_242, %while3A_247 : i32
        %while3A_249 = arith.constant 1 : i32
        %while3A_250:16 = scf.for %while3A_253 = %while3A_242 to %while3A_248 step %while3A_249 iter_args(%while3A_254 = %while3A_198, %while3A_255 = %while3A_199, %while3A_256 = %while3A_200, %while3A_257 = %while3A_201, %while3A_258 = %while3A_202, %while3A_259 = %while3A_203, %while3A_260 = %while3A_204, %while3A_261 = %while3A_205, %while3A_262 = %while3A_206, %while3A_263 = %while3A_207, %while3A_264 = %while3A_208, %while3A_265 = %while3A_209, %while3A_266 = %while3A_210, %while3A_267 = %while3A_211, %while3A_268 = %while3A_212, %while3A_269 = %while3A_213) -> (vector<16xf32>, vector<16xf32>, vector<16xf32>, vector<16xf32>, vector<16xf32>, vector<16xf32>, vector<16xf32>, vector<16xf32>, vector<16xf32>, vector<16xf32>, vector<16xf32>, vector<16xf32>, vector<16xf32>, vector<16xf32>, vector<16xf32>, vector<16xf32>)  : i32 {
          %mul3A_270 = arith.muli %while3A_253, %while3A_241 : i32
          %add3A_271 = arith.addi %max3A_224, %mul3A_270 : i32
          %add3A_272 = arith.addi %add3A_271, %sub3A_229 : i32
          %get3A_273 = arith.index_cast %add3A_272 : i32 to index
          %get3A_274 = arith.constant 0 : index
          %get3A_275 = tpu.vector_load %arg8[%get3A_273, %get3A_274] {strides = array<i32>} : memref<256x128xi32, #tpu.memory_space<vmem>>, vector<1x16xi32>,
          %get3A_276 = vector.shape_cast %get3A_275 : vector<1x16xi32> to vector<16xi32>
          %shift_left3A = arith.shli %get3A_276, %broadcast_in_dim3A_233 : vector<16xi32>
          %bitcast_convert_type3A = tpu.bitcast %shift_left3A : vector<16xi32> -> vector<16xf32>
          %and3A_277 = arith.andi %get3A_276, %broadcast_in_dim3A_231 : vector<16xi32>
          %bitcast_convert_type3A_278 = tpu.bitcast %and3A_277 : vector<16xi32> -> vector<16xf32>
          %add3A_279 = arith.addf %while3A_254, %bitcast_convert_type3A : vector<16xf32>
          %add3A_280 = arith.addf %while3A_255, %bitcast_convert_type3A_278 : vector<16xf32>
          %get3A_281 = arith.index_cast %add3A_272 : i32 to index
          %get3A_282 = arith.constant 16 : index
          %get3A_283 = tpu.vector_load %arg8[%get3A_281, %get3A_282] {strides = array<i32>} : memref<256x128xi32, #tpu.memory_space<vmem>>, vector<1x16xi32>,
          %get3A_284 = vector.shape_cast %get3A_283 : vector<1x16xi32> to vector<16xi32>
          %shift_left3A_285 = arith.shli %get3A_284, %broadcast_in_dim3A_233 : vector<16xi32>
          %bitcast_convert_type3A_286 = tpu.bitcast %shift_left3A_285 : vector<16xi32> -> vector<16xf32>
          %and3A_287 = arith.andi %get3A_284, %broadcast_in_dim3A_231 : vector<16xi32>
          %bitcast_convert_type3A_288 = tpu.bitcast %and3A_287 : vector<16xi32> -> vector<16xf32>
          %add3A_289 = arith.addf %while3A_256, %bitcast_convert_type3A_286 : vector<16xf32>
          %add3A_290 = arith.addf %while3A_257, %bitcast_convert_type3A_288 : vector<16xf32>
          %get3A_291 = arith.index_cast %add3A_272 : i32 to index
          %get3A_292 = arith.constant 32 : index
          %get3A_293 = tpu.vector_load %arg8[%get3A_291, %get3A_292] {strides = array<i32>} : memref<256x128xi32, #tpu.memory_space<vmem>>, vector<1x16xi32>,
          %get3A_294 = vector.shape_cast %get3A_293 : vector<1x16xi32> to vector<16xi32>
          %shift_left3A_295 = arith.shli %get3A_294, %broadcast_in_dim3A_233 : vector<16xi32>
          %bitcast_convert_type3A_296 = tpu.bitcast %shift_left3A_295 : vector<16xi32> -> vector<16xf32>
          %and3A_297 = arith.andi %get3A_294, %broadcast_in_dim3A_231 : vector<16xi32>
          %bitcast_convert_type3A_298 = tpu.bitcast %and3A_297 : vector<16xi32> -> vector<16xf32>
          %add3A_299 = arith.addf %while3A_258, %bitcast_convert_type3A_296 : vector<16xf32>
          %add3A_300 = arith.addf %while3A_259, %bitcast_convert_type3A_298 : vector<16xf32>
          %get3A_301 = arith.index_cast %add3A_272 : i32 to index
          %get3A_302 = arith.constant 48 : index
          %get3A_303 = tpu.vector_load %arg8[%get3A_301, %get3A_302] {strides = array<i32>} : memref<256x128xi32, #tpu.memory_space<vmem>>, vector<1x16xi32>,
          %get3A_304 = vector.shape_cast %get3A_303 : vector<1x16xi32> to vector<16xi32>
          %shift_left3A_305 = arith.shli %get3A_304, %broadcast_in_dim3A_233 : vector<16xi32>
          %bitcast_convert_type3A_306 = tpu.bitcast %shift_left3A_305 : vector<16xi32> -> vector<16xf32>
          %and3A_307 = arith.andi %get3A_304, %broadcast_in_dim3A_231 : vector<16xi32>
          %bitcast_convert_type3A_308 = tpu.bitcast %and3A_307 : vector<16xi32> -> vector<16xf32>
          %add3A_309 = arith.addf %while3A_260, %bitcast_convert_type3A_306 : vector<16xf32>
          %add3A_310 = arith.addf %while3A_261, %bitcast_convert_type3A_308 : vector<16xf32>
          %get3A_311 = arith.index_cast %add3A_272 : i32 to index
          %get3A_312 = arith.constant 64 : index
          %get3A_313 = tpu.vector_load %arg8[%get3A_311, %get3A_312] {strides = array<i32>} : memref<256x128xi32, #tpu.memory_space<vmem>>, vector<1x16xi32>,
          %get3A_314 = vector.shape_cast %get3A_313 : vector<1x16xi32> to vector<16xi32>
          %shift_left3A_315 = arith.shli %get3A_314, %broadcast_in_dim3A_233 : vector<16xi32>
          %bitcast_convert_type3A_316 = tpu.bitcast %shift_left3A_315 : vector<16xi32> -> vector<16xf32>
          %and3A_317 = arith.andi %get3A_314, %broadcast_in_dim3A_231 : vector<16xi32>
          %bitcast_convert_type3A_318 = tpu.bitcast %and3A_317 : vector<16xi32> -> vector<16xf32>
          %add3A_319 = arith.addf %while3A_262, %bitcast_convert_type3A_316 : vector<16xf32>
          %add3A_320 = arith.addf %while3A_263, %bitcast_convert_type3A_318 : vector<16xf32>
          %get3A_321 = arith.index_cast %add3A_272 : i32 to index
          %get3A_322 = arith.constant 80 : index
          %get3A_323 = tpu.vector_load %arg8[%get3A_321, %get3A_322] {strides = array<i32>} : memref<256x128xi32, #tpu.memory_space<vmem>>, vector<1x16xi32>,
          %get3A_324 = vector.shape_cast %get3A_323 : vector<1x16xi32> to vector<16xi32>
          %shift_left3A_325 = arith.shli %get3A_324, %broadcast_in_dim3A_233 : vector<16xi32>
          %bitcast_convert_type3A_326 = tpu.bitcast %shift_left3A_325 : vector<16xi32> -> vector<16xf32>
          %and3A_327 = arith.andi %get3A_324, %broadcast_in_dim3A_231 : vector<16xi32>
          %bitcast_convert_type3A_328 = tpu.bitcast %and3A_327 : vector<16xi32> -> vector<16xf32>
          %add3A_329 = arith.addf %while3A_264, %bitcast_convert_type3A_326 : vector<16xf32>
          %add3A_330 = arith.addf %while3A_265, %bitcast_convert_type3A_328 : vector<16xf32>
          %get3A_331 = arith.index_cast %add3A_272 : i32 to index
          %get3A_332 = arith.constant 96 : index
          %get3A_333 = tpu.vector_load %arg8[%get3A_331, %get3A_332] {strides = array<i32>} : memref<256x128xi32, #tpu.memory_space<vmem>>, vector<1x16xi32>,
          %get3A_334 = vector.shape_cast %get3A_333 : vector<1x16xi32> to vector<16xi32>
          %shift_left3A_335 = arith.shli %get3A_334, %broadcast_in_dim3A_233 : vector<16xi32>
          %bitcast_convert_type3A_336 = tpu.bitcast %shift_left3A_335 : vector<16xi32> -> vector<16xf32>
          %and3A_337 = arith.andi %get3A_334, %broadcast_in_dim3A_231 : vector<16xi32>
          %bitcast_convert_type3A_338 = tpu.bitcast %and3A_337 : vector<16xi32> -> vector<16xf32>
          %add3A_339 = arith.addf %while3A_266, %bitcast_convert_type3A_336 : vector<16xf32>
          %add3A_340 = arith.addf %while3A_267, %bitcast_convert_type3A_338 : vector<16xf32>
          %get3A_341 = arith.index_cast %add3A_272 : i32 to index
          %get3A_342 = arith.constant 112 : index
          %get3A_343 = tpu.vector_load %arg8[%get3A_341, %get3A_342] {strides = array<i32>} : memref<256x128xi32, #tpu.memory_space<vmem>>, vector<1x16xi32>,
          %get3A_344 = vector.shape_cast %get3A_343 : vector<1x16xi32> to vector<16xi32>
          %shift_left3A_345 = arith.shli %get3A_344, %broadcast_in_dim3A_233 : vector<16xi32>
          %bitcast_convert_type3A_346 = tpu.bitcast %shift_left3A_345 : vector<16xi32> -> vector<16xf32>
          %and3A_347 = arith.andi %get3A_344, %broadcast_in_dim3A_231 : vector<16xi32>
          %bitcast_convert_type3A_348 = tpu.bitcast %and3A_347 : vector<16xi32> -> vector<16xf32>
          %add3A_349 = arith.addf %while3A_268, %bitcast_convert_type3A_346 : vector<16xf32>
          %add3A_350 = arith.addf %while3A_269, %bitcast_convert_type3A_348 : vector<16xf32>
          scf.yield %add3A_279, %add3A_280, %add3A_289, %add3A_290, %add3A_299, %add3A_300, %add3A_309, %add3A_310, %add3A_319, %add3A_320, %add3A_329, %add3A_330, %add3A_339, %add3A_340, %add3A_349, %add3A_350 : vector<16xf32>, vector<16xf32>, vector<16xf32>, vector<16xf32>, vector<16xf32>, vector<16xf32>, vector<16xf32>, vector<16xf32>, vector<16xf32>, vector<16xf32>, vector<16xf32>, vector<16xf32>, vector<16xf32>, vector<16xf32>, vector<16xf32>, vector<16xf32>
        }
        %while3A_251 = arith.constant 1 : i32
        %while3A_252:16 = scf.for %while3A_253 = %while3A_248 to %while3A_244 step %while3A_251 iter_args(%while3A_254 = %while3A_250#0, %while3A_255 = %while3A_250#1, %while3A_256 = %while3A_250#2, %while3A_257 = %while3A_250#3, %while3A_258 = %while3A_250#4, %while3A_259 = %while3A_250#5, %while3A_260 = %while3A_250#6, %while3A_261 = %while3A_250#7, %while3A_262 = %while3A_250#8, %while3A_263 = %while3A_250#9, %while3A_264 = %while3A_250#10, %while3A_265 = %while3A_250#11, %while3A_266 = %while3A_250#12, %while3A_267 = %while3A_250#13, %while3A_268 = %while3A_250#14, %while3A_269 = %while3A_250#15) -> (vector<16xf32>, vector<16xf32>, vector<16xf32>, vector<16xf32>, vector<16xf32>, vector<16xf32>, vector<16xf32>, vector<16xf32>, vector<16xf32>, vector<16xf32>, vector<16xf32>, vector<16xf32>, vector<16xf32>, vector<16xf32>, vector<16xf32>, vector<16xf32>)  : i32 {
          %mul3A_270 = arith.muli %while3A_253, %while3A_241 : i32
          %add3A_271 = arith.addi %max3A_224, %mul3A_270 : i32
          %add3A_272 = arith.addi %add3A_271, %sub3A_229 : i32
          %get3A_273 = arith.index_cast %add3A_272 : i32 to index
          %get3A_274 = arith.constant 0 : index
          %get3A_275 = tpu.vector_load %arg8[%get3A_273, %get3A_274] {strides = array<i32>} : memref<256x128xi32, #tpu.memory_space<vmem>>, vector<1x16xi32>,
          %get3A_276 = vector.shape_cast %get3A_275 : vector<1x16xi32> to vector<16xi32>
          %shift_left3A = arith.shli %get3A_276, %broadcast_in_dim3A_233 : vector<16xi32>
          %bitcast_convert_type3A = tpu.bitcast %shift_left3A : vector<16xi32> -> vector<16xf32>
          %and3A_277 = arith.andi %get3A_276, %broadcast_in_dim3A_231 : vector<16xi32>
          %bitcast_convert_type3A_278 = tpu.bitcast %and3A_277 : vector<16xi32> -> vector<16xf32>
          %add3A_279 = arith.addf %while3A_254, %bitcast_convert_type3A : vector<16xf32>
          %add3A_280 = arith.addf %while3A_255, %bitcast_convert_type3A_278 : vector<16xf32>
          %get3A_281 = arith.index_cast %add3A_272 : i32 to index
          %get3A_282 = arith.constant 16 : index
          %get3A_283 = tpu.vector_load %arg8[%get3A_281, %get3A_282] {strides = array<i32>} : memref<256x128xi32, #tpu.memory_space<vmem>>, vector<1x16xi32>,
          %get3A_284 = vector.shape_cast %get3A_283 : vector<1x16xi32> to vector<16xi32>
          %shift_left3A_285 = arith.shli %get3A_284, %broadcast_in_dim3A_233 : vector<16xi32>
          %bitcast_convert_type3A_286 = tpu.bitcast %shift_left3A_285 : vector<16xi32> -> vector<16xf32>
          %and3A_287 = arith.andi %get3A_284, %broadcast_in_dim3A_231 : vector<16xi32>
          %bitcast_convert_type3A_288 = tpu.bitcast %and3A_287 : vector<16xi32> -> vector<16xf32>
          %add3A_289 = arith.addf %while3A_256, %bitcast_convert_type3A_286 : vector<16xf32>
          %add3A_290 = arith.addf %while3A_257, %bitcast_convert_type3A_288 : vector<16xf32>
          %get3A_291 = arith.index_cast %add3A_272 : i32 to index
          %get3A_292 = arith.constant 32 : index
          %get3A_293 = tpu.vector_load %arg8[%get3A_291, %get3A_292] {strides = array<i32>} : memref<256x128xi32, #tpu.memory_space<vmem>>, vector<1x16xi32>,
          %get3A_294 = vector.shape_cast %get3A_293 : vector<1x16xi32> to vector<16xi32>
          %shift_left3A_295 = arith.shli %get3A_294, %broadcast_in_dim3A_233 : vector<16xi32>
          %bitcast_convert_type3A_296 = tpu.bitcast %shift_left3A_295 : vector<16xi32> -> vector<16xf32>
          %and3A_297 = arith.andi %get3A_294, %broadcast_in_dim3A_231 : vector<16xi32>
          %bitcast_convert_type3A_298 = tpu.bitcast %and3A_297 : vector<16xi32> -> vector<16xf32>
          %add3A_299 = arith.addf %while3A_258, %bitcast_convert_type3A_296 : vector<16xf32>
          %add3A_300 = arith.addf %while3A_259, %bitcast_convert_type3A_298 : vector<16xf32>
          %get3A_301 = arith.index_cast %add3A_272 : i32 to index
          %get3A_302 = arith.constant 48 : index
          %get3A_303 = tpu.vector_load %arg8[%get3A_301, %get3A_302] {strides = array<i32>} : memref<256x128xi32, #tpu.memory_space<vmem>>, vector<1x16xi32>,
          %get3A_304 = vector.shape_cast %get3A_303 : vector<1x16xi32> to vector<16xi32>
          %shift_left3A_305 = arith.shli %get3A_304, %broadcast_in_dim3A_233 : vector<16xi32>
          %bitcast_convert_type3A_306 = tpu.bitcast %shift_left3A_305 : vector<16xi32> -> vector<16xf32>
          %and3A_307 = arith.andi %get3A_304, %broadcast_in_dim3A_231 : vector<16xi32>
          %bitcast_convert_type3A_308 = tpu.bitcast %and3A_307 : vector<16xi32> -> vector<16xf32>
          %add3A_309 = arith.addf %while3A_260, %bitcast_convert_type3A_306 : vector<16xf32>
          %add3A_310 = arith.addf %while3A_261, %bitcast_convert_type3A_308 : vector<16xf32>
          %get3A_311 = arith.index_cast %add3A_272 : i32 to index
          %get3A_312 = arith.constant 64 : index
          %get3A_313 = tpu.vector_load %arg8[%get3A_311, %get3A_312] {strides = array<i32>} : memref<256x128xi32, #tpu.memory_space<vmem>>, vector<1x16xi32>,
          %get3A_314 = vector.shape_cast %get3A_313 : vector<1x16xi32> to vector<16xi32>
          %shift_left3A_315 = arith.shli %get3A_314, %broadcast_in_dim3A_233 : vector<16xi32>
          %bitcast_convert_type3A_316 = tpu.bitcast %shift_left3A_315 : vector<16xi32> -> vector<16xf32>
          %and3A_317 = arith.andi %get3A_314, %broadcast_in_dim3A_231 : vector<16xi32>
          %bitcast_convert_type3A_318 = tpu.bitcast %and3A_317 : vector<16xi32> -> vector<16xf32>
          %add3A_319 = arith.addf %while3A_262, %bitcast_convert_type3A_316 : vector<16xf32>
          %add3A_320 = arith.addf %while3A_263, %bitcast_convert_type3A_318 : vector<16xf32>
          %get3A_321 = arith.index_cast %add3A_272 : i32 to index
          %get3A_322 = arith.constant 80 : index
          %get3A_323 = tpu.vector_load %arg8[%get3A_321, %get3A_322] {strides = array<i32>} : memref<256x128xi32, #tpu.memory_space<vmem>>, vector<1x16xi32>,
          %get3A_324 = vector.shape_cast %get3A_323 : vector<1x16xi32> to vector<16xi32>
          %shift_left3A_325 = arith.shli %get3A_324, %broadcast_in_dim3A_233 : vector<16xi32>
          %bitcast_convert_type3A_326 = tpu.bitcast %shift_left3A_325 : vector<16xi32> -> vector<16xf32>
          %and3A_327 = arith.andi %get3A_324, %broadcast_in_dim3A_231 : vector<16xi32>
          %bitcast_convert_type3A_328 = tpu.bitcast %and3A_327 : vector<16xi32> -> vector<16xf32>
          %add3A_329 = arith.addf %while3A_264, %bitcast_convert_type3A_326 : vector<16xf32>
          %add3A_330 = arith.addf %while3A_265, %bitcast_convert_type3A_328 : vector<16xf32>
          %get3A_331 = arith.index_cast %add3A_272 : i32 to index
          %get3A_332 = arith.constant 96 : index
          %get3A_333 = tpu.vector_load %arg8[%get3A_331, %get3A_332] {strides = array<i32>} : memref<256x128xi32, #tpu.memory_space<vmem>>, vector<1x16xi32>,
          %get3A_334 = vector.shape_cast %get3A_333 : vector<1x16xi32> to vector<16xi32>
          %shift_left3A_335 = arith.shli %get3A_334, %broadcast_in_dim3A_233 : vector<16xi32>
          %bitcast_convert_type3A_336 = tpu.bitcast %shift_left3A_335 : vector<16xi32> -> vector<16xf32>
          %and3A_337 = arith.andi %get3A_334, %broadcast_in_dim3A_231 : vector<16xi32>
          %bitcast_convert_type3A_338 = tpu.bitcast %and3A_337 : vector<16xi32> -> vector<16xf32>
          %add3A_339 = arith.addf %while3A_266, %bitcast_convert_type3A_336 : vector<16xf32>
          %add3A_340 = arith.addf %while3A_267, %bitcast_convert_type3A_338 : vector<16xf32>
          %get3A_341 = arith.index_cast %add3A_272 : i32 to index
          %get3A_342 = arith.constant 112 : index
          %get3A_343 = tpu.vector_load %arg8[%get3A_341, %get3A_342] {strides = array<i32>} : memref<256x128xi32, #tpu.memory_space<vmem>>, vector<1x16xi32>,
          %get3A_344 = vector.shape_cast %get3A_343 : vector<1x16xi32> to vector<16xi32>
          %shift_left3A_345 = arith.shli %get3A_344, %broadcast_in_dim3A_233 : vector<16xi32>
          %bitcast_convert_type3A_346 = tpu.bitcast %shift_left3A_345 : vector<16xi32> -> vector<16xf32>
          %and3A_347 = arith.andi %get3A_344, %broadcast_in_dim3A_231 : vector<16xi32>
          %bitcast_convert_type3A_348 = tpu.bitcast %and3A_347 : vector<16xi32> -> vector<16xf32>
          %add3A_349 = arith.addf %while3A_268, %bitcast_convert_type3A_346 : vector<16xf32>
          %add3A_350 = arith.addf %while3A_269, %bitcast_convert_type3A_348 : vector<16xf32>
          scf.yield %add3A_279, %add3A_280, %add3A_289, %add3A_290, %add3A_299, %add3A_300, %add3A_309, %add3A_310, %add3A_319, %add3A_320, %add3A_329, %add3A_330, %add3A_339, %add3A_340, %add3A_349, %add3A_350 : vector<16xf32>, vector<16xf32>, vector<16xf32>, vector<16xf32>, vector<16xf32>, vector<16xf32>, vector<16xf32>, vector<16xf32>, vector<16xf32>, vector<16xf32>, vector<16xf32>, vector<16xf32>, vector<16xf32>, vector<16xf32>, vector<16xf32>, vector<16xf32>
        }
        scf.yield %add3A_215, %while3A_252#0, %while3A_252#1, %while3A_252#2, %while3A_252#3, %while3A_252#4, %while3A_252#5, %while3A_252#6, %while3A_252#7, %while3A_252#8, %while3A_252#9, %while3A_252#10, %while3A_252#11, %while3A_252#12, %while3A_252#13, %while3A_252#14, %while3A_252#15 : i32, vector<16xf32>, vector<16xf32>, vector<16xf32>, vector<16xf32>, vector<16xf32>, vector<16xf32>, vector<16xf32>, vector<16xf32>, vector<16xf32>, vector<16xf32>, vector<16xf32>, vector<16xf32>, vector<16xf32>, vector<16xf32>, vector<16xf32>, vector<16xf32>
      }
      %while3A_85 = arith.constant 1 : i32
      %while3A_86:17 = scf.for %while3A_196 = %while3A_82 to %while3A_78 step %while3A_85 iter_args(%while3A_197 = %while3A_84#0, %while3A_198 = %while3A_84#1, %while3A_199 = %while3A_84#2, %while3A_200 = %while3A_84#3, %while3A_201 = %while3A_84#4, %while3A_202 = %while3A_84#5, %while3A_203 = %while3A_84#6, %while3A_204 = %while3A_84#7, %while3A_205 = %while3A_84#8, %while3A_206 = %while3A_84#9, %while3A_207 = %while3A_84#10, %while3A_208 = %while3A_84#11, %while3A_209 = %while3A_84#12, %while3A_210 = %while3A_84#13, %while3A_211 = %while3A_84#14, %while3A_212 = %while3A_84#15, %while3A_213 = %while3A_84#16) -> (i32, vector<16xf32>, vector<16xf32>, vector<16xf32>, vector<16xf32>, vector<16xf32>, vector<16xf32>, vector<16xf32>, vector<16xf32>, vector<16xf32>, vector<16xf32>, vector<16xf32>, vector<16xf32>, vector<16xf32>, vector<16xf32>, vector<16xf32>, vector<16xf32>)  : i32 {
        %mul3A_214 = arith.muli %while3A_196, %while3A : i32
        %add3A_215 = arith.addi %shift_right_logical3A_62, %mul3A_214 : i32
        %and3A_216 = arith.constant 1 : i32
        %and3A_217 = arith.andi %add3A_215, %and3A_216 : i32
        %ne3A = arith.cmpi ne, %add3A_215, %while3A_197 : i32
        %convert_element_type3A_218 = arith.extui %ne3A : i1 to i32
        %cond3A_219 = arith.constant 0 : i32
        %cond3A_220 = arith.cmpi ne, %convert_element_type3A_218, %cond3A_219 : i32
        scf.if %cond3A_220 {
          %eq3A_253 = arith.constant 0 : i32
          %eq3A_254 = arith.cmpi eq, %and3A_217, %eq3A_253 : i32
          %convert_element_type3A_255 = arith.extui %eq3A_254 : i1 to i32
          %cond3A_256 = arith.constant 0 : i32
          %cond3A_257 = arith.cmpi ne, %convert_element_type3A_255, %cond3A_256 : i32
          scf.if %cond3A_257 {
            %dma_wait3A_263 = arith.constant 0 : i32
            %dma_wait3A_264 = arith.constant 0 : i32
            %dma_wait3A_265 = tpu.memref_slice %arg8[%dma_wait3A_263, %dma_wait3A_264] : memref<256x128xi32, #tpu.memory_space<vmem>> -> memref<128x128xi32, #tpu.memory_space<vmem>>
            %dma_wait3A_266 = arith.constant 0 : i32
            %dma_wait3A_267 = tpu.memref_slice %arg7[%dma_wait3A_266] : memref<256xi32, #tpu.memory_space<vmem>> -> memref<128xi32, #tpu.memory_space<vmem>>
            %dma_wait3A_268 = arith.constant 0 : i32
            %dma_wait3A_269 = arith.constant 0 : i32
            %dma_wait3A_270 = tpu.memref_slice %arg2[%dma_wait3A_268, %dma_wait3A_269] : memref<10000x128xi32, #tpu.memory_space<hbm>> -> memref<10000x128xi32, #tpu.memory_space<hbm>>
            tpu.wait_indirect_dma semaphore(%arg12 : memref<!tpu.dma_semaphore, #tpu.memory_space<semaphore_mem>>) src(%dma_wait3A_270 : memref<10000x128xi32, #tpu.memory_space<hbm>>) dst(%dma_wait3A_265 : memref<128x128xi32, #tpu.memory_space<vmem>>)
            %add3A_271 = arith.constant 128 : i32
            %add3A_272 = arith.addi %multiple_of3A, %add3A_271 : i32
            %dma_wait3A_273 = arith.constant 128 : i32
            %dma_wait3A_274 = tpu.memref_slice %arg7[%dma_wait3A_273] : memref<256xi32, #tpu.memory_space<vmem>> -> memref<128xi32, #tpu.memory_space<vmem>>
            %dma_wait3A_275 = tpu.memref_slice %arg4[%add3A_272] : memref<160776xi32, #tpu.memory_space<hbm>> -> memref<128xi32, #tpu.memory_space<hbm>>
            %dma_wait3A_276 = arith.constant 128 : i32
            %dma_wait3A_277 = tpu.memref_slice %arg7[%dma_wait3A_276] : memref<256xi32, #tpu.memory_space<vmem>> -> memref<128xi32, #tpu.memory_space<vmem>>
            %dma_wait3A_278 = tpu.memref_slice %arg4[%add3A_272] : memref<160776xi32, #tpu.memory_space<hbm>> -> memref<128xi32, #tpu.memory_space<hbm>>
            tpu.wait_dma2 semaphore(%arg11 : memref<!tpu.dma_semaphore, #tpu.memory_space<semaphore_mem>>) src(%dma_wait3A_278 : memref<128xi32, #tpu.memory_space<hbm>>) dst(%dma_wait3A_277 : memref<128xi32, #tpu.memory_space<vmem>>)
            %add3A_279 = arith.constant 2 : i32
            %add3A_280 = arith.addi %add3A_215, %add3A_279 : i32
            %mul3A_281 = arith.constant 128 : i32
            %mul3A_282 = arith.muli %add3A_280, %mul3A_281 : i32
            %add3A_283 = arith.addi %multiple_of3A, %mul3A_282 : i32
            %dma_start3A_284 = arith.constant 0 : i32
            %dma_start3A_285 = tpu.memref_slice %arg7[%dma_start3A_284] : memref<256xi32, #tpu.memory_space<vmem>> -> memref<128xi32, #tpu.memory_space<vmem>>
            %dma_start3A_286 = tpu.memref_slice %arg4[%add3A_283] : memref<160776xi32, #tpu.memory_space<hbm>> -> memref<128xi32, #tpu.memory_space<hbm>>
            %dma_start3A_287 = arith.constant 0 : i32
            %dma_start3A_288 = tpu.memref_slice %arg7[%dma_start3A_287] : memref<256xi32, #tpu.memory_space<vmem>> -> memref<128xi32, #tpu.memory_space<vmem>>
            %dma_start3A_289 = tpu.memref_slice %arg4[%add3A_283] : memref<160776xi32, #tpu.memory_space<hbm>> -> memref<128xi32, #tpu.memory_space<hbm>>
            tpu.enqueue_dma source(%dma_start3A_289 : memref<128xi32, #tpu.memory_space<hbm>>) target(%dma_start3A_288 : memref<128xi32, #tpu.memory_space<vmem>>) target_semaphore(%arg10 : memref<!tpu.dma_semaphore, #tpu.memory_space<semaphore_mem>>)
            %dma_start3A_290 = arith.constant 128 : i32
            %dma_start3A_291 = arith.constant 0 : i32
            %dma_start3A_292 = tpu.memref_slice %arg8[%dma_start3A_290, %dma_start3A_291] : memref<256x128xi32, #tpu.memory_space<vmem>> -> memref<128x128xi32, #tpu.memory_space<vmem>>
            %dma_start3A_293 = arith.constant 128 : i32
            %dma_start3A_294 = tpu.memref_slice %arg7[%dma_start3A_293] : memref<256xi32, #tpu.memory_space<vmem>> -> memref<128xi32, #tpu.memory_space<vmem>>
            %dma_start3A_295 = arith.constant 0 : i32
            %dma_start3A_296 = arith.constant 0 : i32
            %dma_start3A_297 = tpu.memref_slice %arg2[%dma_start3A_295, %dma_start3A_296] : memref<10000x128xi32, #tpu.memory_space<hbm>> -> memref<10000x128xi32, #tpu.memory_space<hbm>>
            tpu.enqueue_indirect_dma source(%dma_start3A_297 : memref<10000x128xi32, #tpu.memory_space<hbm>>) target(%dma_start3A_292 : memref<128x128xi32, #tpu.memory_space<vmem>>) offsets(%dma_start3A_294 : memref<128xi32, #tpu.memory_space<vmem>>) semaphore(%arg13 : memref<!tpu.dma_semaphore, #tpu.memory_space<semaphore_mem>>)
          } else {
          }
          %eq3A_258 = arith.constant 1 : i32
          %eq3A_259 = arith.cmpi eq, %and3A_217, %eq3A_258 : i32
          %convert_element_type3A_260 = arith.extui %eq3A_259 : i1 to i32
          %cond3A_261 = arith.constant 0 : i32
          %cond3A_262 = arith.cmpi ne, %convert_element_type3A_260, %cond3A_261 : i32
          scf.if %cond3A_262 {
            %dma_wait3A_263 = arith.constant 128 : i32
            %dma_wait3A_264 = arith.constant 0 : i32
            %dma_wait3A_265 = tpu.memref_slice %arg8[%dma_wait3A_263, %dma_wait3A_264] : memref<256x128xi32, #tpu.memory_space<vmem>> -> memref<128x128xi32, #tpu.memory_space<vmem>>
            %dma_wait3A_266 = arith.constant 128 : i32
            %dma_wait3A_267 = tpu.memref_slice %arg7[%dma_wait3A_266] : memref<256xi32, #tpu.memory_space<vmem>> -> memref<128xi32, #tpu.memory_space<vmem>>
            %dma_wait3A_268 = arith.constant 0 : i32
            %dma_wait3A_269 = arith.constant 0 : i32
            %dma_wait3A_270 = tpu.memref_slice %arg2[%dma_wait3A_268, %dma_wait3A_269] : memref<10000x128xi32, #tpu.memory_space<hbm>> -> memref<10000x128xi32, #tpu.memory_space<hbm>>
            tpu.wait_indirect_dma semaphore(%arg13 : memref<!tpu.dma_semaphore, #tpu.memory_space<semaphore_mem>>) src(%dma_wait3A_270 : memref<10000x128xi32, #tpu.memory_space<hbm>>) dst(%dma_wait3A_265 : memref<128x128xi32, #tpu.memory_space<vmem>>)
            %add3A_271 = arith.constant 0 : i32
            %add3A_272 = arith.addi %multiple_of3A, %add3A_271 : i32
            %dma_wait3A_273 = arith.constant 0 : i32
            %dma_wait3A_274 = tpu.memref_slice %arg7[%dma_wait3A_273] : memref<256xi32, #tpu.memory_space<vmem>> -> memref<128xi32, #tpu.memory_space<vmem>>
            %dma_wait3A_275 = tpu.memref_slice %arg4[%add3A_272] : memref<160776xi32, #tpu.memory_space<hbm>> -> memref<128xi32, #tpu.memory_space<hbm>>
            %dma_wait3A_276 = arith.constant 0 : i32
            %dma_wait3A_277 = tpu.memref_slice %arg7[%dma_wait3A_276] : memref<256xi32, #tpu.memory_space<vmem>> -> memref<128xi32, #tpu.memory_space<vmem>>
            %dma_wait3A_278 = tpu.memref_slice %arg4[%add3A_272] : memref<160776xi32, #tpu.memory_space<hbm>> -> memref<128xi32, #tpu.memory_space<hbm>>
            tpu.wait_dma2 semaphore(%arg10 : memref<!tpu.dma_semaphore, #tpu.memory_space<semaphore_mem>>) src(%dma_wait3A_278 : memref<128xi32, #tpu.memory_space<hbm>>) dst(%dma_wait3A_277 : memref<128xi32, #tpu.memory_space<vmem>>)
            %add3A_279 = arith.constant 2 : i32
            %add3A_280 = arith.addi %add3A_215, %add3A_279 : i32
            %mul3A_281 = arith.constant 128 : i32
            %mul3A_282 = arith.muli %add3A_280, %mul3A_281 : i32
            %add3A_283 = arith.addi %multiple_of3A, %mul3A_282 : i32
            %dma_start3A_284 = arith.constant 128 : i32
            %dma_start3A_285 = tpu.memref_slice %arg7[%dma_start3A_284] : memref<256xi32, #tpu.memory_space<vmem>> -> memref<128xi32, #tpu.memory_space<vmem>>
            %dma_start3A_286 = tpu.memref_slice %arg4[%add3A_283] : memref<160776xi32, #tpu.memory_space<hbm>> -> memref<128xi32, #tpu.memory_space<hbm>>
            %dma_start3A_287 = arith.constant 128 : i32
            %dma_start3A_288 = tpu.memref_slice %arg7[%dma_start3A_287] : memref<256xi32, #tpu.memory_space<vmem>> -> memref<128xi32, #tpu.memory_space<vmem>>
            %dma_start3A_289 = tpu.memref_slice %arg4[%add3A_283] : memref<160776xi32, #tpu.memory_space<hbm>> -> memref<128xi32, #tpu.memory_space<hbm>>
            tpu.enqueue_dma source(%dma_start3A_289 : memref<128xi32, #tpu.memory_space<hbm>>) target(%dma_start3A_288 : memref<128xi32, #tpu.memory_space<vmem>>) target_semaphore(%arg11 : memref<!tpu.dma_semaphore, #tpu.memory_space<semaphore_mem>>)
            %dma_start3A_290 = arith.constant 0 : i32
            %dma_start3A_291 = arith.constant 0 : i32
            %dma_start3A_292 = tpu.memref_slice %arg8[%dma_start3A_290, %dma_start3A_291] : memref<256x128xi32, #tpu.memory_space<vmem>> -> memref<128x128xi32, #tpu.memory_space<vmem>>
            %dma_start3A_293 = arith.constant 0 : i32
            %dma_start3A_294 = tpu.memref_slice %arg7[%dma_start3A_293] : memref<256xi32, #tpu.memory_space<vmem>> -> memref<128xi32, #tpu.memory_space<vmem>>
            %dma_start3A_295 = arith.constant 0 : i32
            %dma_start3A_296 = arith.constant 0 : i32
            %dma_start3A_297 = tpu.memref_slice %arg2[%dma_start3A_295, %dma_start3A_296] : memref<10000x128xi32, #tpu.memory_space<hbm>> -> memref<10000x128xi32, #tpu.memory_space<hbm>>
            tpu.enqueue_indirect_dma source(%dma_start3A_297 : memref<10000x128xi32, #tpu.memory_space<hbm>>) target(%dma_start3A_292 : memref<128x128xi32, #tpu.memory_space<vmem>>) offsets(%dma_start3A_294 : memref<128xi32, #tpu.memory_space<vmem>>) semaphore(%arg12 : memref<!tpu.dma_semaphore, #tpu.memory_space<semaphore_mem>>)
          } else {
          }
        } else {
        }
        %mul3A_221 = arith.constant 128 : i32
        %mul3A_222 = arith.muli %add3A_215, %mul3A_221 : i32
        %add3A_223 = arith.addi %multiple_of3A, %mul3A_222 : i32
        %max3A_224 = arith.maxsi %squeeze3A_58, %add3A_223 : i32
        %add3A_225 = arith.constant 128 : i32
        %add3A_226 = arith.addi %add3A_223, %add3A_225 : i32
        %min3A = arith.minsi %squeeze3A_60, %add3A_226 : i32
        %mul3A_227 = arith.constant 128 : i32
        %mul3A_228 = arith.muli %and3A_217, %mul3A_227 : i32
        %sub3A_229 = arith.subi %mul3A_228, %add3A_223 : i32
        %broadcast_in_dim3A_230 = arith.constant -65536 : i32
        %broadcast_in_dim3A_231 = vector.broadcast %broadcast_in_dim3A_230 : i32 to vector<16xi32>
        %broadcast_in_dim3A_232 = arith.constant 16 : i32
        %broadcast_in_dim3A_233 = vector.broadcast %broadcast_in_dim3A_232 : i32 to vector<16xi32>
        %sub3A_234 = arith.subi %min3A, %max3A_224 : i32
        %sub3A_235 = arith.constant 1 : i32
        %sub3A_236 = arith.constant 1 : i32
        %sub3A_237 = arith.subi %sub3A_235, %sub3A_236 : i32
        %add3A_238 = arith.addi %sub3A_234, %sub3A_237 : i32
        %div3A_239 = arith.constant 1 : i32
        %div3A_240 = arith.divsi %add3A_238, %div3A_239 : i32
        %while3A_241 = arith.constant 1 : i32
        %while3A_242 = arith.constant 0 : i32
        %while3A_243 = arith.subi %div3A_240, %while3A_242 : i32
        %while3A_244 = arith.addi %while3A_242, %while3A_243 : i32
        %while3A_245 = arith.constant 1 : i32
        %while3A_246 = arith.divsi %while3A_243, %while3A_245 : i32
        %while3A_247 = arith.muli %while3A_246, %while3A_245 : i32
        %while3A_248 = arith.addi %while3A_242, %while3A_247 : i32
        %while3A_249 = arith.constant 1 : i32
        %while3A_250:16 = scf.for %while3A_253 = %while3A_242 to %while3A_248 step %while3A_249 iter_args(%while3A_254 = %while3A_198, %while3A_255 = %while3A_199, %while3A_256 = %while3A_200, %while3A_257 = %while3A_201, %while3A_258 = %while3A_202, %while3A_259 = %while3A_203, %while3A_260 = %while3A_204, %while3A_261 = %while3A_205, %while3A_262 = %while3A_206, %while3A_263 = %while3A_207, %while3A_264 = %while3A_208, %while3A_265 = %while3A_209, %while3A_266 = %while3A_210, %while3A_267 = %while3A_211, %while3A_268 = %while3A_212, %while3A_269 = %while3A_213) -> (vector<16xf32>, vector<16xf32>, vector<16xf32>, vector<16xf32>, vector<16xf32>, vector<16xf32>, vector<16xf32>, vector<16xf32>, vector<16xf32>, vector<16xf32>, vector<16xf32>, vector<16xf32>, vector<16xf32>, vector<16xf32>, vector<16xf32>, vector<16xf32>)  : i32 {
          %mul3A_270 = arith.muli %while3A_253, %while3A_241 : i32
          %add3A_271 = arith.addi %max3A_224, %mul3A_270 : i32
          %add3A_272 = arith.addi %add3A_271, %sub3A_229 : i32
          %get3A_273 = arith.index_cast %add3A_272 : i32 to index
          %get3A_274 = arith.constant 0 : index
          %get3A_275 = tpu.vector_load %arg8[%get3A_273, %get3A_274] {strides = array<i32>} : memref<256x128xi32, #tpu.memory_space<vmem>>, vector<1x16xi32>,
          %get3A_276 = vector.shape_cast %get3A_275 : vector<1x16xi32> to vector<16xi32>
          %shift_left3A = arith.shli %get3A_276, %broadcast_in_dim3A_233 : vector<16xi32>
          %bitcast_convert_type3A = tpu.bitcast %shift_left3A : vector<16xi32> -> vector<16xf32>
          %and3A_277 = arith.andi %get3A_276, %broadcast_in_dim3A_231 : vector<16xi32>
          %bitcast_convert_type3A_278 = tpu.bitcast %and3A_277 : vector<16xi32> -> vector<16xf32>
          %add3A_279 = arith.addf %while3A_254, %bitcast_convert_type3A : vector<16xf32>
          %add3A_280 = arith.addf %while3A_255, %bitcast_convert_type3A_278 : vector<16xf32>
          %get3A_281 = arith.index_cast %add3A_272 : i32 to index
          %get3A_282 = arith.constant 16 : index
          %get3A_283 = tpu.vector_load %arg8[%get3A_281, %get3A_282] {strides = array<i32>} : memref<256x128xi32, #tpu.memory_space<vmem>>, vector<1x16xi32>,
          %get3A_284 = vector.shape_cast %get3A_283 : vector<1x16xi32> to vector<16xi32>
          %shift_left3A_285 = arith.shli %get3A_284, %broadcast_in_dim3A_233 : vector<16xi32>
          %bitcast_convert_type3A_286 = tpu.bitcast %shift_left3A_285 : vector<16xi32> -> vector<16xf32>
          %and3A_287 = arith.andi %get3A_284, %broadcast_in_dim3A_231 : vector<16xi32>
          %bitcast_convert_type3A_288 = tpu.bitcast %and3A_287 : vector<16xi32> -> vector<16xf32>
          %add3A_289 = arith.addf %while3A_256, %bitcast_convert_type3A_286 : vector<16xf32>
          %add3A_290 = arith.addf %while3A_257, %bitcast_convert_type3A_288 : vector<16xf32>
          %get3A_291 = arith.index_cast %add3A_272 : i32 to index
          %get3A_292 = arith.constant 32 : index
          %get3A_293 = tpu.vector_load %arg8[%get3A_291, %get3A_292] {strides = array<i32>} : memref<256x128xi32, #tpu.memory_space<vmem>>, vector<1x16xi32>,
          %get3A_294 = vector.shape_cast %get3A_293 : vector<1x16xi32> to vector<16xi32>
          %shift_left3A_295 = arith.shli %get3A_294, %broadcast_in_dim3A_233 : vector<16xi32>
          %bitcast_convert_type3A_296 = tpu.bitcast %shift_left3A_295 : vector<16xi32> -> vector<16xf32>
          %and3A_297 = arith.andi %get3A_294, %broadcast_in_dim3A_231 : vector<16xi32>
          %bitcast_convert_type3A_298 = tpu.bitcast %and3A_297 : vector<16xi32> -> vector<16xf32>
          %add3A_299 = arith.addf %while3A_258, %bitcast_convert_type3A_296 : vector<16xf32>
          %add3A_300 = arith.addf %while3A_259, %bitcast_convert_type3A_298 : vector<16xf32>
          %get3A_301 = arith.index_cast %add3A_272 : i32 to index
          %get3A_302 = arith.constant 48 : index
          %get3A_303 = tpu.vector_load %arg8[%get3A_301, %get3A_302] {strides = array<i32>} : memref<256x128xi32, #tpu.memory_space<vmem>>, vector<1x16xi32>,
          %get3A_304 = vector.shape_cast %get3A_303 : vector<1x16xi32> to vector<16xi32>
          %shift_left3A_305 = arith.shli %get3A_304, %broadcast_in_dim3A_233 : vector<16xi32>
          %bitcast_convert_type3A_306 = tpu.bitcast %shift_left3A_305 : vector<16xi32> -> vector<16xf32>
          %and3A_307 = arith.andi %get3A_304, %broadcast_in_dim3A_231 : vector<16xi32>
          %bitcast_convert_type3A_308 = tpu.bitcast %and3A_307 : vector<16xi32> -> vector<16xf32>
          %add3A_309 = arith.addf %while3A_260, %bitcast_convert_type3A_306 : vector<16xf32>
          %add3A_310 = arith.addf %while3A_261, %bitcast_convert_type3A_308 : vector<16xf32>
          %get3A_311 = arith.index_cast %add3A_272 : i32 to index
          %get3A_312 = arith.constant 64 : index
          %get3A_313 = tpu.vector_load %arg8[%get3A_311, %get3A_312] {strides = array<i32>} : memref<256x128xi32, #tpu.memory_space<vmem>>, vector<1x16xi32>,
          %get3A_314 = vector.shape_cast %get3A_313 : vector<1x16xi32> to vector<16xi32>
          %shift_left3A_315 = arith.shli %get3A_314, %broadcast_in_dim3A_233 : vector<16xi32>
          %bitcast_convert_type3A_316 = tpu.bitcast %shift_left3A_315 : vector<16xi32> -> vector<16xf32>
          %and3A_317 = arith.andi %get3A_314, %broadcast_in_dim3A_231 : vector<16xi32>
          %bitcast_convert_type3A_318 = tpu.bitcast %and3A_317 : vector<16xi32> -> vector<16xf32>
          %add3A_319 = arith.addf %while3A_262, %bitcast_convert_type3A_316 : vector<16xf32>
          %add3A_320 = arith.addf %while3A_263, %bitcast_convert_type3A_318 : vector<16xf32>
          %get3A_321 = arith.index_cast %add3A_272 : i32 to index
          %get3A_322 = arith.constant 80 : index
          %get3A_323 = tpu.vector_load %arg8[%get3A_321, %get3A_322] {strides = array<i32>} : memref<256x128xi32, #tpu.memory_space<vmem>>, vector<1x16xi32>,
          %get3A_324 = vector.shape_cast %get3A_323 : vector<1x16xi32> to vector<16xi32>
          %shift_left3A_325 = arith.shli %get3A_324, %broadcast_in_dim3A_233 : vector<16xi32>
          %bitcast_convert_type3A_326 = tpu.bitcast %shift_left3A_325 : vector<16xi32> -> vector<16xf32>
          %and3A_327 = arith.andi %get3A_324, %broadcast_in_dim3A_231 : vector<16xi32>
          %bitcast_convert_type3A_328 = tpu.bitcast %and3A_327 : vector<16xi32> -> vector<16xf32>
          %add3A_329 = arith.addf %while3A_264, %bitcast_convert_type3A_326 : vector<16xf32>
          %add3A_330 = arith.addf %while3A_265, %bitcast_convert_type3A_328 : vector<16xf32>
          %get3A_331 = arith.index_cast %add3A_272 : i32 to index
          %get3A_332 = arith.constant 96 : index
          %get3A_333 = tpu.vector_load %arg8[%get3A_331, %get3A_332] {strides = array<i32>} : memref<256x128xi32, #tpu.memory_space<vmem>>, vector<1x16xi32>,
          %get3A_334 = vector.shape_cast %get3A_333 : vector<1x16xi32> to vector<16xi32>
          %shift_left3A_335 = arith.shli %get3A_334, %broadcast_in_dim3A_233 : vector<16xi32>
          %bitcast_convert_type3A_336 = tpu.bitcast %shift_left3A_335 : vector<16xi32> -> vector<16xf32>
          %and3A_337 = arith.andi %get3A_334, %broadcast_in_dim3A_231 : vector<16xi32>
          %bitcast_convert_type3A_338 = tpu.bitcast %and3A_337 : vector<16xi32> -> vector<16xf32>
          %add3A_339 = arith.addf %while3A_266, %bitcast_convert_type3A_336 : vector<16xf32>
          %add3A_340 = arith.addf %while3A_267, %bitcast_convert_type3A_338 : vector<16xf32>
          %get3A_341 = arith.index_cast %add3A_272 : i32 to index
          %get3A_342 = arith.constant 112 : index
          %get3A_343 = tpu.vector_load %arg8[%get3A_341, %get3A_342] {strides = array<i32>} : memref<256x128xi32, #tpu.memory_space<vmem>>, vector<1x16xi32>,
          %get3A_344 = vector.shape_cast %get3A_343 : vector<1x16xi32> to vector<16xi32>
          %shift_left3A_345 = arith.shli %get3A_344, %broadcast_in_dim3A_233 : vector<16xi32>
          %bitcast_convert_type3A_346 = tpu.bitcast %shift_left3A_345 : vector<16xi32> -> vector<16xf32>
          %and3A_347 = arith.andi %get3A_344, %broadcast_in_dim3A_231 : vector<16xi32>
          %bitcast_convert_type3A_348 = tpu.bitcast %and3A_347 : vector<16xi32> -> vector<16xf32>
          %add3A_349 = arith.addf %while3A_268, %bitcast_convert_type3A_346 : vector<16xf32>
          %add3A_350 = arith.addf %while3A_269, %bitcast_convert_type3A_348 : vector<16xf32>
          scf.yield %add3A_279, %add3A_280, %add3A_289, %add3A_290, %add3A_299, %add3A_300, %add3A_309, %add3A_310, %add3A_319, %add3A_320, %add3A_329, %add3A_330, %add3A_339, %add3A_340, %add3A_349, %add3A_350 : vector<16xf32>, vector<16xf32>, vector<16xf32>, vector<16xf32>, vector<16xf32>, vector<16xf32>, vector<16xf32>, vector<16xf32>, vector<16xf32>, vector<16xf32>, vector<16xf32>, vector<16xf32>, vector<16xf32>, vector<16xf32>, vector<16xf32>, vector<16xf32>
        }
        %while3A_251 = arith.constant 1 : i32
        %while3A_252:16 = scf.for %while3A_253 = %while3A_248 to %while3A_244 step %while3A_251 iter_args(%while3A_254 = %while3A_250#0, %while3A_255 = %while3A_250#1, %while3A_256 = %while3A_250#2, %while3A_257 = %while3A_250#3, %while3A_258 = %while3A_250#4, %while3A_259 = %while3A_250#5, %while3A_260 = %while3A_250#6, %while3A_261 = %while3A_250#7, %while3A_262 = %while3A_250#8, %while3A_263 = %while3A_250#9, %while3A_264 = %while3A_250#10, %while3A_265 = %while3A_250#11, %while3A_266 = %while3A_250#12, %while3A_267 = %while3A_250#13, %while3A_268 = %while3A_250#14, %while3A_269 = %while3A_250#15) -> (vector<16xf32>, vector<16xf32>, vector<16xf32>, vector<16xf32>, vector<16xf32>, vector<16xf32>, vector<16xf32>, vector<16xf32>, vector<16xf32>, vector<16xf32>, vector<16xf32>, vector<16xf32>, vector<16xf32>, vector<16xf32>, vector<16xf32>, vector<16xf32>)  : i32 {
          %mul3A_270 = arith.muli %while3A_253, %while3A_241 : i32
          %add3A_271 = arith.addi %max3A_224, %mul3A_270 : i32
          %add3A_272 = arith.addi %add3A_271, %sub3A_229 : i32
          %get3A_273 = arith.index_cast %add3A_272 : i32 to index
          %get3A_274 = arith.constant 0 : index
          %get3A_275 = tpu.vector_load %arg8[%get3A_273, %get3A_274] {strides = array<i32>} : memref<256x128xi32, #tpu.memory_space<vmem>>, vector<1x16xi32>,
          %get3A_276 = vector.shape_cast %get3A_275 : vector<1x16xi32> to vector<16xi32>
          %shift_left3A = arith.shli %get3A_276, %broadcast_in_dim3A_233 : vector<16xi32>
          %bitcast_convert_type3A = tpu.bitcast %shift_left3A : vector<16xi32> -> vector<16xf32>
          %and3A_277 = arith.andi %get3A_276, %broadcast_in_dim3A_231 : vector<16xi32>
          %bitcast_convert_type3A_278 = tpu.bitcast %and3A_277 : vector<16xi32> -> vector<16xf32>
          %add3A_279 = arith.addf %while3A_254, %bitcast_convert_type3A : vector<16xf32>
          %add3A_280 = arith.addf %while3A_255, %bitcast_convert_type3A_278 : vector<16xf32>
          %get3A_281 = arith.index_cast %add3A_272 : i32 to index
          %get3A_282 = arith.constant 16 : index
          %get3A_283 = tpu.vector_load %arg8[%get3A_281, %get3A_282] {strides = array<i32>} : memref<256x128xi32, #tpu.memory_space<vmem>>, vector<1x16xi32>,
          %get3A_284 = vector.shape_cast %get3A_283 : vector<1x16xi32> to vector<16xi32>
          %shift_left3A_285 = arith.shli %get3A_284, %broadcast_in_dim3A_233 : vector<16xi32>
          %bitcast_convert_type3A_286 = tpu.bitcast %shift_left3A_285 : vector<16xi32> -> vector<16xf32>
          %and3A_287 = arith.andi %get3A_284, %broadcast_in_dim3A_231 : vector<16xi32>
          %bitcast_convert_type3A_288 = tpu.bitcast %and3A_287 : vector<16xi32> -> vector<16xf32>
          %add3A_289 = arith.addf %while3A_256, %bitcast_convert_type3A_286 : vector<16xf32>
          %add3A_290 = arith.addf %while3A_257, %bitcast_convert_type3A_288 : vector<16xf32>
          %get3A_291 = arith.index_cast %add3A_272 : i32 to index
          %get3A_292 = arith.constant 32 : index
          %get3A_293 = tpu.vector_load %arg8[%get3A_291, %get3A_292] {strides = array<i32>} : memref<256x128xi32, #tpu.memory_space<vmem>>, vector<1x16xi32>,
          %get3A_294 = vector.shape_cast %get3A_293 : vector<1x16xi32> to vector<16xi32>
          %shift_left3A_295 = arith.shli %get3A_294, %broadcast_in_dim3A_233 : vector<16xi32>
          %bitcast_convert_type3A_296 = tpu.bitcast %shift_left3A_295 : vector<16xi32> -> vector<16xf32>
          %and3A_297 = arith.andi %get3A_294, %broadcast_in_dim3A_231 : vector<16xi32>
          %bitcast_convert_type3A_298 = tpu.bitcast %and3A_297 : vector<16xi32> -> vector<16xf32>
          %add3A_299 = arith.addf %while3A_258, %bitcast_convert_type3A_296 : vector<16xf32>
          %add3A_300 = arith.addf %while3A_259, %bitcast_convert_type3A_298 : vector<16xf32>
          %get3A_301 = arith.index_cast %add3A_272 : i32 to index
          %get3A_302 = arith.constant 48 : index
          %get3A_303 = tpu.vector_load %arg8[%get3A_301, %get3A_302] {strides = array<i32>} : memref<256x128xi32, #tpu.memory_space<vmem>>, vector<1x16xi32>,
          %get3A_304 = vector.shape_cast %get3A_303 : vector<1x16xi32> to vector<16xi32>
          %shift_left3A_305 = arith.shli %get3A_304, %broadcast_in_dim3A_233 : vector<16xi32>
          %bitcast_convert_type3A_306 = tpu.bitcast %shift_left3A_305 : vector<16xi32> -> vector<16xf32>
          %and3A_307 = arith.andi %get3A_304, %broadcast_in_dim3A_231 : vector<16xi32>
          %bitcast_convert_type3A_308 = tpu.bitcast %and3A_307 : vector<16xi32> -> vector<16xf32>
          %add3A_309 = arith.addf %while3A_260, %bitcast_convert_type3A_306 : vector<16xf32>
          %add3A_310 = arith.addf %while3A_261, %bitcast_convert_type3A_308 : vector<16xf32>
          %get3A_311 = arith.index_cast %add3A_272 : i32 to index
          %get3A_312 = arith.constant 64 : index
          %get3A_313 = tpu.vector_load %arg8[%get3A_311, %get3A_312] {strides = array<i32>} : memref<256x128xi32, #tpu.memory_space<vmem>>, vector<1x16xi32>,
          %get3A_314 = vector.shape_cast %get3A_313 : vector<1x16xi32> to vector<16xi32>
          %shift_left3A_315 = arith.shli %get3A_314, %broadcast_in_dim3A_233 : vector<16xi32>
          %bitcast_convert_type3A_316 = tpu.bitcast %shift_left3A_315 : vector<16xi32> -> vector<16xf32>
          %and3A_317 = arith.andi %get3A_314, %broadcast_in_dim3A_231 : vector<16xi32>
          %bitcast_convert_type3A_318 = tpu.bitcast %and3A_317 : vector<16xi32> -> vector<16xf32>
          %add3A_319 = arith.addf %while3A_262, %bitcast_convert_type3A_316 : vector<16xf32>
          %add3A_320 = arith.addf %while3A_263, %bitcast_convert_type3A_318 : vector<16xf32>
          %get3A_321 = arith.index_cast %add3A_272 : i32 to index
          %get3A_322 = arith.constant 80 : index
          %get3A_323 = tpu.vector_load %arg8[%get3A_321, %get3A_322] {strides = array<i32>} : memref<256x128xi32, #tpu.memory_space<vmem>>, vector<1x16xi32>,
          %get3A_324 = vector.shape_cast %get3A_323 : vector<1x16xi32> to vector<16xi32>
          %shift_left3A_325 = arith.shli %get3A_324, %broadcast_in_dim3A_233 : vector<16xi32>
          %bitcast_convert_type3A_326 = tpu.bitcast %shift_left3A_325 : vector<16xi32> -> vector<16xf32>
          %and3A_327 = arith.andi %get3A_324, %broadcast_in_dim3A_231 : vector<16xi32>
          %bitcast_convert_type3A_328 = tpu.bitcast %and3A_327 : vector<16xi32> -> vector<16xf32>
          %add3A_329 = arith.addf %while3A_264, %bitcast_convert_type3A_326 : vector<16xf32>
          %add3A_330 = arith.addf %while3A_265, %bitcast_convert_type3A_328 : vector<16xf32>
          %get3A_331 = arith.index_cast %add3A_272 : i32 to index
          %get3A_332 = arith.constant 96 : index
          %get3A_333 = tpu.vector_load %arg8[%get3A_331, %get3A_332] {strides = array<i32>} : memref<256x128xi32, #tpu.memory_space<vmem>>, vector<1x16xi32>,
          %get3A_334 = vector.shape_cast %get3A_333 : vector<1x16xi32> to vector<16xi32>
          %shift_left3A_335 = arith.shli %get3A_334, %broadcast_in_dim3A_233 : vector<16xi32>
          %bitcast_convert_type3A_336 = tpu.bitcast %shift_left3A_335 : vector<16xi32> -> vector<16xf32>
          %and3A_337 = arith.andi %get3A_334, %broadcast_in_dim3A_231 : vector<16xi32>
          %bitcast_convert_type3A_338 = tpu.bitcast %and3A_337 : vector<16xi32> -> vector<16xf32>
          %add3A_339 = arith.addf %while3A_266, %bitcast_convert_type3A_336 : vector<16xf32>
          %add3A_340 = arith.addf %while3A_267, %bitcast_convert_type3A_338 : vector<16xf32>
          %get3A_341 = arith.index_cast %add3A_272 : i32 to index
          %get3A_342 = arith.constant 112 : index
          %get3A_343 = tpu.vector_load %arg8[%get3A_341, %get3A_342] {strides = array<i32>} : memref<256x128xi32, #tpu.memory_space<vmem>>, vector<1x16xi32>,
          %get3A_344 = vector.shape_cast %get3A_343 : vector<1x16xi32> to vector<16xi32>
          %shift_left3A_345 = arith.shli %get3A_344, %broadcast_in_dim3A_233 : vector<16xi32>
          %bitcast_convert_type3A_346 = tpu.bitcast %shift_left3A_345 : vector<16xi32> -> vector<16xf32>
          %and3A_347 = arith.andi %get3A_344, %broadcast_in_dim3A_231 : vector<16xi32>
          %bitcast_convert_type3A_348 = tpu.bitcast %and3A_347 : vector<16xi32> -> vector<16xf32>
          %add3A_349 = arith.addf %while3A_268, %bitcast_convert_type3A_346 : vector<16xf32>
          %add3A_350 = arith.addf %while3A_269, %bitcast_convert_type3A_348 : vector<16xf32>
          scf.yield %add3A_279, %add3A_280, %add3A_289, %add3A_290, %add3A_299, %add3A_300, %add3A_309, %add3A_310, %add3A_319, %add3A_320, %add3A_329, %add3A_330, %add3A_339, %add3A_340, %add3A_349, %add3A_350 : vector<16xf32>, vector<16xf32>, vector<16xf32>, vector<16xf32>, vector<16xf32>, vector<16xf32>, vector<16xf32>, vector<16xf32>, vector<16xf32>, vector<16xf32>, vector<16xf32>, vector<16xf32>, vector<16xf32>, vector<16xf32>, vector<16xf32>, vector<16xf32>
        }
        scf.yield %add3A_215, %while3A_252#0, %while3A_252#1, %while3A_252#2, %while3A_252#3, %while3A_252#4, %while3A_252#5, %while3A_252#6, %while3A_252#7, %while3A_252#8, %while3A_252#9, %while3A_252#10, %while3A_252#11, %while3A_252#12, %while3A_252#13, %while3A_252#14, %while3A_252#15 : i32, vector<16xf32>, vector<16xf32>, vector<16xf32>, vector<16xf32>, vector<16xf32>, vector<16xf32>, vector<16xf32>, vector<16xf32>, vector<16xf32>, vector<16xf32>, vector<16xf32>, vector<16xf32>, vector<16xf32>, vector<16xf32>, vector<16xf32>, vector<16xf32>
      }
      %sub3A_87 = arith.subi %squeeze3A_60, %squeeze3A_58 : i32
      %max3A = arith.constant 1 : i32
      %max3A_88 = arith.maxsi %sub3A_87, %max3A : i32
      %broadcast_in_dim3A_89 = vector.broadcast %max3A_88 : i32 to vector<16xi32>
      %convert_element_type3A_90 = arith.sitofp %broadcast_in_dim3A_89 : vector<16xi32> to vector<16xf32>
      %broadcast_in_dim3A_91 = arith.constant 1.000000e+00 : f32
      %broadcast_in_dim3A_92 = vector.broadcast %broadcast_in_dim3A_91 : f32 to vector<16xf32>
      %div3A_93 = arith.divf %broadcast_in_dim3A_92, %convert_element_type3A_90 : vector<16xf32>
      %and3A_94 = arith.constant 63 : i32
      %and3A_95 = arith.andi %scan3A_52, %and3A_94 : i32
      %mul3A_96 = arith.mulf %while3A_86#1, %div3A_93 : vector<16xf32>
      %swap3A = arith.index_cast %and3A_95 : i32 to index
      %swap3A_97 = arith.constant 0 : index
      %swap3A_98 = tpu.vector_load %arg9[%swap3A, %swap3A_97] {strides = array<i32>} : memref<64x256xf32, #tpu.memory_space<vmem>>, vector<1x16xf32>,
      %swap3A_99 = vector.shape_cast %swap3A_98 : vector<1x16xf32> to vector<16xf32>
      %swap3A_100 = vector.shape_cast %mul3A_96 : vector<16xf32> to vector<1x16xf32>
      tpu.vector_store %arg9[%swap3A, %swap3A_97], %swap3A_100 {strides = array<i32>} : memref<64x256xf32, #tpu.memory_space<vmem>>, vector<1x16xf32>,
      %mul3A_101 = arith.mulf %while3A_86#2, %div3A_93 : vector<16xf32>
      %swap3A_102 = arith.index_cast %and3A_95 : i32 to index
      %swap3A_103 = arith.constant 16 : index
      %swap3A_104 = tpu.vector_load %arg9[%swap3A_102, %swap3A_103] {strides = array<i32>} : memref<64x256xf32, #tpu.memory_space<vmem>>, vector<1x16xf32>,
      %swap3A_105 = vector.shape_cast %swap3A_104 : vector<1x16xf32> to vector<16xf32>
      %swap3A_106 = vector.shape_cast %mul3A_101 : vector<16xf32> to vector<1x16xf32>
      tpu.vector_store %arg9[%swap3A_102, %swap3A_103], %swap3A_106 {strides = array<i32>} : memref<64x256xf32, #tpu.memory_space<vmem>>, vector<1x16xf32>,
      %mul3A_107 = arith.mulf %while3A_86#3, %div3A_93 : vector<16xf32>
      %swap3A_108 = arith.index_cast %and3A_95 : i32 to index
      %swap3A_109 = arith.constant 32 : index
      %swap3A_110 = tpu.vector_load %arg9[%swap3A_108, %swap3A_109] {strides = array<i32>} : memref<64x256xf32, #tpu.memory_space<vmem>>, vector<1x16xf32>,
      %swap3A_111 = vector.shape_cast %swap3A_110 : vector<1x16xf32> to vector<16xf32>
      %swap3A_112 = vector.shape_cast %mul3A_107 : vector<16xf32> to vector<1x16xf32>
      tpu.vector_store %arg9[%swap3A_108, %swap3A_109], %swap3A_112 {strides = array<i32>} : memref<64x256xf32, #tpu.memory_space<vmem>>, vector<1x16xf32>,
      %mul3A_113 = arith.mulf %while3A_86#4, %div3A_93 : vector<16xf32>
      %swap3A_114 = arith.index_cast %and3A_95 : i32 to index
      %swap3A_115 = arith.constant 48 : index
      %swap3A_116 = tpu.vector_load %arg9[%swap3A_114, %swap3A_115] {strides = array<i32>} : memref<64x256xf32, #tpu.memory_space<vmem>>, vector<1x16xf32>,
      %swap3A_117 = vector.shape_cast %swap3A_116 : vector<1x16xf32> to vector<16xf32>
      %swap3A_118 = vector.shape_cast %mul3A_113 : vector<16xf32> to vector<1x16xf32>
      tpu.vector_store %arg9[%swap3A_114, %swap3A_115], %swap3A_118 {strides = array<i32>} : memref<64x256xf32, #tpu.memory_space<vmem>>, vector<1x16xf32>,
      %mul3A_119 = arith.mulf %while3A_86#5, %div3A_93 : vector<16xf32>
      %swap3A_120 = arith.index_cast %and3A_95 : i32 to index
      %swap3A_121 = arith.constant 64 : index
      %swap3A_122 = tpu.vector_load %arg9[%swap3A_120, %swap3A_121] {strides = array<i32>} : memref<64x256xf32, #tpu.memory_space<vmem>>, vector<1x16xf32>,
      %swap3A_123 = vector.shape_cast %swap3A_122 : vector<1x16xf32> to vector<16xf32>
      %swap3A_124 = vector.shape_cast %mul3A_119 : vector<16xf32> to vector<1x16xf32>
      tpu.vector_store %arg9[%swap3A_120, %swap3A_121], %swap3A_124 {strides = array<i32>} : memref<64x256xf32, #tpu.memory_space<vmem>>, vector<1x16xf32>,
      %mul3A_125 = arith.mulf %while3A_86#6, %div3A_93 : vector<16xf32>
      %swap3A_126 = arith.index_cast %and3A_95 : i32 to index
      %swap3A_127 = arith.constant 80 : index
      %swap3A_128 = tpu.vector_load %arg9[%swap3A_126, %swap3A_127] {strides = array<i32>} : memref<64x256xf32, #tpu.memory_space<vmem>>, vector<1x16xf32>,
      %swap3A_129 = vector.shape_cast %swap3A_128 : vector<1x16xf32> to vector<16xf32>
      %swap3A_130 = vector.shape_cast %mul3A_125 : vector<16xf32> to vector<1x16xf32>
      tpu.vector_store %arg9[%swap3A_126, %swap3A_127], %swap3A_130 {strides = array<i32>} : memref<64x256xf32, #tpu.memory_space<vmem>>, vector<1x16xf32>,
      %mul3A_131 = arith.mulf %while3A_86#7, %div3A_93 : vector<16xf32>
      %swap3A_132 = arith.index_cast %and3A_95 : i32 to index
      %swap3A_133 = arith.constant 96 : index
      %swap3A_134 = tpu.vector_load %arg9[%swap3A_132, %swap3A_133] {strides = array<i32>} : memref<64x256xf32, #tpu.memory_space<vmem>>, vector<1x16xf32>,
      %swap3A_135 = vector.shape_cast %swap3A_134 : vector<1x16xf32> to vector<16xf32>
      %swap3A_136 = vector.shape_cast %mul3A_131 : vector<16xf32> to vector<1x16xf32>
      tpu.vector_store %arg9[%swap3A_132, %swap3A_133], %swap3A_136 {strides = array<i32>} : memref<64x256xf32, #tpu.memory_space<vmem>>, vector<1x16xf32>,
      %mul3A_137 = arith.mulf %while3A_86#8, %div3A_93 : vector<16xf32>
      %swap3A_138 = arith.index_cast %and3A_95 : i32 to index
      %swap3A_139 = arith.constant 112 : index
      %swap3A_140 = tpu.vector_load %arg9[%swap3A_138, %swap3A_139] {strides = array<i32>} : memref<64x256xf32, #tpu.memory_space<vmem>>, vector<1x16xf32>,
      %swap3A_141 = vector.shape_cast %swap3A_140 : vector<1x16xf32> to vector<16xf32>
      %swap3A_142 = vector.shape_cast %mul3A_137 : vector<16xf32> to vector<1x16xf32>
      tpu.vector_store %arg9[%swap3A_138, %swap3A_139], %swap3A_142 {strides = array<i32>} : memref<64x256xf32, #tpu.memory_space<vmem>>, vector<1x16xf32>,
      %mul3A_143 = arith.mulf %while3A_86#9, %div3A_93 : vector<16xf32>
      %swap3A_144 = arith.index_cast %and3A_95 : i32 to index
      %swap3A_145 = arith.constant 128 : index
      %swap3A_146 = tpu.vector_load %arg9[%swap3A_144, %swap3A_145] {strides = array<i32>} : memref<64x256xf32, #tpu.memory_space<vmem>>, vector<1x16xf32>,
      %swap3A_147 = vector.shape_cast %swap3A_146 : vector<1x16xf32> to vector<16xf32>
      %swap3A_148 = vector.shape_cast %mul3A_143 : vector<16xf32> to vector<1x16xf32>
      tpu.vector_store %arg9[%swap3A_144, %swap3A_145], %swap3A_148 {strides = array<i32>} : memref<64x256xf32, #tpu.memory_space<vmem>>, vector<1x16xf32>,
      %mul3A_149 = arith.mulf %while3A_86#10, %div3A_93 : vector<16xf32>
      %swap3A_150 = arith.index_cast %and3A_95 : i32 to index
      %swap3A_151 = arith.constant 144 : index
      %swap3A_152 = tpu.vector_load %arg9[%swap3A_150, %swap3A_151] {strides = array<i32>} : memref<64x256xf32, #tpu.memory_space<vmem>>, vector<1x16xf32>,
      %swap3A_153 = vector.shape_cast %swap3A_152 : vector<1x16xf32> to vector<16xf32>
      %swap3A_154 = vector.shape_cast %mul3A_149 : vector<16xf32> to vector<1x16xf32>
      tpu.vector_store %arg9[%swap3A_150, %swap3A_151], %swap3A_154 {strides = array<i32>} : memref<64x256xf32, #tpu.memory_space<vmem>>, vector<1x16xf32>,
      %mul3A_155 = arith.mulf %while3A_86#11, %div3A_93 : vector<16xf32>
      %swap3A_156 = arith.index_cast %and3A_95 : i32 to index
      %swap3A_157 = arith.constant 160 : index
      %swap3A_158 = tpu.vector_load %arg9[%swap3A_156, %swap3A_157] {strides = array<i32>} : memref<64x256xf32, #tpu.memory_space<vmem>>, vector<1x16xf32>,
      %swap3A_159 = vector.shape_cast %swap3A_158 : vector<1x16xf32> to vector<16xf32>
      %swap3A_160 = vector.shape_cast %mul3A_155 : vector<16xf32> to vector<1x16xf32>
      tpu.vector_store %arg9[%swap3A_156, %swap3A_157], %swap3A_160 {strides = array<i32>} : memref<64x256xf32, #tpu.memory_space<vmem>>, vector<1x16xf32>,
      %mul3A_161 = arith.mulf %while3A_86#12, %div3A_93 : vector<16xf32>
      %swap3A_162 = arith.index_cast %and3A_95 : i32 to index
      %swap3A_163 = arith.constant 176 : index
      %swap3A_164 = tpu.vector_load %arg9[%swap3A_162, %swap3A_163] {strides = array<i32>} : memref<64x256xf32, #tpu.memory_space<vmem>>, vector<1x16xf32>,
      %swap3A_165 = vector.shape_cast %swap3A_164 : vector<1x16xf32> to vector<16xf32>
      %swap3A_166 = vector.shape_cast %mul3A_161 : vector<16xf32> to vector<1x16xf32>
      tpu.vector_store %arg9[%swap3A_162, %swap3A_163], %swap3A_166 {strides = array<i32>} : memref<64x256xf32, #tpu.memory_space<vmem>>, vector<1x16xf32>,
      %mul3A_167 = arith.mulf %while3A_86#13, %div3A_93 : vector<16xf32>
      %swap3A_168 = arith.index_cast %and3A_95 : i32 to index
      %swap3A_169 = arith.constant 192 : index
      %swap3A_170 = tpu.vector_load %arg9[%swap3A_168, %swap3A_169] {strides = array<i32>} : memref<64x256xf32, #tpu.memory_space<vmem>>, vector<1x16xf32>,
      %swap3A_171 = vector.shape_cast %swap3A_170 : vector<1x16xf32> to vector<16xf32>
      %swap3A_172 = vector.shape_cast %mul3A_167 : vector<16xf32> to vector<1x16xf32>
      tpu.vector_store %arg9[%swap3A_168, %swap3A_169], %swap3A_172 {strides = array<i32>} : memref<64x256xf32, #tpu.memory_space<vmem>>, vector<1x16xf32>,
      %mul3A_173 = arith.mulf %while3A_86#14, %div3A_93 : vector<16xf32>
      %swap3A_174 = arith.index_cast %and3A_95 : i32 to index
      %swap3A_175 = arith.constant 208 : index
      %swap3A_176 = tpu.vector_load %arg9[%swap3A_174, %swap3A_175] {strides = array<i32>} : memref<64x256xf32, #tpu.memory_space<vmem>>, vector<1x16xf32>,
      %swap3A_177 = vector.shape_cast %swap3A_176 : vector<1x16xf32> to vector<16xf32>
      %swap3A_178 = vector.shape_cast %mul3A_173 : vector<16xf32> to vector<1x16xf32>
      tpu.vector_store %arg9[%swap3A_174, %swap3A_175], %swap3A_178 {strides = array<i32>} : memref<64x256xf32, #tpu.memory_space<vmem>>, vector<1x16xf32>,
      %mul3A_179 = arith.mulf %while3A_86#15, %div3A_93 : vector<16xf32>
      %swap3A_180 = arith.index_cast %and3A_95 : i32 to index
      %swap3A_181 = arith.constant 224 : index
      %swap3A_182 = tpu.vector_load %arg9[%swap3A_180, %swap3A_181] {strides = array<i32>} : memref<64x256xf32, #tpu.memory_space<vmem>>, vector<1x16xf32>,
      %swap3A_183 = vector.shape_cast %swap3A_182 : vector<1x16xf32> to vector<16xf32>
      %swap3A_184 = vector.shape_cast %mul3A_179 : vector<16xf32> to vector<1x16xf32>
      tpu.vector_store %arg9[%swap3A_180, %swap3A_181], %swap3A_184 {strides = array<i32>} : memref<64x256xf32, #tpu.memory_space<vmem>>, vector<1x16xf32>,
      %mul3A_185 = arith.mulf %while3A_86#16, %div3A_93 : vector<16xf32>
      %swap3A_186 = arith.index_cast %and3A_95 : i32 to index
      %swap3A_187 = arith.constant 240 : index
      %swap3A_188 = tpu.vector_load %arg9[%swap3A_186, %swap3A_187] {strides = array<i32>} : memref<64x256xf32, #tpu.memory_space<vmem>>, vector<1x16xf32>,
      %swap3A_189 = vector.shape_cast %swap3A_188 : vector<1x16xf32> to vector<16xf32>
      %swap3A_190 = vector.shape_cast %mul3A_185 : vector<16xf32> to vector<1x16xf32>
      tpu.vector_store %arg9[%swap3A_186, %swap3A_187], %swap3A_190 {strides = array<i32>} : memref<64x256xf32, #tpu.memory_space<vmem>>, vector<1x16xf32>,
      %eq3A_191 = arith.constant 63 : i32
      %eq3A_192 = arith.cmpi eq, %and3A_95, %eq3A_191 : i32
      %convert_element_type3A_193 = arith.extui %eq3A_192 : i1 to i32
      %cond3A_194 = arith.constant 0 : i32
      %cond3A_195 = arith.cmpi ne, %convert_element_type3A_193, %cond3A_194 : i32
      scf.if %cond3A_195 {
        %add3A_196 = arith.addi %mul3A_2, %scan3A_52 : i32
        %sub3A_197 = arith.constant 63 : i32
        %sub3A_198 = arith.subi %add3A_196, %sub3A_197 : i32
        %multiple_of3A_199 = tpu.assume_multiple %sub3A_198, 64 : i32
        "tpu.region"() ({
          %run_scoped3A = tpu.sem_alloc : memref<!tpu.dma_semaphore, #tpu.memory_space<semaphore_mem>>
          %dma_start3A_200 = arith.constant 0 : i32
          %dma_start3A_201 = tpu.memref_slice %arg5[%multiple_of3A_199, %dma_start3A_200] : memref<10240x256xf32, #tpu.memory_space<hbm>> -> memref<64x256xf32, #tpu.memory_space<hbm>>
          %dma_start3A_202 = arith.constant 0 : i32
          %dma_start3A_203 = tpu.memref_slice %arg5[%multiple_of3A_199, %dma_start3A_202] : memref<10240x256xf32, #tpu.memory_space<hbm>> -> memref<64x256xf32, #tpu.memory_space<hbm>>
          tpu.enqueue_dma source(%arg9 : memref<64x256xf32, #tpu.memory_space<vmem>>) target(%dma_start3A_203 : memref<64x256xf32, #tpu.memory_space<hbm>>) target_semaphore(%run_scoped3A : memref<!tpu.dma_semaphore, #tpu.memory_space<semaphore_mem>>)
          %dma_wait3A_204 = arith.constant 0 : i32
          %dma_wait3A_205 = tpu.memref_slice %arg5[%multiple_of3A_199, %dma_wait3A_204] : memref<10240x256xf32, #tpu.memory_space<hbm>> -> memref<64x256xf32, #tpu.memory_space<hbm>>
          %dma_wait3A_206 = arith.constant 0 : i32
          %dma_wait3A_207 = tpu.memref_slice %arg5[%multiple_of3A_199, %dma_wait3A_206] : memref<10240x256xf32, #tpu.memory_space<hbm>> -> memref<64x256xf32, #tpu.memory_space<hbm>>
          tpu.wait_dma2 semaphore(%run_scoped3A : memref<!tpu.dma_semaphore, #tpu.memory_space<semaphore_mem>>) src(%arg9 : memref<64x256xf32, #tpu.memory_space<vmem>>) dst(%dma_wait3A_207 : memref<64x256xf32, #tpu.memory_space<hbm>>)
          tpu.yield
        }) : () -> ()
      } else {
      }
      scf.yield %while3A_86#0 : i32
    }
    %scan3A_42 = arith.constant 320 : i32
    %and3A_43 = arith.constant 1 : i32
    %and3A_44 = arith.andi %scan3A_41, %and3A_43 : i32
    %eq3A = arith.constant 0 : i32
    %eq3A_45 = arith.cmpi eq, %and3A_44, %eq3A : i32
    %convert_element_type3A = arith.extui %eq3A_45 : i1 to i32
    %cond3A = arith.constant 0 : i32
    %cond3A_46 = arith.cmpi ne, %convert_element_type3A, %cond3A : i32
    scf.if %cond3A_46 {
      %add3A_52 = arith.constant 2 : i32
      %add3A_53 = arith.addi %scan3A_41, %add3A_52 : i32
      %mul3A_54 = arith.constant 128 : i32
      %mul3A_55 = arith.muli %add3A_53, %mul3A_54 : i32
      %add3A_56 = arith.addi %multiple_of3A, %mul3A_55 : i32
      %dma_wait3A_57 = arith.constant 0 : i32
      %dma_wait3A_58 = tpu.memref_slice %arg7[%dma_wait3A_57] : memref<256xi32, #tpu.memory_space<vmem>> -> memref<128xi32, #tpu.memory_space<vmem>>
      %dma_wait3A_59 = tpu.memref_slice %arg4[%add3A_56] : memref<160776xi32, #tpu.memory_space<hbm>> -> memref<128xi32, #tpu.memory_space<hbm>>
      %dma_wait3A_60 = arith.constant 0 : i32
      %dma_wait3A_61 = tpu.memref_slice %arg7[%dma_wait3A_60] : memref<256xi32, #tpu.memory_space<vmem>> -> memref<128xi32, #tpu.memory_space<vmem>>
      %dma_wait3A_62 = tpu.memref_slice %arg4[%add3A_56] : memref<160776xi32, #tpu.memory_space<hbm>> -> memref<128xi32, #tpu.memory_space<hbm>>
      tpu.wait_dma2 semaphore(%arg10 : memref<!tpu.dma_semaphore, #tpu.memory_space<semaphore_mem>>) src(%dma_wait3A_62 : memref<128xi32, #tpu.memory_space<hbm>>) dst(%dma_wait3A_61 : memref<128xi32, #tpu.memory_space<vmem>>)
      %dma_wait3A_63 = arith.constant 128 : i32
      %dma_wait3A_64 = arith.constant 0 : i32
      %dma_wait3A_65 = tpu.memref_slice %arg8[%dma_wait3A_63, %dma_wait3A_64] : memref<256x128xi32, #tpu.memory_space<vmem>> -> memref<128x128xi32, #tpu.memory_space<vmem>>
      %dma_wait3A_66 = arith.constant 128 : i32
      %dma_wait3A_67 = tpu.memref_slice %arg7[%dma_wait3A_66] : memref<256xi32, #tpu.memory_space<vmem>> -> memref<128xi32, #tpu.memory_space<vmem>>
      %dma_wait3A_68 = arith.constant 0 : i32
      %dma_wait3A_69 = arith.constant 0 : i32
      %dma_wait3A_70 = tpu.memref_slice %arg2[%dma_wait3A_68, %dma_wait3A_69] : memref<10000x128xi32, #tpu.memory_space<hbm>> -> memref<10000x128xi32, #tpu.memory_space<hbm>>
      tpu.wait_indirect_dma semaphore(%arg13 : memref<!tpu.dma_semaphore, #tpu.memory_space<semaphore_mem>>) src(%dma_wait3A_70 : memref<10000x128xi32, #tpu.memory_space<hbm>>) dst(%dma_wait3A_65 : memref<128x128xi32, #tpu.memory_space<vmem>>)
    } else {
    }
    %eq3A_47 = arith.constant 1 : i32
    %eq3A_48 = arith.cmpi eq, %and3A_44, %eq3A_47 : i32
    %convert_element_type3A_49 = arith.extui %eq3A_48 : i1 to i32
    %cond3A_50 = arith.constant 0 : i32
    %cond3A_51 = arith.cmpi ne, %convert_element_type3A_49, %cond3A_50 : i32
    scf.if %cond3A_51 {
      %add3A_52 = arith.constant 2 : i32
      %add3A_53 = arith.addi %scan3A_41, %add3A_52 : i32
      %mul3A_54 = arith.constant 128 : i32
      %mul3A_55 = arith.muli %add3A_53, %mul3A_54 : i32
      %add3A_56 = arith.addi %multiple_of3A, %mul3A_55 : i32
      %dma_wait3A_57 = arith.constant 128 : i32
      %dma_wait3A_58 = tpu.memref_slice %arg7[%dma_wait3A_57] : memref<256xi32, #tpu.memory_space<vmem>> -> memref<128xi32, #tpu.memory_space<vmem>>
      %dma_wait3A_59 = tpu.memref_slice %arg4[%add3A_56] : memref<160776xi32, #tpu.memory_space<hbm>> -> memref<128xi32, #tpu.memory_space<hbm>>
      %dma_wait3A_60 = arith.constant 128 : i32
      %dma_wait3A_61 = tpu.memref_slice %arg7[%dma_wait3A_60] : memref<256xi32, #tpu.memory_space<vmem>> -> memref<128xi32, #tpu.memory_space<vmem>>
      %dma_wait3A_62 = tpu.memref_slice %arg4[%add3A_56] : memref<160776xi32, #tpu.memory_space<hbm>> -> memref<128xi32, #tpu.memory_space<hbm>>
      tpu.wait_dma2 semaphore(%arg11 : memref<!tpu.dma_semaphore, #tpu.memory_space<semaphore_mem>>) src(%dma_wait3A_62 : memref<128xi32, #tpu.memory_space<hbm>>) dst(%dma_wait3A_61 : memref<128xi32, #tpu.memory_space<vmem>>)
      %dma_wait3A_63 = arith.constant 0 : i32
      %dma_wait3A_64 = arith.constant 0 : i32
      %dma_wait3A_65 = tpu.memref_slice %arg8[%dma_wait3A_63, %dma_wait3A_64] : memref<256x128xi32, #tpu.memory_space<vmem>> -> memref<128x128xi32, #tpu.memory_space<vmem>>
      %dma_wait3A_66 = arith.constant 0 : i32
      %dma_wait3A_67 = tpu.memref_slice %arg7[%dma_wait3A_66] : memref<256xi32, #tpu.memory_space<vmem>> -> memref<128xi32, #tpu.memory_space<vmem>>
      %dma_wait3A_68 = arith.constant 0 : i32
      %dma_wait3A_69 = arith.constant 0 : i32
      %dma_wait3A_70 = tpu.memref_slice %arg2[%dma_wait3A_68, %dma_wait3A_69] : memref<10000x128xi32, #tpu.memory_space<hbm>> -> memref<10000x128xi32, #tpu.memory_space<hbm>>
      tpu.wait_indirect_dma semaphore(%arg12 : memref<!tpu.dma_semaphore, #tpu.memory_space<semaphore_mem>>) src(%dma_wait3A_70 : memref<10000x128xi32, #tpu.memory_space<hbm>>) dst(%dma_wait3A_65 : memref<128x128xi32, #tpu.memory_space<vmem>>)
    } else {
    }
    return
  }
}

#map = affine_map<(d0, d1) -> (0, 0)>
module attributes {stable_mosaic.version = 14 : i64} {
  func.func @pack(%arg0: i32, %arg1: i32, %arg2: memref<10000x256xf32, #tpu.memory_space<hbm>>, %arg3: memref<10000x128xi32, #tpu.memory_space<hbm>>, %arg4: memref<160x256xf32, #tpu.memory_space<vmem>>, %arg5: memref<160x128xi32, #tpu.memory_space<vmem>>, %arg6: memref<!tpu.dma_semaphore, #tpu.memory_space<semaphore_mem>>, %arg7: memref<!tpu.dma_semaphore, #tpu.memory_space<semaphore_mem>>, %arg8: memref<!tpu.dma_semaphore, #tpu.memory_space<semaphore_mem>>, %arg9: memref<!tpu.dma_semaphore, #tpu.memory_space<semaphore_mem>>) attributes {dimension_semantics = [#tpu.dimension_semantics<core_parallel>, #tpu.dimension_semantics<subcore_parallel>], iteration_bounds = array<i64: 2, 16>, scalar_prefetch = 0 : i64, scratch_operands = 6 : i64, tpu.core_type = #tpu.core_type<sc_vector_subcore>, window_params = [{transform_indices = #map}, {transform_indices = #map}]} {
    %mul3A = arith.constant 2 : i32
    %mul3A_0 = arith.muli %arg1, %mul3A : i32
    %add3A = arith.addi %mul3A_0, %arg0 : i32
    %mul3A_1 = arith.constant 320 : i32
    %mul3A_2 = arith.muli %add3A, %mul3A_1 : i32
    %lt3A = arith.constant 31 : i32
    %lt3A_3 = arith.cmpi slt, %add3A, %lt3A : i32
    %jit3A = arith.constant 4 : i32
    %jit3A_4 = arith.constant 1 : i32
    %select_n3A = arith.select %lt3A_3, %jit3A, %jit3A_4 : i32
    %add3A_5 = arith.constant 0 : i32
    %add3A_6 = arith.addi %mul3A_2, %add3A_5 : i32
    %multiple_of3A = tpu.assume_multiple %add3A_6, 8 : i32
    %dma_start3A = arith.constant 0 : i32
    %dma_start3A_7 = arith.constant 0 : i32
    %dma_start3A_8 = tpu.memref_slice %arg4[%dma_start3A, %dma_start3A_7] : memref<160x256xf32, #tpu.memory_space<vmem>> -> memref<80x256xf32, #tpu.memory_space<vmem>>
    %dma_start3A_9 = arith.constant 0 : i32
    %dma_start3A_10 = tpu.memref_slice %arg2[%multiple_of3A, %dma_start3A_9] : memref<10000x256xf32, #tpu.memory_space<hbm>> -> memref<80x256xf32, #tpu.memory_space<hbm>>
    %dma_start3A_11 = arith.constant 0 : i32
    %dma_start3A_12 = arith.constant 0 : i32
    %dma_start3A_13 = tpu.memref_slice %arg4[%dma_start3A_11, %dma_start3A_12] : memref<160x256xf32, #tpu.memory_space<vmem>> -> memref<80x256xf32, #tpu.memory_space<vmem>>
    %dma_start3A_14 = arith.constant 0 : i32
    %dma_start3A_15 = tpu.memref_slice %arg2[%multiple_of3A, %dma_start3A_14] : memref<10000x256xf32, #tpu.memory_space<hbm>> -> memref<80x256xf32, #tpu.memory_space<hbm>>
    tpu.enqueue_dma source(%dma_start3A_15 : memref<80x256xf32, #tpu.memory_space<hbm>>) target(%dma_start3A_13 : memref<80x256xf32, #tpu.memory_space<vmem>>) target_semaphore(%arg6 : memref<!tpu.dma_semaphore, #tpu.memory_space<semaphore_mem>>)
    %broadcast_in_dim3A = arith.constant 32768 : i32
    %broadcast_in_dim3A_16 = vector.broadcast %broadcast_in_dim3A : i32 to vector<16xi32>
    %broadcast_in_dim3A_17 = arith.constant -65536 : i32
    %broadcast_in_dim3A_18 = vector.broadcast %broadcast_in_dim3A_17 : i32 to vector<16xi32>
    %broadcast_in_dim3A_19 = arith.constant 16 : i32
    %broadcast_in_dim3A_20 = vector.broadcast %broadcast_in_dim3A_19 : i32 to vector<16xi32>
    %sub3A = arith.constant 0 : i32
    %sub3A_21 = arith.subi %select_n3A, %sub3A : i32
    %sub3A_22 = arith.constant 1 : i32
    %sub3A_23 = arith.constant 1 : i32
    %sub3A_24 = arith.subi %sub3A_22, %sub3A_23 : i32
    %add3A_25 = arith.addi %sub3A_21, %sub3A_24 : i32
    %div3A = arith.constant 1 : i32
    %div3A_26 = arith.divsi %add3A_25, %div3A : i32
    %while3A = arith.constant 1 : i32
    %while3A_27 = arith.constant 0 : i32
    %while3A_28 = arith.constant 0 : i32
    %while3A_29 = arith.subi %div3A_26, %while3A_28 : i32
    %while3A_30 = arith.addi %while3A_28, %while3A_29 : i32
    %while3A_31 = arith.constant 1 : i32
    %while3A_32 = arith.divsi %while3A_29, %while3A_31 : i32
    %while3A_33 = arith.muli %while3A_32, %while3A_31 : i32
    %while3A_34 = arith.addi %while3A_28, %while3A_33 : i32
    %while3A_35 = arith.constant 1 : i32
    scf.for %while3A_55 = %while3A_28 to %while3A_34 step %while3A_35  : i32 {
      %mul3A_56 = arith.muli %while3A_55, %while3A : i32
      %add3A_57 = arith.addi %while3A_27, %mul3A_56 : i32
      %and3A_58 = arith.constant 1 : i32
      %and3A_59 = arith.andi %add3A_57, %and3A_58 : i32
      %eq3A_60 = arith.constant 0 : i32
      %eq3A_61 = arith.cmpi eq, %and3A_59, %eq3A_60 : i32
      %convert_element_type3A_62 = arith.extui %eq3A_61 : i1 to i32
      %cond3A_63 = arith.constant 0 : i32
      %cond3A_64 = arith.cmpi ne, %convert_element_type3A_62, %cond3A_63 : i32
      scf.if %cond3A_64 {
        %mul3A_70 = arith.constant 80 : i32
        %mul3A_71 = arith.muli %add3A_57, %mul3A_70 : i32
        %add3A_72 = arith.addi %mul3A_2, %mul3A_71 : i32
        %multiple_of3A_73 = tpu.assume_multiple %add3A_72, 8 : i32
        %dma_wait3A = arith.constant 0 : i32
        %dma_wait3A_74 = arith.constant 0 : i32
        %dma_wait3A_75 = tpu.memref_slice %arg4[%dma_wait3A, %dma_wait3A_74] : memref<160x256xf32, #tpu.memory_space<vmem>> -> memref<80x256xf32, #tpu.memory_space<vmem>>
        %dma_wait3A_76 = arith.constant 0 : i32
        %dma_wait3A_77 = tpu.memref_slice %arg2[%multiple_of3A_73, %dma_wait3A_76] : memref<10000x256xf32, #tpu.memory_space<hbm>> -> memref<80x256xf32, #tpu.memory_space<hbm>>
        %dma_wait3A_78 = arith.constant 0 : i32
        %dma_wait3A_79 = arith.constant 0 : i32
        %dma_wait3A_80 = tpu.memref_slice %arg4[%dma_wait3A_78, %dma_wait3A_79] : memref<160x256xf32, #tpu.memory_space<vmem>> -> memref<80x256xf32, #tpu.memory_space<vmem>>
        %dma_wait3A_81 = arith.constant 0 : i32
        %dma_wait3A_82 = tpu.memref_slice %arg2[%multiple_of3A_73, %dma_wait3A_81] : memref<10000x256xf32, #tpu.memory_space<hbm>> -> memref<80x256xf32, #tpu.memory_space<hbm>>
        tpu.wait_dma2 semaphore(%arg6 : memref<!tpu.dma_semaphore, #tpu.memory_space<semaphore_mem>>) src(%dma_wait3A_82 : memref<80x256xf32, #tpu.memory_space<hbm>>) dst(%dma_wait3A_80 : memref<80x256xf32, #tpu.memory_space<vmem>>)
        %add3A_83 = arith.constant 1 : i32
        %add3A_84 = arith.addi %add3A_57, %add3A_83 : i32
        %lt3A_85 = arith.cmpi slt, %add3A_84, %select_n3A : i32
        %convert_element_type3A_86 = arith.extui %lt3A_85 : i1 to i32
        %cond3A_87 = arith.constant 0 : i32
        %cond3A_88 = arith.cmpi ne, %convert_element_type3A_86, %cond3A_87 : i32
        scf.if %cond3A_88 {
          %add3A_112 = arith.constant 1 : i32
          %add3A_113 = arith.addi %add3A_57, %add3A_112 : i32
          %mul3A_114 = arith.constant 80 : i32
          %mul3A_115 = arith.muli %add3A_113, %mul3A_114 : i32
          %add3A_116 = arith.addi %mul3A_2, %mul3A_115 : i32
          %multiple_of3A_117 = tpu.assume_multiple %add3A_116, 8 : i32
          %dma_start3A_118 = arith.constant 80 : i32
          %dma_start3A_119 = arith.constant 0 : i32
          %dma_start3A_120 = tpu.memref_slice %arg4[%dma_start3A_118, %dma_start3A_119] : memref<160x256xf32, #tpu.memory_space<vmem>> -> memref<80x256xf32, #tpu.memory_space<vmem>>
          %dma_start3A_121 = arith.constant 0 : i32
          %dma_start3A_122 = tpu.memref_slice %arg2[%multiple_of3A_117, %dma_start3A_121] : memref<10000x256xf32, #tpu.memory_space<hbm>> -> memref<80x256xf32, #tpu.memory_space<hbm>>
          %dma_start3A_123 = arith.constant 80 : i32
          %dma_start3A_124 = arith.constant 0 : i32
          %dma_start3A_125 = tpu.memref_slice %arg4[%dma_start3A_123, %dma_start3A_124] : memref<160x256xf32, #tpu.memory_space<vmem>> -> memref<80x256xf32, #tpu.memory_space<vmem>>
          %dma_start3A_126 = arith.constant 0 : i32
          %dma_start3A_127 = tpu.memref_slice %arg2[%multiple_of3A_117, %dma_start3A_126] : memref<10000x256xf32, #tpu.memory_space<hbm>> -> memref<80x256xf32, #tpu.memory_space<hbm>>
          tpu.enqueue_dma source(%dma_start3A_127 : memref<80x256xf32, #tpu.memory_space<hbm>>) target(%dma_start3A_125 : memref<80x256xf32, #tpu.memory_space<vmem>>) target_semaphore(%arg7 : memref<!tpu.dma_semaphore, #tpu.memory_space<semaphore_mem>>)
        } else {
        }
        %ge3A_89 = arith.constant 2 : i32
        %ge3A_90 = arith.cmpi sge, %add3A_57, %ge3A_89 : i32
        %convert_element_type3A_91 = arith.extui %ge3A_90 : i1 to i32
        %cond3A_92 = arith.constant 0 : i32
        %cond3A_93 = arith.cmpi ne, %convert_element_type3A_91, %cond3A_92 : i32
        scf.if %cond3A_93 {
          %sub3A_112 = arith.constant 2 : i32
          %sub3A_113 = arith.subi %add3A_57, %sub3A_112 : i32
          %mul3A_114 = arith.constant 80 : i32
          %mul3A_115 = arith.muli %sub3A_113, %mul3A_114 : i32
          %add3A_116 = arith.addi %mul3A_2, %mul3A_115 : i32
          %multiple_of3A_117 = tpu.assume_multiple %add3A_116, 8 : i32
          %dma_wait3A_118 = arith.constant 0 : i32
          %dma_wait3A_119 = arith.constant 0 : i32
          %dma_wait3A_120 = tpu.memref_slice %arg5[%dma_wait3A_118, %dma_wait3A_119] : memref<160x128xi32, #tpu.memory_space<vmem>> -> memref<80x128xi32, #tpu.memory_space<vmem>>
          %dma_wait3A_121 = arith.constant 0 : i32
          %dma_wait3A_122 = tpu.memref_slice %arg3[%multiple_of3A_117, %dma_wait3A_121] : memref<10000x128xi32, #tpu.memory_space<hbm>> -> memref<80x128xi32, #tpu.memory_space<hbm>>
          %dma_wait3A_123 = arith.constant 0 : i32
          %dma_wait3A_124 = tpu.memref_slice %arg3[%multiple_of3A_117, %dma_wait3A_123] : memref<10000x128xi32, #tpu.memory_space<hbm>> -> memref<80x128xi32, #tpu.memory_space<hbm>>
          %dma_wait3A_125 = arith.constant 0 : i32
          %dma_wait3A_126 = arith.constant 0 : i32
          %dma_wait3A_127 = tpu.memref_slice %arg5[%dma_wait3A_125, %dma_wait3A_126] : memref<160x128xi32, #tpu.memory_space<vmem>> -> memref<80x128xi32, #tpu.memory_space<vmem>>
          tpu.wait_dma2 semaphore(%arg8 : memref<!tpu.dma_semaphore, #tpu.memory_space<semaphore_mem>>) src(%dma_wait3A_127 : memref<80x128xi32, #tpu.memory_space<vmem>>) dst(%dma_wait3A_124 : memref<80x128xi32, #tpu.memory_space<hbm>>)
        } else {
        }
        %scan3A = arith.constant 0 : i32
        %scan3A_94 = arith.constant 80 : i32
        %scan3A_95 = arith.addi %scan3A, %scan3A_94 : i32
        %scan3A_96 = arith.constant 1 : i32
        scf.for %scan3A_112 = %scan3A to %scan3A_95 step %scan3A_96  : i32 {
          %mul3A_113 = arith.constant 1 : i32
          %mul3A_114 = arith.muli %scan3A_112, %mul3A_113 : i32
          %add3A_115 = arith.constant 0 : i32
          %add3A_116 = arith.addi %add3A_115, %mul3A_114 : i32
          %add3A_117 = arith.constant 0 : i32
          %add3A_118 = arith.addi %add3A_116, %add3A_117 : i32
          %get3A = arith.index_cast %add3A_118 : i32 to index
          %get3A_119 = arith.constant 0 : index
          %get3A_120 = tpu.vector_load %arg4[%get3A, %get3A_119] {strides = array<i32>} : memref<160x256xf32, #tpu.memory_space<vmem>>, vector<1x16xf32>,
          %get3A_121 = vector.shape_cast %get3A_120 : vector<1x16xf32> to vector<16xf32>
          %get3A_122 = arith.index_cast %add3A_118 : i32 to index
          %get3A_123 = arith.constant 16 : index
          %get3A_124 = tpu.vector_load %arg4[%get3A_122, %get3A_123] {strides = array<i32>} : memref<160x256xf32, #tpu.memory_space<vmem>>, vector<1x16xf32>,
          %get3A_125 = vector.shape_cast %get3A_124 : vector<1x16xf32> to vector<16xf32>
          %bitcast_convert_type3A = tpu.bitcast %get3A_121 : vector<16xf32> -> vector<16xi32>
          %bitcast_convert_type3A_126 = tpu.bitcast %get3A_125 : vector<16xf32> -> vector<16xi32>
          %add3A_127 = arith.addi %bitcast_convert_type3A, %broadcast_in_dim3A_16 : vector<16xi32>
          %shift_right_logical3A = arith.shrui %add3A_127, %broadcast_in_dim3A_20 : vector<16xi32>
          %add3A_128 = arith.addi %bitcast_convert_type3A_126, %broadcast_in_dim3A_16 : vector<16xi32>
          %and3A_129 = arith.andi %add3A_128, %broadcast_in_dim3A_18 : vector<16xi32>
          %or3A = arith.ori %shift_right_logical3A, %and3A_129 : vector<16xi32>
          %swap3A = arith.index_cast %add3A_118 : i32 to index
          %swap3A_130 = arith.constant 0 : index
          %swap3A_131 = tpu.vector_load %arg5[%swap3A, %swap3A_130] {strides = array<i32>} : memref<160x128xi32, #tpu.memory_space<vmem>>, vector<1x16xi32>,
          %swap3A_132 = vector.shape_cast %swap3A_131 : vector<1x16xi32> to vector<16xi32>
          %swap3A_133 = vector.shape_cast %or3A : vector<16xi32> to vector<1x16xi32>
          tpu.vector_store %arg5[%swap3A, %swap3A_130], %swap3A_133 {strides = array<i32>} : memref<160x128xi32, #tpu.memory_space<vmem>>, vector<1x16xi32>,
          %get3A_134 = arith.index_cast %add3A_118 : i32 to index
          %get3A_135 = arith.constant 32 : index
          %get3A_136 = tpu.vector_load %arg4[%get3A_134, %get3A_135] {strides = array<i32>} : memref<160x256xf32, #tpu.memory_space<vmem>>, vector<1x16xf32>,
          %get3A_137 = vector.shape_cast %get3A_136 : vector<1x16xf32> to vector<16xf32>
          %get3A_138 = arith.index_cast %add3A_118 : i32 to index
          %get3A_139 = arith.constant 48 : index
          %get3A_140 = tpu.vector_load %arg4[%get3A_138, %get3A_139] {strides = array<i32>} : memref<160x256xf32, #tpu.memory_space<vmem>>, vector<1x16xf32>,
          %get3A_141 = vector.shape_cast %get3A_140 : vector<1x16xf32> to vector<16xf32>
          %bitcast_convert_type3A_142 = tpu.bitcast %get3A_137 : vector<16xf32> -> vector<16xi32>
          %bitcast_convert_type3A_143 = tpu.bitcast %get3A_141 : vector<16xf32> -> vector<16xi32>
          %add3A_144 = arith.addi %bitcast_convert_type3A_142, %broadcast_in_dim3A_16 : vector<16xi32>
          %shift_right_logical3A_145 = arith.shrui %add3A_144, %broadcast_in_dim3A_20 : vector<16xi32>
          %add3A_146 = arith.addi %bitcast_convert_type3A_143, %broadcast_in_dim3A_16 : vector<16xi32>
          %and3A_147 = arith.andi %add3A_146, %broadcast_in_dim3A_18 : vector<16xi32>
          %or3A_148 = arith.ori %shift_right_logical3A_145, %and3A_147 : vector<16xi32>
          %swap3A_149 = arith.index_cast %add3A_118 : i32 to index
          %swap3A_150 = arith.constant 16 : index
          %swap3A_151 = tpu.vector_load %arg5[%swap3A_149, %swap3A_150] {strides = array<i32>} : memref<160x128xi32, #tpu.memory_space<vmem>>, vector<1x16xi32>,
          %swap3A_152 = vector.shape_cast %swap3A_151 : vector<1x16xi32> to vector<16xi32>
          %swap3A_153 = vector.shape_cast %or3A_148 : vector<16xi32> to vector<1x16xi32>
          tpu.vector_store %arg5[%swap3A_149, %swap3A_150], %swap3A_153 {strides = array<i32>} : memref<160x128xi32, #tpu.memory_space<vmem>>, vector<1x16xi32>,
          %get3A_154 = arith.index_cast %add3A_118 : i32 to index
          %get3A_155 = arith.constant 64 : index
          %get3A_156 = tpu.vector_load %arg4[%get3A_154, %get3A_155] {strides = array<i32>} : memref<160x256xf32, #tpu.memory_space<vmem>>, vector<1x16xf32>,
          %get3A_157 = vector.shape_cast %get3A_156 : vector<1x16xf32> to vector<16xf32>
          %get3A_158 = arith.index_cast %add3A_118 : i32 to index
          %get3A_159 = arith.constant 80 : index
          %get3A_160 = tpu.vector_load %arg4[%get3A_158, %get3A_159] {strides = array<i32>} : memref<160x256xf32, #tpu.memory_space<vmem>>, vector<1x16xf32>,
          %get3A_161 = vector.shape_cast %get3A_160 : vector<1x16xf32> to vector<16xf32>
          %bitcast_convert_type3A_162 = tpu.bitcast %get3A_157 : vector<16xf32> -> vector<16xi32>
          %bitcast_convert_type3A_163 = tpu.bitcast %get3A_161 : vector<16xf32> -> vector<16xi32>
          %add3A_164 = arith.addi %bitcast_convert_type3A_162, %broadcast_in_dim3A_16 : vector<16xi32>
          %shift_right_logical3A_165 = arith.shrui %add3A_164, %broadcast_in_dim3A_20 : vector<16xi32>
          %add3A_166 = arith.addi %bitcast_convert_type3A_163, %broadcast_in_dim3A_16 : vector<16xi32>
          %and3A_167 = arith.andi %add3A_166, %broadcast_in_dim3A_18 : vector<16xi32>
          %or3A_168 = arith.ori %shift_right_logical3A_165, %and3A_167 : vector<16xi32>
          %swap3A_169 = arith.index_cast %add3A_118 : i32 to index
          %swap3A_170 = arith.constant 32 : index
          %swap3A_171 = tpu.vector_load %arg5[%swap3A_169, %swap3A_170] {strides = array<i32>} : memref<160x128xi32, #tpu.memory_space<vmem>>, vector<1x16xi32>,
          %swap3A_172 = vector.shape_cast %swap3A_171 : vector<1x16xi32> to vector<16xi32>
          %swap3A_173 = vector.shape_cast %or3A_168 : vector<16xi32> to vector<1x16xi32>
          tpu.vector_store %arg5[%swap3A_169, %swap3A_170], %swap3A_173 {strides = array<i32>} : memref<160x128xi32, #tpu.memory_space<vmem>>, vector<1x16xi32>,
          %get3A_174 = arith.index_cast %add3A_118 : i32 to index
          %get3A_175 = arith.constant 96 : index
          %get3A_176 = tpu.vector_load %arg4[%get3A_174, %get3A_175] {strides = array<i32>} : memref<160x256xf32, #tpu.memory_space<vmem>>, vector<1x16xf32>,
          %get3A_177 = vector.shape_cast %get3A_176 : vector<1x16xf32> to vector<16xf32>
          %get3A_178 = arith.index_cast %add3A_118 : i32 to index
          %get3A_179 = arith.constant 112 : index
          %get3A_180 = tpu.vector_load %arg4[%get3A_178, %get3A_179] {strides = array<i32>} : memref<160x256xf32, #tpu.memory_space<vmem>>, vector<1x16xf32>,
          %get3A_181 = vector.shape_cast %get3A_180 : vector<1x16xf32> to vector<16xf32>
          %bitcast_convert_type3A_182 = tpu.bitcast %get3A_177 : vector<16xf32> -> vector<16xi32>
          %bitcast_convert_type3A_183 = tpu.bitcast %get3A_181 : vector<16xf32> -> vector<16xi32>
          %add3A_184 = arith.addi %bitcast_convert_type3A_182, %broadcast_in_dim3A_16 : vector<16xi32>
          %shift_right_logical3A_185 = arith.shrui %add3A_184, %broadcast_in_dim3A_20 : vector<16xi32>
          %add3A_186 = arith.addi %bitcast_convert_type3A_183, %broadcast_in_dim3A_16 : vector<16xi32>
          %and3A_187 = arith.andi %add3A_186, %broadcast_in_dim3A_18 : vector<16xi32>
          %or3A_188 = arith.ori %shift_right_logical3A_185, %and3A_187 : vector<16xi32>
          %swap3A_189 = arith.index_cast %add3A_118 : i32 to index
          %swap3A_190 = arith.constant 48 : index
          %swap3A_191 = tpu.vector_load %arg5[%swap3A_189, %swap3A_190] {strides = array<i32>} : memref<160x128xi32, #tpu.memory_space<vmem>>, vector<1x16xi32>,
          %swap3A_192 = vector.shape_cast %swap3A_191 : vector<1x16xi32> to vector<16xi32>
          %swap3A_193 = vector.shape_cast %or3A_188 : vector<16xi32> to vector<1x16xi32>
          tpu.vector_store %arg5[%swap3A_189, %swap3A_190], %swap3A_193 {strides = array<i32>} : memref<160x128xi32, #tpu.memory_space<vmem>>, vector<1x16xi32>,
          %get3A_194 = arith.index_cast %add3A_118 : i32 to index
          %get3A_195 = arith.constant 128 : index
          %get3A_196 = tpu.vector_load %arg4[%get3A_194, %get3A_195] {strides = array<i32>} : memref<160x256xf32, #tpu.memory_space<vmem>>, vector<1x16xf32>,
          %get3A_197 = vector.shape_cast %get3A_196 : vector<1x16xf32> to vector<16xf32>
          %get3A_198 = arith.index_cast %add3A_118 : i32 to index
          %get3A_199 = arith.constant 144 : index
          %get3A_200 = tpu.vector_load %arg4[%get3A_198, %get3A_199] {strides = array<i32>} : memref<160x256xf32, #tpu.memory_space<vmem>>, vector<1x16xf32>,
          %get3A_201 = vector.shape_cast %get3A_200 : vector<1x16xf32> to vector<16xf32>
          %bitcast_convert_type3A_202 = tpu.bitcast %get3A_197 : vector<16xf32> -> vector<16xi32>
          %bitcast_convert_type3A_203 = tpu.bitcast %get3A_201 : vector<16xf32> -> vector<16xi32>
          %add3A_204 = arith.addi %bitcast_convert_type3A_202, %broadcast_in_dim3A_16 : vector<16xi32>
          %shift_right_logical3A_205 = arith.shrui %add3A_204, %broadcast_in_dim3A_20 : vector<16xi32>
          %add3A_206 = arith.addi %bitcast_convert_type3A_203, %broadcast_in_dim3A_16 : vector<16xi32>
          %and3A_207 = arith.andi %add3A_206, %broadcast_in_dim3A_18 : vector<16xi32>
          %or3A_208 = arith.ori %shift_right_logical3A_205, %and3A_207 : vector<16xi32>
          %swap3A_209 = arith.index_cast %add3A_118 : i32 to index
          %swap3A_210 = arith.constant 64 : index
          %swap3A_211 = tpu.vector_load %arg5[%swap3A_209, %swap3A_210] {strides = array<i32>} : memref<160x128xi32, #tpu.memory_space<vmem>>, vector<1x16xi32>,
          %swap3A_212 = vector.shape_cast %swap3A_211 : vector<1x16xi32> to vector<16xi32>
          %swap3A_213 = vector.shape_cast %or3A_208 : vector<16xi32> to vector<1x16xi32>
          tpu.vector_store %arg5[%swap3A_209, %swap3A_210], %swap3A_213 {strides = array<i32>} : memref<160x128xi32, #tpu.memory_space<vmem>>, vector<1x16xi32>,
          %get3A_214 = arith.index_cast %add3A_118 : i32 to index
          %get3A_215 = arith.constant 160 : index
          %get3A_216 = tpu.vector_load %arg4[%get3A_214, %get3A_215] {strides = array<i32>} : memref<160x256xf32, #tpu.memory_space<vmem>>, vector<1x16xf32>,
          %get3A_217 = vector.shape_cast %get3A_216 : vector<1x16xf32> to vector<16xf32>
          %get3A_218 = arith.index_cast %add3A_118 : i32 to index
          %get3A_219 = arith.constant 176 : index
          %get3A_220 = tpu.vector_load %arg4[%get3A_218, %get3A_219] {strides = array<i32>} : memref<160x256xf32, #tpu.memory_space<vmem>>, vector<1x16xf32>,
          %get3A_221 = vector.shape_cast %get3A_220 : vector<1x16xf32> to vector<16xf32>
          %bitcast_convert_type3A_222 = tpu.bitcast %get3A_217 : vector<16xf32> -> vector<16xi32>
          %bitcast_convert_type3A_223 = tpu.bitcast %get3A_221 : vector<16xf32> -> vector<16xi32>
          %add3A_224 = arith.addi %bitcast_convert_type3A_222, %broadcast_in_dim3A_16 : vector<16xi32>
          %shift_right_logical3A_225 = arith.shrui %add3A_224, %broadcast_in_dim3A_20 : vector<16xi32>
          %add3A_226 = arith.addi %bitcast_convert_type3A_223, %broadcast_in_dim3A_16 : vector<16xi32>
          %and3A_227 = arith.andi %add3A_226, %broadcast_in_dim3A_18 : vector<16xi32>
          %or3A_228 = arith.ori %shift_right_logical3A_225, %and3A_227 : vector<16xi32>
          %swap3A_229 = arith.index_cast %add3A_118 : i32 to index
          %swap3A_230 = arith.constant 80 : index
          %swap3A_231 = tpu.vector_load %arg5[%swap3A_229, %swap3A_230] {strides = array<i32>} : memref<160x128xi32, #tpu.memory_space<vmem>>, vector<1x16xi32>,
          %swap3A_232 = vector.shape_cast %swap3A_231 : vector<1x16xi32> to vector<16xi32>
          %swap3A_233 = vector.shape_cast %or3A_228 : vector<16xi32> to vector<1x16xi32>
          tpu.vector_store %arg5[%swap3A_229, %swap3A_230], %swap3A_233 {strides = array<i32>} : memref<160x128xi32, #tpu.memory_space<vmem>>, vector<1x16xi32>,
          %get3A_234 = arith.index_cast %add3A_118 : i32 to index
          %get3A_235 = arith.constant 192 : index
          %get3A_236 = tpu.vector_load %arg4[%get3A_234, %get3A_235] {strides = array<i32>} : memref<160x256xf32, #tpu.memory_space<vmem>>, vector<1x16xf32>,
          %get3A_237 = vector.shape_cast %get3A_236 : vector<1x16xf32> to vector<16xf32>
          %get3A_238 = arith.index_cast %add3A_118 : i32 to index
          %get3A_239 = arith.constant 208 : index
          %get3A_240 = tpu.vector_load %arg4[%get3A_238, %get3A_239] {strides = array<i32>} : memref<160x256xf32, #tpu.memory_space<vmem>>, vector<1x16xf32>,
          %get3A_241 = vector.shape_cast %get3A_240 : vector<1x16xf32> to vector<16xf32>
          %bitcast_convert_type3A_242 = tpu.bitcast %get3A_237 : vector<16xf32> -> vector<16xi32>
          %bitcast_convert_type3A_243 = tpu.bitcast %get3A_241 : vector<16xf32> -> vector<16xi32>
          %add3A_244 = arith.addi %bitcast_convert_type3A_242, %broadcast_in_dim3A_16 : vector<16xi32>
          %shift_right_logical3A_245 = arith.shrui %add3A_244, %broadcast_in_dim3A_20 : vector<16xi32>
          %add3A_246 = arith.addi %bitcast_convert_type3A_243, %broadcast_in_dim3A_16 : vector<16xi32>
          %and3A_247 = arith.andi %add3A_246, %broadcast_in_dim3A_18 : vector<16xi32>
          %or3A_248 = arith.ori %shift_right_logical3A_245, %and3A_247 : vector<16xi32>
          %swap3A_249 = arith.index_cast %add3A_118 : i32 to index
          %swap3A_250 = arith.constant 96 : index
          %swap3A_251 = tpu.vector_load %arg5[%swap3A_249, %swap3A_250] {strides = array<i32>} : memref<160x128xi32, #tpu.memory_space<vmem>>, vector<1x16xi32>,
          %swap3A_252 = vector.shape_cast %swap3A_251 : vector<1x16xi32> to vector<16xi32>
          %swap3A_253 = vector.shape_cast %or3A_248 : vector<16xi32> to vector<1x16xi32>
          tpu.vector_store %arg5[%swap3A_249, %swap3A_250], %swap3A_253 {strides = array<i32>} : memref<160x128xi32, #tpu.memory_space<vmem>>, vector<1x16xi32>,
          %get3A_254 = arith.index_cast %add3A_118 : i32 to index
          %get3A_255 = arith.constant 224 : index
          %get3A_256 = tpu.vector_load %arg4[%get3A_254, %get3A_255] {strides = array<i32>} : memref<160x256xf32, #tpu.memory_space<vmem>>, vector<1x16xf32>,
          %get3A_257 = vector.shape_cast %get3A_256 : vector<1x16xf32> to vector<16xf32>
          %get3A_258 = arith.index_cast %add3A_118 : i32 to index
          %get3A_259 = arith.constant 240 : index
          %get3A_260 = tpu.vector_load %arg4[%get3A_258, %get3A_259] {strides = array<i32>} : memref<160x256xf32, #tpu.memory_space<vmem>>, vector<1x16xf32>,
          %get3A_261 = vector.shape_cast %get3A_260 : vector<1x16xf32> to vector<16xf32>
          %bitcast_convert_type3A_262 = tpu.bitcast %get3A_257 : vector<16xf32> -> vector<16xi32>
          %bitcast_convert_type3A_263 = tpu.bitcast %get3A_261 : vector<16xf32> -> vector<16xi32>
          %add3A_264 = arith.addi %bitcast_convert_type3A_262, %broadcast_in_dim3A_16 : vector<16xi32>
          %shift_right_logical3A_265 = arith.shrui %add3A_264, %broadcast_in_dim3A_20 : vector<16xi32>
          %add3A_266 = arith.addi %bitcast_convert_type3A_263, %broadcast_in_dim3A_16 : vector<16xi32>
          %and3A_267 = arith.andi %add3A_266, %broadcast_in_dim3A_18 : vector<16xi32>
          %or3A_268 = arith.ori %shift_right_logical3A_265, %and3A_267 : vector<16xi32>
          %swap3A_269 = arith.index_cast %add3A_118 : i32 to index
          %swap3A_270 = arith.constant 112 : index
          %swap3A_271 = tpu.vector_load %arg5[%swap3A_269, %swap3A_270] {strides = array<i32>} : memref<160x128xi32, #tpu.memory_space<vmem>>, vector<1x16xi32>,
          %swap3A_272 = vector.shape_cast %swap3A_271 : vector<1x16xi32> to vector<16xi32>
          %swap3A_273 = vector.shape_cast %or3A_268 : vector<16xi32> to vector<1x16xi32>
          tpu.vector_store %arg5[%swap3A_269, %swap3A_270], %swap3A_273 {strides = array<i32>} : memref<160x128xi32, #tpu.memory_space<vmem>>, vector<1x16xi32>,
        }
        %scan3A_97 = arith.constant 80 : i32
        %mul3A_98 = arith.constant 80 : i32
        %mul3A_99 = arith.muli %add3A_57, %mul3A_98 : i32
        %add3A_100 = arith.addi %mul3A_2, %mul3A_99 : i32
        %multiple_of3A_101 = tpu.assume_multiple %add3A_100, 8 : i32
        %dma_start3A_102 = arith.constant 0 : i32
        %dma_start3A_103 = arith.constant 0 : i32
        %dma_start3A_104 = tpu.memref_slice %arg5[%dma_start3A_102, %dma_start3A_103] : memref<160x128xi32, #tpu.memory_space<vmem>> -> memref<80x128xi32, #tpu.memory_space<vmem>>
        %dma_start3A_105 = arith.constant 0 : i32
        %dma_start3A_106 = tpu.memref_slice %arg3[%multiple_of3A_101, %dma_start3A_105] : memref<10000x128xi32, #tpu.memory_space<hbm>> -> memref<80x128xi32, #tpu.memory_space<hbm>>
        %dma_start3A_107 = arith.constant 0 : i32
        %dma_start3A_108 = tpu.memref_slice %arg3[%multiple_of3A_101, %dma_start3A_107] : memref<10000x128xi32, #tpu.memory_space<hbm>> -> memref<80x128xi32, #tpu.memory_space<hbm>>
        %dma_start3A_109 = arith.constant 0 : i32
        %dma_start3A_110 = arith.constant 0 : i32
        %dma_start3A_111 = tpu.memref_slice %arg5[%dma_start3A_109, %dma_start3A_110] : memref<160x128xi32, #tpu.memory_space<vmem>> -> memref<80x128xi32, #tpu.memory_space<vmem>>
        tpu.enqueue_dma source(%dma_start3A_111 : memref<80x128xi32, #tpu.memory_space<vmem>>) target(%dma_start3A_108 : memref<80x128xi32, #tpu.memory_space<hbm>>) target_semaphore(%arg8 : memref<!tpu.dma_semaphore, #tpu.memory_space<semaphore_mem>>)
      } else {
      }
      %eq3A_65 = arith.constant 1 : i32
      %eq3A_66 = arith.cmpi eq, %and3A_59, %eq3A_65 : i32
      %convert_element_type3A_67 = arith.extui %eq3A_66 : i1 to i32
      %cond3A_68 = arith.constant 0 : i32
      %cond3A_69 = arith.cmpi ne, %convert_element_type3A_67, %cond3A_68 : i32
      scf.if %cond3A_69 {
        %mul3A_70 = arith.constant 80 : i32
        %mul3A_71 = arith.muli %add3A_57, %mul3A_70 : i32
        %add3A_72 = arith.addi %mul3A_2, %mul3A_71 : i32
        %multiple_of3A_73 = tpu.assume_multiple %add3A_72, 8 : i32
        %dma_wait3A = arith.constant 80 : i32
        %dma_wait3A_74 = arith.constant 0 : i32
        %dma_wait3A_75 = tpu.memref_slice %arg4[%dma_wait3A, %dma_wait3A_74] : memref<160x256xf32, #tpu.memory_space<vmem>> -> memref<80x256xf32, #tpu.memory_space<vmem>>
        %dma_wait3A_76 = arith.constant 0 : i32
        %dma_wait3A_77 = tpu.memref_slice %arg2[%multiple_of3A_73, %dma_wait3A_76] : memref<10000x256xf32, #tpu.memory_space<hbm>> -> memref<80x256xf32, #tpu.memory_space<hbm>>
        %dma_wait3A_78 = arith.constant 80 : i32
        %dma_wait3A_79 = arith.constant 0 : i32
        %dma_wait3A_80 = tpu.memref_slice %arg4[%dma_wait3A_78, %dma_wait3A_79] : memref<160x256xf32, #tpu.memory_space<vmem>> -> memref<80x256xf32, #tpu.memory_space<vmem>>
        %dma_wait3A_81 = arith.constant 0 : i32
        %dma_wait3A_82 = tpu.memref_slice %arg2[%multiple_of3A_73, %dma_wait3A_81] : memref<10000x256xf32, #tpu.memory_space<hbm>> -> memref<80x256xf32, #tpu.memory_space<hbm>>
        tpu.wait_dma2 semaphore(%arg7 : memref<!tpu.dma_semaphore, #tpu.memory_space<semaphore_mem>>) src(%dma_wait3A_82 : memref<80x256xf32, #tpu.memory_space<hbm>>) dst(%dma_wait3A_80 : memref<80x256xf32, #tpu.memory_space<vmem>>)
        %add3A_83 = arith.constant 1 : i32
        %add3A_84 = arith.addi %add3A_57, %add3A_83 : i32
        %lt3A_85 = arith.cmpi slt, %add3A_84, %select_n3A : i32
        %convert_element_type3A_86 = arith.extui %lt3A_85 : i1 to i32
        %cond3A_87 = arith.constant 0 : i32
        %cond3A_88 = arith.cmpi ne, %convert_element_type3A_86, %cond3A_87 : i32
        scf.if %cond3A_88 {
          %add3A_112 = arith.constant 1 : i32
          %add3A_113 = arith.addi %add3A_57, %add3A_112 : i32
          %mul3A_114 = arith.constant 80 : i32
          %mul3A_115 = arith.muli %add3A_113, %mul3A_114 : i32
          %add3A_116 = arith.addi %mul3A_2, %mul3A_115 : i32
          %multiple_of3A_117 = tpu.assume_multiple %add3A_116, 8 : i32
          %dma_start3A_118 = arith.constant 0 : i32
          %dma_start3A_119 = arith.constant 0 : i32
          %dma_start3A_120 = tpu.memref_slice %arg4[%dma_start3A_118, %dma_start3A_119] : memref<160x256xf32, #tpu.memory_space<vmem>> -> memref<80x256xf32, #tpu.memory_space<vmem>>
          %dma_start3A_121 = arith.constant 0 : i32
          %dma_start3A_122 = tpu.memref_slice %arg2[%multiple_of3A_117, %dma_start3A_121] : memref<10000x256xf32, #tpu.memory_space<hbm>> -> memref<80x256xf32, #tpu.memory_space<hbm>>
          %dma_start3A_123 = arith.constant 0 : i32
          %dma_start3A_124 = arith.constant 0 : i32
          %dma_start3A_125 = tpu.memref_slice %arg4[%dma_start3A_123, %dma_start3A_124] : memref<160x256xf32, #tpu.memory_space<vmem>> -> memref<80x256xf32, #tpu.memory_space<vmem>>
          %dma_start3A_126 = arith.constant 0 : i32
          %dma_start3A_127 = tpu.memref_slice %arg2[%multiple_of3A_117, %dma_start3A_126] : memref<10000x256xf32, #tpu.memory_space<hbm>> -> memref<80x256xf32, #tpu.memory_space<hbm>>
          tpu.enqueue_dma source(%dma_start3A_127 : memref<80x256xf32, #tpu.memory_space<hbm>>) target(%dma_start3A_125 : memref<80x256xf32, #tpu.memory_space<vmem>>) target_semaphore(%arg6 : memref<!tpu.dma_semaphore, #tpu.memory_space<semaphore_mem>>)
        } else {
        }
        %ge3A_89 = arith.constant 2 : i32
        %ge3A_90 = arith.cmpi sge, %add3A_57, %ge3A_89 : i32
        %convert_element_type3A_91 = arith.extui %ge3A_90 : i1 to i32
        %cond3A_92 = arith.constant 0 : i32
        %cond3A_93 = arith.cmpi ne, %convert_element_type3A_91, %cond3A_92 : i32
        scf.if %cond3A_93 {
          %sub3A_112 = arith.constant 2 : i32
          %sub3A_113 = arith.subi %add3A_57, %sub3A_112 : i32
          %mul3A_114 = arith.constant 80 : i32
          %mul3A_115 = arith.muli %sub3A_113, %mul3A_114 : i32
          %add3A_116 = arith.addi %mul3A_2, %mul3A_115 : i32
          %multiple_of3A_117 = tpu.assume_multiple %add3A_116, 8 : i32
          %dma_wait3A_118 = arith.constant 80 : i32
          %dma_wait3A_119 = arith.constant 0 : i32
          %dma_wait3A_120 = tpu.memref_slice %arg5[%dma_wait3A_118, %dma_wait3A_119] : memref<160x128xi32, #tpu.memory_space<vmem>> -> memref<80x128xi32, #tpu.memory_space<vmem>>
          %dma_wait3A_121 = arith.constant 0 : i32
          %dma_wait3A_122 = tpu.memref_slice %arg3[%multiple_of3A_117, %dma_wait3A_121] : memref<10000x128xi32, #tpu.memory_space<hbm>> -> memref<80x128xi32, #tpu.memory_space<hbm>>
          %dma_wait3A_123 = arith.constant 0 : i32
          %dma_wait3A_124 = tpu.memref_slice %arg3[%multiple_of3A_117, %dma_wait3A_123] : memref<10000x128xi32, #tpu.memory_space<hbm>> -> memref<80x128xi32, #tpu.memory_space<hbm>>
          %dma_wait3A_125 = arith.constant 80 : i32
          %dma_wait3A_126 = arith.constant 0 : i32
          %dma_wait3A_127 = tpu.memref_slice %arg5[%dma_wait3A_125, %dma_wait3A_126] : memref<160x128xi32, #tpu.memory_space<vmem>> -> memref<80x128xi32, #tpu.memory_space<vmem>>
          tpu.wait_dma2 semaphore(%arg9 : memref<!tpu.dma_semaphore, #tpu.memory_space<semaphore_mem>>) src(%dma_wait3A_127 : memref<80x128xi32, #tpu.memory_space<vmem>>) dst(%dma_wait3A_124 : memref<80x128xi32, #tpu.memory_space<hbm>>)
        } else {
        }
        %scan3A = arith.constant 0 : i32
        %scan3A_94 = arith.constant 80 : i32
        %scan3A_95 = arith.addi %scan3A, %scan3A_94 : i32
        %scan3A_96 = arith.constant 1 : i32
        scf.for %scan3A_112 = %scan3A to %scan3A_95 step %scan3A_96  : i32 {
          %mul3A_113 = arith.constant 1 : i32
          %mul3A_114 = arith.muli %scan3A_112, %mul3A_113 : i32
          %add3A_115 = arith.constant 0 : i32
          %add3A_116 = arith.addi %add3A_115, %mul3A_114 : i32
          %add3A_117 = arith.constant 80 : i32
          %add3A_118 = arith.addi %add3A_116, %add3A_117 : i32
          %get3A = arith.index_cast %add3A_118 : i32 to index
          %get3A_119 = arith.constant 0 : index
          %get3A_120 = tpu.vector_load %arg4[%get3A, %get3A_119] {strides = array<i32>} : memref<160x256xf32, #tpu.memory_space<vmem>>, vector<1x16xf32>,
          %get3A_121 = vector.shape_cast %get3A_120 : vector<1x16xf32> to vector<16xf32>
          %get3A_122 = arith.index_cast %add3A_118 : i32 to index
          %get3A_123 = arith.constant 16 : index
          %get3A_124 = tpu.vector_load %arg4[%get3A_122, %get3A_123] {strides = array<i32>} : memref<160x256xf32, #tpu.memory_space<vmem>>, vector<1x16xf32>,
          %get3A_125 = vector.shape_cast %get3A_124 : vector<1x16xf32> to vector<16xf32>
          %bitcast_convert_type3A = tpu.bitcast %get3A_121 : vector<16xf32> -> vector<16xi32>
          %bitcast_convert_type3A_126 = tpu.bitcast %get3A_125 : vector<16xf32> -> vector<16xi32>
          %add3A_127 = arith.addi %bitcast_convert_type3A, %broadcast_in_dim3A_16 : vector<16xi32>
          %shift_right_logical3A = arith.shrui %add3A_127, %broadcast_in_dim3A_20 : vector<16xi32>
          %add3A_128 = arith.addi %bitcast_convert_type3A_126, %broadcast_in_dim3A_16 : vector<16xi32>
          %and3A_129 = arith.andi %add3A_128, %broadcast_in_dim3A_18 : vector<16xi32>
          %or3A = arith.ori %shift_right_logical3A, %and3A_129 : vector<16xi32>
          %swap3A = arith.index_cast %add3A_118 : i32 to index
          %swap3A_130 = arith.constant 0 : index
          %swap3A_131 = tpu.vector_load %arg5[%swap3A, %swap3A_130] {strides = array<i32>} : memref<160x128xi32, #tpu.memory_space<vmem>>, vector<1x16xi32>,
          %swap3A_132 = vector.shape_cast %swap3A_131 : vector<1x16xi32> to vector<16xi32>
          %swap3A_133 = vector.shape_cast %or3A : vector<16xi32> to vector<1x16xi32>
          tpu.vector_store %arg5[%swap3A, %swap3A_130], %swap3A_133 {strides = array<i32>} : memref<160x128xi32, #tpu.memory_space<vmem>>, vector<1x16xi32>,
          %get3A_134 = arith.index_cast %add3A_118 : i32 to index
          %get3A_135 = arith.constant 32 : index
          %get3A_136 = tpu.vector_load %arg4[%get3A_134, %get3A_135] {strides = array<i32>} : memref<160x256xf32, #tpu.memory_space<vmem>>, vector<1x16xf32>,
          %get3A_137 = vector.shape_cast %get3A_136 : vector<1x16xf32> to vector<16xf32>
          %get3A_138 = arith.index_cast %add3A_118 : i32 to index
          %get3A_139 = arith.constant 48 : index
          %get3A_140 = tpu.vector_load %arg4[%get3A_138, %get3A_139] {strides = array<i32>} : memref<160x256xf32, #tpu.memory_space<vmem>>, vector<1x16xf32>,
          %get3A_141 = vector.shape_cast %get3A_140 : vector<1x16xf32> to vector<16xf32>
          %bitcast_convert_type3A_142 = tpu.bitcast %get3A_137 : vector<16xf32> -> vector<16xi32>
          %bitcast_convert_type3A_143 = tpu.bitcast %get3A_141 : vector<16xf32> -> vector<16xi32>
          %add3A_144 = arith.addi %bitcast_convert_type3A_142, %broadcast_in_dim3A_16 : vector<16xi32>
          %shift_right_logical3A_145 = arith.shrui %add3A_144, %broadcast_in_dim3A_20 : vector<16xi32>
          %add3A_146 = arith.addi %bitcast_convert_type3A_143, %broadcast_in_dim3A_16 : vector<16xi32>
          %and3A_147 = arith.andi %add3A_146, %broadcast_in_dim3A_18 : vector<16xi32>
          %or3A_148 = arith.ori %shift_right_logical3A_145, %and3A_147 : vector<16xi32>
          %swap3A_149 = arith.index_cast %add3A_118 : i32 to index
          %swap3A_150 = arith.constant 16 : index
          %swap3A_151 = tpu.vector_load %arg5[%swap3A_149, %swap3A_150] {strides = array<i32>} : memref<160x128xi32, #tpu.memory_space<vmem>>, vector<1x16xi32>,
          %swap3A_152 = vector.shape_cast %swap3A_151 : vector<1x16xi32> to vector<16xi32>
          %swap3A_153 = vector.shape_cast %or3A_148 : vector<16xi32> to vector<1x16xi32>
          tpu.vector_store %arg5[%swap3A_149, %swap3A_150], %swap3A_153 {strides = array<i32>} : memref<160x128xi32, #tpu.memory_space<vmem>>, vector<1x16xi32>,
          %get3A_154 = arith.index_cast %add3A_118 : i32 to index
          %get3A_155 = arith.constant 64 : index
          %get3A_156 = tpu.vector_load %arg4[%get3A_154, %get3A_155] {strides = array<i32>} : memref<160x256xf32, #tpu.memory_space<vmem>>, vector<1x16xf32>,
          %get3A_157 = vector.shape_cast %get3A_156 : vector<1x16xf32> to vector<16xf32>
          %get3A_158 = arith.index_cast %add3A_118 : i32 to index
          %get3A_159 = arith.constant 80 : index
          %get3A_160 = tpu.vector_load %arg4[%get3A_158, %get3A_159] {strides = array<i32>} : memref<160x256xf32, #tpu.memory_space<vmem>>, vector<1x16xf32>,
          %get3A_161 = vector.shape_cast %get3A_160 : vector<1x16xf32> to vector<16xf32>
          %bitcast_convert_type3A_162 = tpu.bitcast %get3A_157 : vector<16xf32> -> vector<16xi32>
          %bitcast_convert_type3A_163 = tpu.bitcast %get3A_161 : vector<16xf32> -> vector<16xi32>
          %add3A_164 = arith.addi %bitcast_convert_type3A_162, %broadcast_in_dim3A_16 : vector<16xi32>
          %shift_right_logical3A_165 = arith.shrui %add3A_164, %broadcast_in_dim3A_20 : vector<16xi32>
          %add3A_166 = arith.addi %bitcast_convert_type3A_163, %broadcast_in_dim3A_16 : vector<16xi32>
          %and3A_167 = arith.andi %add3A_166, %broadcast_in_dim3A_18 : vector<16xi32>
          %or3A_168 = arith.ori %shift_right_logical3A_165, %and3A_167 : vector<16xi32>
          %swap3A_169 = arith.index_cast %add3A_118 : i32 to index
          %swap3A_170 = arith.constant 32 : index
          %swap3A_171 = tpu.vector_load %arg5[%swap3A_169, %swap3A_170] {strides = array<i32>} : memref<160x128xi32, #tpu.memory_space<vmem>>, vector<1x16xi32>,
          %swap3A_172 = vector.shape_cast %swap3A_171 : vector<1x16xi32> to vector<16xi32>
          %swap3A_173 = vector.shape_cast %or3A_168 : vector<16xi32> to vector<1x16xi32>
          tpu.vector_store %arg5[%swap3A_169, %swap3A_170], %swap3A_173 {strides = array<i32>} : memref<160x128xi32, #tpu.memory_space<vmem>>, vector<1x16xi32>,
          %get3A_174 = arith.index_cast %add3A_118 : i32 to index
          %get3A_175 = arith.constant 96 : index
          %get3A_176 = tpu.vector_load %arg4[%get3A_174, %get3A_175] {strides = array<i32>} : memref<160x256xf32, #tpu.memory_space<vmem>>, vector<1x16xf32>,
          %get3A_177 = vector.shape_cast %get3A_176 : vector<1x16xf32> to vector<16xf32>
          %get3A_178 = arith.index_cast %add3A_118 : i32 to index
          %get3A_179 = arith.constant 112 : index
          %get3A_180 = tpu.vector_load %arg4[%get3A_178, %get3A_179] {strides = array<i32>} : memref<160x256xf32, #tpu.memory_space<vmem>>, vector<1x16xf32>,
          %get3A_181 = vector.shape_cast %get3A_180 : vector<1x16xf32> to vector<16xf32>
          %bitcast_convert_type3A_182 = tpu.bitcast %get3A_177 : vector<16xf32> -> vector<16xi32>
          %bitcast_convert_type3A_183 = tpu.bitcast %get3A_181 : vector<16xf32> -> vector<16xi32>
          %add3A_184 = arith.addi %bitcast_convert_type3A_182, %broadcast_in_dim3A_16 : vector<16xi32>
          %shift_right_logical3A_185 = arith.shrui %add3A_184, %broadcast_in_dim3A_20 : vector<16xi32>
          %add3A_186 = arith.addi %bitcast_convert_type3A_183, %broadcast_in_dim3A_16 : vector<16xi32>
          %and3A_187 = arith.andi %add3A_186, %broadcast_in_dim3A_18 : vector<16xi32>
          %or3A_188 = arith.ori %shift_right_logical3A_185, %and3A_187 : vector<16xi32>
          %swap3A_189 = arith.index_cast %add3A_118 : i32 to index
          %swap3A_190 = arith.constant 48 : index
          %swap3A_191 = tpu.vector_load %arg5[%swap3A_189, %swap3A_190] {strides = array<i32>} : memref<160x128xi32, #tpu.memory_space<vmem>>, vector<1x16xi32>,
          %swap3A_192 = vector.shape_cast %swap3A_191 : vector<1x16xi32> to vector<16xi32>
          %swap3A_193 = vector.shape_cast %or3A_188 : vector<16xi32> to vector<1x16xi32>
          tpu.vector_store %arg5[%swap3A_189, %swap3A_190], %swap3A_193 {strides = array<i32>} : memref<160x128xi32, #tpu.memory_space<vmem>>, vector<1x16xi32>,
          %get3A_194 = arith.index_cast %add3A_118 : i32 to index
          %get3A_195 = arith.constant 128 : index
          %get3A_196 = tpu.vector_load %arg4[%get3A_194, %get3A_195] {strides = array<i32>} : memref<160x256xf32, #tpu.memory_space<vmem>>, vector<1x16xf32>,
          %get3A_197 = vector.shape_cast %get3A_196 : vector<1x16xf32> to vector<16xf32>
          %get3A_198 = arith.index_cast %add3A_118 : i32 to index
          %get3A_199 = arith.constant 144 : index
          %get3A_200 = tpu.vector_load %arg4[%get3A_198, %get3A_199] {strides = array<i32>} : memref<160x256xf32, #tpu.memory_space<vmem>>, vector<1x16xf32>,
          %get3A_201 = vector.shape_cast %get3A_200 : vector<1x16xf32> to vector<16xf32>
          %bitcast_convert_type3A_202 = tpu.bitcast %get3A_197 : vector<16xf32> -> vector<16xi32>
          %bitcast_convert_type3A_203 = tpu.bitcast %get3A_201 : vector<16xf32> -> vector<16xi32>
          %add3A_204 = arith.addi %bitcast_convert_type3A_202, %broadcast_in_dim3A_16 : vector<16xi32>
          %shift_right_logical3A_205 = arith.shrui %add3A_204, %broadcast_in_dim3A_20 : vector<16xi32>
          %add3A_206 = arith.addi %bitcast_convert_type3A_203, %broadcast_in_dim3A_16 : vector<16xi32>
          %and3A_207 = arith.andi %add3A_206, %broadcast_in_dim3A_18 : vector<16xi32>
          %or3A_208 = arith.ori %shift_right_logical3A_205, %and3A_207 : vector<16xi32>
          %swap3A_209 = arith.index_cast %add3A_118 : i32 to index
          %swap3A_210 = arith.constant 64 : index
          %swap3A_211 = tpu.vector_load %arg5[%swap3A_209, %swap3A_210] {strides = array<i32>} : memref<160x128xi32, #tpu.memory_space<vmem>>, vector<1x16xi32>,
          %swap3A_212 = vector.shape_cast %swap3A_211 : vector<1x16xi32> to vector<16xi32>
          %swap3A_213 = vector.shape_cast %or3A_208 : vector<16xi32> to vector<1x16xi32>
          tpu.vector_store %arg5[%swap3A_209, %swap3A_210], %swap3A_213 {strides = array<i32>} : memref<160x128xi32, #tpu.memory_space<vmem>>, vector<1x16xi32>,
          %get3A_214 = arith.index_cast %add3A_118 : i32 to index
          %get3A_215 = arith.constant 160 : index
          %get3A_216 = tpu.vector_load %arg4[%get3A_214, %get3A_215] {strides = array<i32>} : memref<160x256xf32, #tpu.memory_space<vmem>>, vector<1x16xf32>,
          %get3A_217 = vector.shape_cast %get3A_216 : vector<1x16xf32> to vector<16xf32>
          %get3A_218 = arith.index_cast %add3A_118 : i32 to index
          %get3A_219 = arith.constant 176 : index
          %get3A_220 = tpu.vector_load %arg4[%get3A_218, %get3A_219] {strides = array<i32>} : memref<160x256xf32, #tpu.memory_space<vmem>>, vector<1x16xf32>,
          %get3A_221 = vector.shape_cast %get3A_220 : vector<1x16xf32> to vector<16xf32>
          %bitcast_convert_type3A_222 = tpu.bitcast %get3A_217 : vector<16xf32> -> vector<16xi32>
          %bitcast_convert_type3A_223 = tpu.bitcast %get3A_221 : vector<16xf32> -> vector<16xi32>
          %add3A_224 = arith.addi %bitcast_convert_type3A_222, %broadcast_in_dim3A_16 : vector<16xi32>
          %shift_right_logical3A_225 = arith.shrui %add3A_224, %broadcast_in_dim3A_20 : vector<16xi32>
          %add3A_226 = arith.addi %bitcast_convert_type3A_223, %broadcast_in_dim3A_16 : vector<16xi32>
          %and3A_227 = arith.andi %add3A_226, %broadcast_in_dim3A_18 : vector<16xi32>
          %or3A_228 = arith.ori %shift_right_logical3A_225, %and3A_227 : vector<16xi32>
          %swap3A_229 = arith.index_cast %add3A_118 : i32 to index
          %swap3A_230 = arith.constant 80 : index
          %swap3A_231 = tpu.vector_load %arg5[%swap3A_229, %swap3A_230] {strides = array<i32>} : memref<160x128xi32, #tpu.memory_space<vmem>>, vector<1x16xi32>,
          %swap3A_232 = vector.shape_cast %swap3A_231 : vector<1x16xi32> to vector<16xi32>
          %swap3A_233 = vector.shape_cast %or3A_228 : vector<16xi32> to vector<1x16xi32>
          tpu.vector_store %arg5[%swap3A_229, %swap3A_230], %swap3A_233 {strides = array<i32>} : memref<160x128xi32, #tpu.memory_space<vmem>>, vector<1x16xi32>,
          %get3A_234 = arith.index_cast %add3A_118 : i32 to index
          %get3A_235 = arith.constant 192 : index
          %get3A_236 = tpu.vector_load %arg4[%get3A_234, %get3A_235] {strides = array<i32>} : memref<160x256xf32, #tpu.memory_space<vmem>>, vector<1x16xf32>,
          %get3A_237 = vector.shape_cast %get3A_236 : vector<1x16xf32> to vector<16xf32>
          %get3A_238 = arith.index_cast %add3A_118 : i32 to index
          %get3A_239 = arith.constant 208 : index
          %get3A_240 = tpu.vector_load %arg4[%get3A_238, %get3A_239] {strides = array<i32>} : memref<160x256xf32, #tpu.memory_space<vmem>>, vector<1x16xf32>,
          %get3A_241 = vector.shape_cast %get3A_240 : vector<1x16xf32> to vector<16xf32>
          %bitcast_convert_type3A_242 = tpu.bitcast %get3A_237 : vector<16xf32> -> vector<16xi32>
          %bitcast_convert_type3A_243 = tpu.bitcast %get3A_241 : vector<16xf32> -> vector<16xi32>
          %add3A_244 = arith.addi %bitcast_convert_type3A_242, %broadcast_in_dim3A_16 : vector<16xi32>
          %shift_right_logical3A_245 = arith.shrui %add3A_244, %broadcast_in_dim3A_20 : vector<16xi32>
          %add3A_246 = arith.addi %bitcast_convert_type3A_243, %broadcast_in_dim3A_16 : vector<16xi32>
          %and3A_247 = arith.andi %add3A_246, %broadcast_in_dim3A_18 : vector<16xi32>
          %or3A_248 = arith.ori %shift_right_logical3A_245, %and3A_247 : vector<16xi32>
          %swap3A_249 = arith.index_cast %add3A_118 : i32 to index
          %swap3A_250 = arith.constant 96 : index
          %swap3A_251 = tpu.vector_load %arg5[%swap3A_249, %swap3A_250] {strides = array<i32>} : memref<160x128xi32, #tpu.memory_space<vmem>>, vector<1x16xi32>,
          %swap3A_252 = vector.shape_cast %swap3A_251 : vector<1x16xi32> to vector<16xi32>
          %swap3A_253 = vector.shape_cast %or3A_248 : vector<16xi32> to vector<1x16xi32>
          tpu.vector_store %arg5[%swap3A_249, %swap3A_250], %swap3A_253 {strides = array<i32>} : memref<160x128xi32, #tpu.memory_space<vmem>>, vector<1x16xi32>,
          %get3A_254 = arith.index_cast %add3A_118 : i32 to index
          %get3A_255 = arith.constant 224 : index
          %get3A_256 = tpu.vector_load %arg4[%get3A_254, %get3A_255] {strides = array<i32>} : memref<160x256xf32, #tpu.memory_space<vmem>>, vector<1x16xf32>,
          %get3A_257 = vector.shape_cast %get3A_256 : vector<1x16xf32> to vector<16xf32>
          %get3A_258 = arith.index_cast %add3A_118 : i32 to index
          %get3A_259 = arith.constant 240 : index
          %get3A_260 = tpu.vector_load %arg4[%get3A_258, %get3A_259] {strides = array<i32>} : memref<160x256xf32, #tpu.memory_space<vmem>>, vector<1x16xf32>,
          %get3A_261 = vector.shape_cast %get3A_260 : vector<1x16xf32> to vector<16xf32>
          %bitcast_convert_type3A_262 = tpu.bitcast %get3A_257 : vector<16xf32> -> vector<16xi32>
          %bitcast_convert_type3A_263 = tpu.bitcast %get3A_261 : vector<16xf32> -> vector<16xi32>
          %add3A_264 = arith.addi %bitcast_convert_type3A_262, %broadcast_in_dim3A_16 : vector<16xi32>
          %shift_right_logical3A_265 = arith.shrui %add3A_264, %broadcast_in_dim3A_20 : vector<16xi32>
          %add3A_266 = arith.addi %bitcast_convert_type3A_263, %broadcast_in_dim3A_16 : vector<16xi32>
          %and3A_267 = arith.andi %add3A_266, %broadcast_in_dim3A_18 : vector<16xi32>
          %or3A_268 = arith.ori %shift_right_logical3A_265, %and3A_267 : vector<16xi32>
          %swap3A_269 = arith.index_cast %add3A_118 : i32 to index
          %swap3A_270 = arith.constant 112 : index
          %swap3A_271 = tpu.vector_load %arg5[%swap3A_269, %swap3A_270] {strides = array<i32>} : memref<160x128xi32, #tpu.memory_space<vmem>>, vector<1x16xi32>,
          %swap3A_272 = vector.shape_cast %swap3A_271 : vector<1x16xi32> to vector<16xi32>
          %swap3A_273 = vector.shape_cast %or3A_268 : vector<16xi32> to vector<1x16xi32>
          tpu.vector_store %arg5[%swap3A_269, %swap3A_270], %swap3A_273 {strides = array<i32>} : memref<160x128xi32, #tpu.memory_space<vmem>>, vector<1x16xi32>,
        }
        %scan3A_97 = arith.constant 80 : i32
        %mul3A_98 = arith.constant 80 : i32
        %mul3A_99 = arith.muli %add3A_57, %mul3A_98 : i32
        %add3A_100 = arith.addi %mul3A_2, %mul3A_99 : i32
        %multiple_of3A_101 = tpu.assume_multiple %add3A_100, 8 : i32
        %dma_start3A_102 = arith.constant 80 : i32
        %dma_start3A_103 = arith.constant 0 : i32
        %dma_start3A_104 = tpu.memref_slice %arg5[%dma_start3A_102, %dma_start3A_103] : memref<160x128xi32, #tpu.memory_space<vmem>> -> memref<80x128xi32, #tpu.memory_space<vmem>>
        %dma_start3A_105 = arith.constant 0 : i32
        %dma_start3A_106 = tpu.memref_slice %arg3[%multiple_of3A_101, %dma_start3A_105] : memref<10000x128xi32, #tpu.memory_space<hbm>> -> memref<80x128xi32, #tpu.memory_space<hbm>>
        %dma_start3A_107 = arith.constant 0 : i32
        %dma_start3A_108 = tpu.memref_slice %arg3[%multiple_of3A_101, %dma_start3A_107] : memref<10000x128xi32, #tpu.memory_space<hbm>> -> memref<80x128xi32, #tpu.memory_space<hbm>>
        %dma_start3A_109 = arith.constant 80 : i32
        %dma_start3A_110 = arith.constant 0 : i32
        %dma_start3A_111 = tpu.memref_slice %arg5[%dma_start3A_109, %dma_start3A_110] : memref<160x128xi32, #tpu.memory_space<vmem>> -> memref<80x128xi32, #tpu.memory_space<vmem>>
        tpu.enqueue_dma source(%dma_start3A_111 : memref<80x128xi32, #tpu.memory_space<vmem>>) target(%dma_start3A_108 : memref<80x128xi32, #tpu.memory_space<hbm>>) target_semaphore(%arg9 : memref<!tpu.dma_semaphore, #tpu.memory_space<semaphore_mem>>)
      } else {
      }
    }
    %while3A_36 = arith.constant 1 : i32
    scf.for %while3A_55 = %while3A_34 to %while3A_30 step %while3A_36  : i32 {
      %mul3A_56 = arith.muli %while3A_55, %while3A : i32
      %add3A_57 = arith.addi %while3A_27, %mul3A_56 : i32
      %and3A_58 = arith.constant 1 : i32
      %and3A_59 = arith.andi %add3A_57, %and3A_58 : i32
      %eq3A_60 = arith.constant 0 : i32
      %eq3A_61 = arith.cmpi eq, %and3A_59, %eq3A_60 : i32
      %convert_element_type3A_62 = arith.extui %eq3A_61 : i1 to i32
      %cond3A_63 = arith.constant 0 : i32
      %cond3A_64 = arith.cmpi ne, %convert_element_type3A_62, %cond3A_63 : i32
      scf.if %cond3A_64 {
        %mul3A_70 = arith.constant 80 : i32
        %mul3A_71 = arith.muli %add3A_57, %mul3A_70 : i32
        %add3A_72 = arith.addi %mul3A_2, %mul3A_71 : i32
        %multiple_of3A_73 = tpu.assume_multiple %add3A_72, 8 : i32
        %dma_wait3A = arith.constant 0 : i32
        %dma_wait3A_74 = arith.constant 0 : i32
        %dma_wait3A_75 = tpu.memref_slice %arg4[%dma_wait3A, %dma_wait3A_74] : memref<160x256xf32, #tpu.memory_space<vmem>> -> memref<80x256xf32, #tpu.memory_space<vmem>>
        %dma_wait3A_76 = arith.constant 0 : i32
        %dma_wait3A_77 = tpu.memref_slice %arg2[%multiple_of3A_73, %dma_wait3A_76] : memref<10000x256xf32, #tpu.memory_space<hbm>> -> memref<80x256xf32, #tpu.memory_space<hbm>>
        %dma_wait3A_78 = arith.constant 0 : i32
        %dma_wait3A_79 = arith.constant 0 : i32
        %dma_wait3A_80 = tpu.memref_slice %arg4[%dma_wait3A_78, %dma_wait3A_79] : memref<160x256xf32, #tpu.memory_space<vmem>> -> memref<80x256xf32, #tpu.memory_space<vmem>>
        %dma_wait3A_81 = arith.constant 0 : i32
        %dma_wait3A_82 = tpu.memref_slice %arg2[%multiple_of3A_73, %dma_wait3A_81] : memref<10000x256xf32, #tpu.memory_space<hbm>> -> memref<80x256xf32, #tpu.memory_space<hbm>>
        tpu.wait_dma2 semaphore(%arg6 : memref<!tpu.dma_semaphore, #tpu.memory_space<semaphore_mem>>) src(%dma_wait3A_82 : memref<80x256xf32, #tpu.memory_space<hbm>>) dst(%dma_wait3A_80 : memref<80x256xf32, #tpu.memory_space<vmem>>)
        %add3A_83 = arith.constant 1 : i32
        %add3A_84 = arith.addi %add3A_57, %add3A_83 : i32
        %lt3A_85 = arith.cmpi slt, %add3A_84, %select_n3A : i32
        %convert_element_type3A_86 = arith.extui %lt3A_85 : i1 to i32
        %cond3A_87 = arith.constant 0 : i32
        %cond3A_88 = arith.cmpi ne, %convert_element_type3A_86, %cond3A_87 : i32
        scf.if %cond3A_88 {
          %add3A_112 = arith.constant 1 : i32
          %add3A_113 = arith.addi %add3A_57, %add3A_112 : i32
          %mul3A_114 = arith.constant 80 : i32
          %mul3A_115 = arith.muli %add3A_113, %mul3A_114 : i32
          %add3A_116 = arith.addi %mul3A_2, %mul3A_115 : i32
          %multiple_of3A_117 = tpu.assume_multiple %add3A_116, 8 : i32
          %dma_start3A_118 = arith.constant 80 : i32
          %dma_start3A_119 = arith.constant 0 : i32
          %dma_start3A_120 = tpu.memref_slice %arg4[%dma_start3A_118, %dma_start3A_119] : memref<160x256xf32, #tpu.memory_space<vmem>> -> memref<80x256xf32, #tpu.memory_space<vmem>>
          %dma_start3A_121 = arith.constant 0 : i32
          %dma_start3A_122 = tpu.memref_slice %arg2[%multiple_of3A_117, %dma_start3A_121] : memref<10000x256xf32, #tpu.memory_space<hbm>> -> memref<80x256xf32, #tpu.memory_space<hbm>>
          %dma_start3A_123 = arith.constant 80 : i32
          %dma_start3A_124 = arith.constant 0 : i32
          %dma_start3A_125 = tpu.memref_slice %arg4[%dma_start3A_123, %dma_start3A_124] : memref<160x256xf32, #tpu.memory_space<vmem>> -> memref<80x256xf32, #tpu.memory_space<vmem>>
          %dma_start3A_126 = arith.constant 0 : i32
          %dma_start3A_127 = tpu.memref_slice %arg2[%multiple_of3A_117, %dma_start3A_126] : memref<10000x256xf32, #tpu.memory_space<hbm>> -> memref<80x256xf32, #tpu.memory_space<hbm>>
          tpu.enqueue_dma source(%dma_start3A_127 : memref<80x256xf32, #tpu.memory_space<hbm>>) target(%dma_start3A_125 : memref<80x256xf32, #tpu.memory_space<vmem>>) target_semaphore(%arg7 : memref<!tpu.dma_semaphore, #tpu.memory_space<semaphore_mem>>)
        } else {
        }
        %ge3A_89 = arith.constant 2 : i32
        %ge3A_90 = arith.cmpi sge, %add3A_57, %ge3A_89 : i32
        %convert_element_type3A_91 = arith.extui %ge3A_90 : i1 to i32
        %cond3A_92 = arith.constant 0 : i32
        %cond3A_93 = arith.cmpi ne, %convert_element_type3A_91, %cond3A_92 : i32
        scf.if %cond3A_93 {
          %sub3A_112 = arith.constant 2 : i32
          %sub3A_113 = arith.subi %add3A_57, %sub3A_112 : i32
          %mul3A_114 = arith.constant 80 : i32
          %mul3A_115 = arith.muli %sub3A_113, %mul3A_114 : i32
          %add3A_116 = arith.addi %mul3A_2, %mul3A_115 : i32
          %multiple_of3A_117 = tpu.assume_multiple %add3A_116, 8 : i32
          %dma_wait3A_118 = arith.constant 0 : i32
          %dma_wait3A_119 = arith.constant 0 : i32
          %dma_wait3A_120 = tpu.memref_slice %arg5[%dma_wait3A_118, %dma_wait3A_119] : memref<160x128xi32, #tpu.memory_space<vmem>> -> memref<80x128xi32, #tpu.memory_space<vmem>>
          %dma_wait3A_121 = arith.constant 0 : i32
          %dma_wait3A_122 = tpu.memref_slice %arg3[%multiple_of3A_117, %dma_wait3A_121] : memref<10000x128xi32, #tpu.memory_space<hbm>> -> memref<80x128xi32, #tpu.memory_space<hbm>>
          %dma_wait3A_123 = arith.constant 0 : i32
          %dma_wait3A_124 = tpu.memref_slice %arg3[%multiple_of3A_117, %dma_wait3A_123] : memref<10000x128xi32, #tpu.memory_space<hbm>> -> memref<80x128xi32, #tpu.memory_space<hbm>>
          %dma_wait3A_125 = arith.constant 0 : i32
          %dma_wait3A_126 = arith.constant 0 : i32
          %dma_wait3A_127 = tpu.memref_slice %arg5[%dma_wait3A_125, %dma_wait3A_126] : memref<160x128xi32, #tpu.memory_space<vmem>> -> memref<80x128xi32, #tpu.memory_space<vmem>>
          tpu.wait_dma2 semaphore(%arg8 : memref<!tpu.dma_semaphore, #tpu.memory_space<semaphore_mem>>) src(%dma_wait3A_127 : memref<80x128xi32, #tpu.memory_space<vmem>>) dst(%dma_wait3A_124 : memref<80x128xi32, #tpu.memory_space<hbm>>)
        } else {
        }
        %scan3A = arith.constant 0 : i32
        %scan3A_94 = arith.constant 80 : i32
        %scan3A_95 = arith.addi %scan3A, %scan3A_94 : i32
        %scan3A_96 = arith.constant 1 : i32
        scf.for %scan3A_112 = %scan3A to %scan3A_95 step %scan3A_96  : i32 {
          %mul3A_113 = arith.constant 1 : i32
          %mul3A_114 = arith.muli %scan3A_112, %mul3A_113 : i32
          %add3A_115 = arith.constant 0 : i32
          %add3A_116 = arith.addi %add3A_115, %mul3A_114 : i32
          %add3A_117 = arith.constant 0 : i32
          %add3A_118 = arith.addi %add3A_116, %add3A_117 : i32
          %get3A = arith.index_cast %add3A_118 : i32 to index
          %get3A_119 = arith.constant 0 : index
          %get3A_120 = tpu.vector_load %arg4[%get3A, %get3A_119] {strides = array<i32>} : memref<160x256xf32, #tpu.memory_space<vmem>>, vector<1x16xf32>,
          %get3A_121 = vector.shape_cast %get3A_120 : vector<1x16xf32> to vector<16xf32>
          %get3A_122 = arith.index_cast %add3A_118 : i32 to index
          %get3A_123 = arith.constant 16 : index
          %get3A_124 = tpu.vector_load %arg4[%get3A_122, %get3A_123] {strides = array<i32>} : memref<160x256xf32, #tpu.memory_space<vmem>>, vector<1x16xf32>,
          %get3A_125 = vector.shape_cast %get3A_124 : vector<1x16xf32> to vector<16xf32>
          %bitcast_convert_type3A = tpu.bitcast %get3A_121 : vector<16xf32> -> vector<16xi32>
          %bitcast_convert_type3A_126 = tpu.bitcast %get3A_125 : vector<16xf32> -> vector<16xi32>
          %add3A_127 = arith.addi %bitcast_convert_type3A, %broadcast_in_dim3A_16 : vector<16xi32>
          %shift_right_logical3A = arith.shrui %add3A_127, %broadcast_in_dim3A_20 : vector<16xi32>
          %add3A_128 = arith.addi %bitcast_convert_type3A_126, %broadcast_in_dim3A_16 : vector<16xi32>
          %and3A_129 = arith.andi %add3A_128, %broadcast_in_dim3A_18 : vector<16xi32>
          %or3A = arith.ori %shift_right_logical3A, %and3A_129 : vector<16xi32>
          %swap3A = arith.index_cast %add3A_118 : i32 to index
          %swap3A_130 = arith.constant 0 : index
          %swap3A_131 = tpu.vector_load %arg5[%swap3A, %swap3A_130] {strides = array<i32>} : memref<160x128xi32, #tpu.memory_space<vmem>>, vector<1x16xi32>,
          %swap3A_132 = vector.shape_cast %swap3A_131 : vector<1x16xi32> to vector<16xi32>
          %swap3A_133 = vector.shape_cast %or3A : vector<16xi32> to vector<1x16xi32>
          tpu.vector_store %arg5[%swap3A, %swap3A_130], %swap3A_133 {strides = array<i32>} : memref<160x128xi32, #tpu.memory_space<vmem>>, vector<1x16xi32>,
          %get3A_134 = arith.index_cast %add3A_118 : i32 to index
          %get3A_135 = arith.constant 32 : index
          %get3A_136 = tpu.vector_load %arg4[%get3A_134, %get3A_135] {strides = array<i32>} : memref<160x256xf32, #tpu.memory_space<vmem>>, vector<1x16xf32>,
          %get3A_137 = vector.shape_cast %get3A_136 : vector<1x16xf32> to vector<16xf32>
          %get3A_138 = arith.index_cast %add3A_118 : i32 to index
          %get3A_139 = arith.constant 48 : index
          %get3A_140 = tpu.vector_load %arg4[%get3A_138, %get3A_139] {strides = array<i32>} : memref<160x256xf32, #tpu.memory_space<vmem>>, vector<1x16xf32>,
          %get3A_141 = vector.shape_cast %get3A_140 : vector<1x16xf32> to vector<16xf32>
          %bitcast_convert_type3A_142 = tpu.bitcast %get3A_137 : vector<16xf32> -> vector<16xi32>
          %bitcast_convert_type3A_143 = tpu.bitcast %get3A_141 : vector<16xf32> -> vector<16xi32>
          %add3A_144 = arith.addi %bitcast_convert_type3A_142, %broadcast_in_dim3A_16 : vector<16xi32>
          %shift_right_logical3A_145 = arith.shrui %add3A_144, %broadcast_in_dim3A_20 : vector<16xi32>
          %add3A_146 = arith.addi %bitcast_convert_type3A_143, %broadcast_in_dim3A_16 : vector<16xi32>
          %and3A_147 = arith.andi %add3A_146, %broadcast_in_dim3A_18 : vector<16xi32>
          %or3A_148 = arith.ori %shift_right_logical3A_145, %and3A_147 : vector<16xi32>
          %swap3A_149 = arith.index_cast %add3A_118 : i32 to index
          %swap3A_150 = arith.constant 16 : index
          %swap3A_151 = tpu.vector_load %arg5[%swap3A_149, %swap3A_150] {strides = array<i32>} : memref<160x128xi32, #tpu.memory_space<vmem>>, vector<1x16xi32>,
          %swap3A_152 = vector.shape_cast %swap3A_151 : vector<1x16xi32> to vector<16xi32>
          %swap3A_153 = vector.shape_cast %or3A_148 : vector<16xi32> to vector<1x16xi32>
          tpu.vector_store %arg5[%swap3A_149, %swap3A_150], %swap3A_153 {strides = array<i32>} : memref<160x128xi32, #tpu.memory_space<vmem>>, vector<1x16xi32>,
          %get3A_154 = arith.index_cast %add3A_118 : i32 to index
          %get3A_155 = arith.constant 64 : index
          %get3A_156 = tpu.vector_load %arg4[%get3A_154, %get3A_155] {strides = array<i32>} : memref<160x256xf32, #tpu.memory_space<vmem>>, vector<1x16xf32>,
          %get3A_157 = vector.shape_cast %get3A_156 : vector<1x16xf32> to vector<16xf32>
          %get3A_158 = arith.index_cast %add3A_118 : i32 to index
          %get3A_159 = arith.constant 80 : index
          %get3A_160 = tpu.vector_load %arg4[%get3A_158, %get3A_159] {strides = array<i32>} : memref<160x256xf32, #tpu.memory_space<vmem>>, vector<1x16xf32>,
          %get3A_161 = vector.shape_cast %get3A_160 : vector<1x16xf32> to vector<16xf32>
          %bitcast_convert_type3A_162 = tpu.bitcast %get3A_157 : vector<16xf32> -> vector<16xi32>
          %bitcast_convert_type3A_163 = tpu.bitcast %get3A_161 : vector<16xf32> -> vector<16xi32>
          %add3A_164 = arith.addi %bitcast_convert_type3A_162, %broadcast_in_dim3A_16 : vector<16xi32>
          %shift_right_logical3A_165 = arith.shrui %add3A_164, %broadcast_in_dim3A_20 : vector<16xi32>
          %add3A_166 = arith.addi %bitcast_convert_type3A_163, %broadcast_in_dim3A_16 : vector<16xi32>
          %and3A_167 = arith.andi %add3A_166, %broadcast_in_dim3A_18 : vector<16xi32>
          %or3A_168 = arith.ori %shift_right_logical3A_165, %and3A_167 : vector<16xi32>
          %swap3A_169 = arith.index_cast %add3A_118 : i32 to index
          %swap3A_170 = arith.constant 32 : index
          %swap3A_171 = tpu.vector_load %arg5[%swap3A_169, %swap3A_170] {strides = array<i32>} : memref<160x128xi32, #tpu.memory_space<vmem>>, vector<1x16xi32>,
          %swap3A_172 = vector.shape_cast %swap3A_171 : vector<1x16xi32> to vector<16xi32>
          %swap3A_173 = vector.shape_cast %or3A_168 : vector<16xi32> to vector<1x16xi32>
          tpu.vector_store %arg5[%swap3A_169, %swap3A_170], %swap3A_173 {strides = array<i32>} : memref<160x128xi32, #tpu.memory_space<vmem>>, vector<1x16xi32>,
          %get3A_174 = arith.index_cast %add3A_118 : i32 to index
          %get3A_175 = arith.constant 96 : index
          %get3A_176 = tpu.vector_load %arg4[%get3A_174, %get3A_175] {strides = array<i32>} : memref<160x256xf32, #tpu.memory_space<vmem>>, vector<1x16xf32>,
          %get3A_177 = vector.shape_cast %get3A_176 : vector<1x16xf32> to vector<16xf32>
          %get3A_178 = arith.index_cast %add3A_118 : i32 to index
          %get3A_179 = arith.constant 112 : index
          %get3A_180 = tpu.vector_load %arg4[%get3A_178, %get3A_179] {strides = array<i32>} : memref<160x256xf32, #tpu.memory_space<vmem>>, vector<1x16xf32>,
          %get3A_181 = vector.shape_cast %get3A_180 : vector<1x16xf32> to vector<16xf32>
          %bitcast_convert_type3A_182 = tpu.bitcast %get3A_177 : vector<16xf32> -> vector<16xi32>
          %bitcast_convert_type3A_183 = tpu.bitcast %get3A_181 : vector<16xf32> -> vector<16xi32>
          %add3A_184 = arith.addi %bitcast_convert_type3A_182, %broadcast_in_dim3A_16 : vector<16xi32>
          %shift_right_logical3A_185 = arith.shrui %add3A_184, %broadcast_in_dim3A_20 : vector<16xi32>
          %add3A_186 = arith.addi %bitcast_convert_type3A_183, %broadcast_in_dim3A_16 : vector<16xi32>
          %and3A_187 = arith.andi %add3A_186, %broadcast_in_dim3A_18 : vector<16xi32>
          %or3A_188 = arith.ori %shift_right_logical3A_185, %and3A_187 : vector<16xi32>
          %swap3A_189 = arith.index_cast %add3A_118 : i32 to index
          %swap3A_190 = arith.constant 48 : index
          %swap3A_191 = tpu.vector_load %arg5[%swap3A_189, %swap3A_190] {strides = array<i32>} : memref<160x128xi32, #tpu.memory_space<vmem>>, vector<1x16xi32>,
          %swap3A_192 = vector.shape_cast %swap3A_191 : vector<1x16xi32> to vector<16xi32>
          %swap3A_193 = vector.shape_cast %or3A_188 : vector<16xi32> to vector<1x16xi32>
          tpu.vector_store %arg5[%swap3A_189, %swap3A_190], %swap3A_193 {strides = array<i32>} : memref<160x128xi32, #tpu.memory_space<vmem>>, vector<1x16xi32>,
          %get3A_194 = arith.index_cast %add3A_118 : i32 to index
          %get3A_195 = arith.constant 128 : index
          %get3A_196 = tpu.vector_load %arg4[%get3A_194, %get3A_195] {strides = array<i32>} : memref<160x256xf32, #tpu.memory_space<vmem>>, vector<1x16xf32>,
          %get3A_197 = vector.shape_cast %get3A_196 : vector<1x16xf32> to vector<16xf32>
          %get3A_198 = arith.index_cast %add3A_118 : i32 to index
          %get3A_199 = arith.constant 144 : index
          %get3A_200 = tpu.vector_load %arg4[%get3A_198, %get3A_199] {strides = array<i32>} : memref<160x256xf32, #tpu.memory_space<vmem>>, vector<1x16xf32>,
          %get3A_201 = vector.shape_cast %get3A_200 : vector<1x16xf32> to vector<16xf32>
          %bitcast_convert_type3A_202 = tpu.bitcast %get3A_197 : vector<16xf32> -> vector<16xi32>
          %bitcast_convert_type3A_203 = tpu.bitcast %get3A_201 : vector<16xf32> -> vector<16xi32>
          %add3A_204 = arith.addi %bitcast_convert_type3A_202, %broadcast_in_dim3A_16 : vector<16xi32>
          %shift_right_logical3A_205 = arith.shrui %add3A_204, %broadcast_in_dim3A_20 : vector<16xi32>
          %add3A_206 = arith.addi %bitcast_convert_type3A_203, %broadcast_in_dim3A_16 : vector<16xi32>
          %and3A_207 = arith.andi %add3A_206, %broadcast_in_dim3A_18 : vector<16xi32>
          %or3A_208 = arith.ori %shift_right_logical3A_205, %and3A_207 : vector<16xi32>
          %swap3A_209 = arith.index_cast %add3A_118 : i32 to index
          %swap3A_210 = arith.constant 64 : index
          %swap3A_211 = tpu.vector_load %arg5[%swap3A_209, %swap3A_210] {strides = array<i32>} : memref<160x128xi32, #tpu.memory_space<vmem>>, vector<1x16xi32>,
          %swap3A_212 = vector.shape_cast %swap3A_211 : vector<1x16xi32> to vector<16xi32>
          %swap3A_213 = vector.shape_cast %or3A_208 : vector<16xi32> to vector<1x16xi32>
          tpu.vector_store %arg5[%swap3A_209, %swap3A_210], %swap3A_213 {strides = array<i32>} : memref<160x128xi32, #tpu.memory_space<vmem>>, vector<1x16xi32>,
          %get3A_214 = arith.index_cast %add3A_118 : i32 to index
          %get3A_215 = arith.constant 160 : index
          %get3A_216 = tpu.vector_load %arg4[%get3A_214, %get3A_215] {strides = array<i32>} : memref<160x256xf32, #tpu.memory_space<vmem>>, vector<1x16xf32>,
          %get3A_217 = vector.shape_cast %get3A_216 : vector<1x16xf32> to vector<16xf32>
          %get3A_218 = arith.index_cast %add3A_118 : i32 to index
          %get3A_219 = arith.constant 176 : index
          %get3A_220 = tpu.vector_load %arg4[%get3A_218, %get3A_219] {strides = array<i32>} : memref<160x256xf32, #tpu.memory_space<vmem>>, vector<1x16xf32>,
          %get3A_221 = vector.shape_cast %get3A_220 : vector<1x16xf32> to vector<16xf32>
          %bitcast_convert_type3A_222 = tpu.bitcast %get3A_217 : vector<16xf32> -> vector<16xi32>
          %bitcast_convert_type3A_223 = tpu.bitcast %get3A_221 : vector<16xf32> -> vector<16xi32>
          %add3A_224 = arith.addi %bitcast_convert_type3A_222, %broadcast_in_dim3A_16 : vector<16xi32>
          %shift_right_logical3A_225 = arith.shrui %add3A_224, %broadcast_in_dim3A_20 : vector<16xi32>
          %add3A_226 = arith.addi %bitcast_convert_type3A_223, %broadcast_in_dim3A_16 : vector<16xi32>
          %and3A_227 = arith.andi %add3A_226, %broadcast_in_dim3A_18 : vector<16xi32>
          %or3A_228 = arith.ori %shift_right_logical3A_225, %and3A_227 : vector<16xi32>
          %swap3A_229 = arith.index_cast %add3A_118 : i32 to index
          %swap3A_230 = arith.constant 80 : index
          %swap3A_231 = tpu.vector_load %arg5[%swap3A_229, %swap3A_230] {strides = array<i32>} : memref<160x128xi32, #tpu.memory_space<vmem>>, vector<1x16xi32>,
          %swap3A_232 = vector.shape_cast %swap3A_231 : vector<1x16xi32> to vector<16xi32>
          %swap3A_233 = vector.shape_cast %or3A_228 : vector<16xi32> to vector<1x16xi32>
          tpu.vector_store %arg5[%swap3A_229, %swap3A_230], %swap3A_233 {strides = array<i32>} : memref<160x128xi32, #tpu.memory_space<vmem>>, vector<1x16xi32>,
          %get3A_234 = arith.index_cast %add3A_118 : i32 to index
          %get3A_235 = arith.constant 192 : index
          %get3A_236 = tpu.vector_load %arg4[%get3A_234, %get3A_235] {strides = array<i32>} : memref<160x256xf32, #tpu.memory_space<vmem>>, vector<1x16xf32>,
          %get3A_237 = vector.shape_cast %get3A_236 : vector<1x16xf32> to vector<16xf32>
          %get3A_238 = arith.index_cast %add3A_118 : i32 to index
          %get3A_239 = arith.constant 208 : index
          %get3A_240 = tpu.vector_load %arg4[%get3A_238, %get3A_239] {strides = array<i32>} : memref<160x256xf32, #tpu.memory_space<vmem>>, vector<1x16xf32>,
          %get3A_241 = vector.shape_cast %get3A_240 : vector<1x16xf32> to vector<16xf32>
          %bitcast_convert_type3A_242 = tpu.bitcast %get3A_237 : vector<16xf32> -> vector<16xi32>
          %bitcast_convert_type3A_243 = tpu.bitcast %get3A_241 : vector<16xf32> -> vector<16xi32>
          %add3A_244 = arith.addi %bitcast_convert_type3A_242, %broadcast_in_dim3A_16 : vector<16xi32>
          %shift_right_logical3A_245 = arith.shrui %add3A_244, %broadcast_in_dim3A_20 : vector<16xi32>
          %add3A_246 = arith.addi %bitcast_convert_type3A_243, %broadcast_in_dim3A_16 : vector<16xi32>
          %and3A_247 = arith.andi %add3A_246, %broadcast_in_dim3A_18 : vector<16xi32>
          %or3A_248 = arith.ori %shift_right_logical3A_245, %and3A_247 : vector<16xi32>
          %swap3A_249 = arith.index_cast %add3A_118 : i32 to index
          %swap3A_250 = arith.constant 96 : index
          %swap3A_251 = tpu.vector_load %arg5[%swap3A_249, %swap3A_250] {strides = array<i32>} : memref<160x128xi32, #tpu.memory_space<vmem>>, vector<1x16xi32>,
          %swap3A_252 = vector.shape_cast %swap3A_251 : vector<1x16xi32> to vector<16xi32>
          %swap3A_253 = vector.shape_cast %or3A_248 : vector<16xi32> to vector<1x16xi32>
          tpu.vector_store %arg5[%swap3A_249, %swap3A_250], %swap3A_253 {strides = array<i32>} : memref<160x128xi32, #tpu.memory_space<vmem>>, vector<1x16xi32>,
          %get3A_254 = arith.index_cast %add3A_118 : i32 to index
          %get3A_255 = arith.constant 224 : index
          %get3A_256 = tpu.vector_load %arg4[%get3A_254, %get3A_255] {strides = array<i32>} : memref<160x256xf32, #tpu.memory_space<vmem>>, vector<1x16xf32>,
          %get3A_257 = vector.shape_cast %get3A_256 : vector<1x16xf32> to vector<16xf32>
          %get3A_258 = arith.index_cast %add3A_118 : i32 to index
          %get3A_259 = arith.constant 240 : index
          %get3A_260 = tpu.vector_load %arg4[%get3A_258, %get3A_259] {strides = array<i32>} : memref<160x256xf32, #tpu.memory_space<vmem>>, vector<1x16xf32>,
          %get3A_261 = vector.shape_cast %get3A_260 : vector<1x16xf32> to vector<16xf32>
          %bitcast_convert_type3A_262 = tpu.bitcast %get3A_257 : vector<16xf32> -> vector<16xi32>
          %bitcast_convert_type3A_263 = tpu.bitcast %get3A_261 : vector<16xf32> -> vector<16xi32>
          %add3A_264 = arith.addi %bitcast_convert_type3A_262, %broadcast_in_dim3A_16 : vector<16xi32>
          %shift_right_logical3A_265 = arith.shrui %add3A_264, %broadcast_in_dim3A_20 : vector<16xi32>
          %add3A_266 = arith.addi %bitcast_convert_type3A_263, %broadcast_in_dim3A_16 : vector<16xi32>
          %and3A_267 = arith.andi %add3A_266, %broadcast_in_dim3A_18 : vector<16xi32>
          %or3A_268 = arith.ori %shift_right_logical3A_265, %and3A_267 : vector<16xi32>
          %swap3A_269 = arith.index_cast %add3A_118 : i32 to index
          %swap3A_270 = arith.constant 112 : index
          %swap3A_271 = tpu.vector_load %arg5[%swap3A_269, %swap3A_270] {strides = array<i32>} : memref<160x128xi32, #tpu.memory_space<vmem>>, vector<1x16xi32>,
          %swap3A_272 = vector.shape_cast %swap3A_271 : vector<1x16xi32> to vector<16xi32>
          %swap3A_273 = vector.shape_cast %or3A_268 : vector<16xi32> to vector<1x16xi32>
          tpu.vector_store %arg5[%swap3A_269, %swap3A_270], %swap3A_273 {strides = array<i32>} : memref<160x128xi32, #tpu.memory_space<vmem>>, vector<1x16xi32>,
        }
        %scan3A_97 = arith.constant 80 : i32
        %mul3A_98 = arith.constant 80 : i32
        %mul3A_99 = arith.muli %add3A_57, %mul3A_98 : i32
        %add3A_100 = arith.addi %mul3A_2, %mul3A_99 : i32
        %multiple_of3A_101 = tpu.assume_multiple %add3A_100, 8 : i32
        %dma_start3A_102 = arith.constant 0 : i32
        %dma_start3A_103 = arith.constant 0 : i32
        %dma_start3A_104 = tpu.memref_slice %arg5[%dma_start3A_102, %dma_start3A_103] : memref<160x128xi32, #tpu.memory_space<vmem>> -> memref<80x128xi32, #tpu.memory_space<vmem>>
        %dma_start3A_105 = arith.constant 0 : i32
        %dma_start3A_106 = tpu.memref_slice %arg3[%multiple_of3A_101, %dma_start3A_105] : memref<10000x128xi32, #tpu.memory_space<hbm>> -> memref<80x128xi32, #tpu.memory_space<hbm>>
        %dma_start3A_107 = arith.constant 0 : i32
        %dma_start3A_108 = tpu.memref_slice %arg3[%multiple_of3A_101, %dma_start3A_107] : memref<10000x128xi32, #tpu.memory_space<hbm>> -> memref<80x128xi32, #tpu.memory_space<hbm>>
        %dma_start3A_109 = arith.constant 0 : i32
        %dma_start3A_110 = arith.constant 0 : i32
        %dma_start3A_111 = tpu.memref_slice %arg5[%dma_start3A_109, %dma_start3A_110] : memref<160x128xi32, #tpu.memory_space<vmem>> -> memref<80x128xi32, #tpu.memory_space<vmem>>
        tpu.enqueue_dma source(%dma_start3A_111 : memref<80x128xi32, #tpu.memory_space<vmem>>) target(%dma_start3A_108 : memref<80x128xi32, #tpu.memory_space<hbm>>) target_semaphore(%arg8 : memref<!tpu.dma_semaphore, #tpu.memory_space<semaphore_mem>>)
      } else {
      }
      %eq3A_65 = arith.constant 1 : i32
      %eq3A_66 = arith.cmpi eq, %and3A_59, %eq3A_65 : i32
      %convert_element_type3A_67 = arith.extui %eq3A_66 : i1 to i32
      %cond3A_68 = arith.constant 0 : i32
      %cond3A_69 = arith.cmpi ne, %convert_element_type3A_67, %cond3A_68 : i32
      scf.if %cond3A_69 {
        %mul3A_70 = arith.constant 80 : i32
        %mul3A_71 = arith.muli %add3A_57, %mul3A_70 : i32
        %add3A_72 = arith.addi %mul3A_2, %mul3A_71 : i32
        %multiple_of3A_73 = tpu.assume_multiple %add3A_72, 8 : i32
        %dma_wait3A = arith.constant 80 : i32
        %dma_wait3A_74 = arith.constant 0 : i32
        %dma_wait3A_75 = tpu.memref_slice %arg4[%dma_wait3A, %dma_wait3A_74] : memref<160x256xf32, #tpu.memory_space<vmem>> -> memref<80x256xf32, #tpu.memory_space<vmem>>
        %dma_wait3A_76 = arith.constant 0 : i32
        %dma_wait3A_77 = tpu.memref_slice %arg2[%multiple_of3A_73, %dma_wait3A_76] : memref<10000x256xf32, #tpu.memory_space<hbm>> -> memref<80x256xf32, #tpu.memory_space<hbm>>
        %dma_wait3A_78 = arith.constant 80 : i32
        %dma_wait3A_79 = arith.constant 0 : i32
        %dma_wait3A_80 = tpu.memref_slice %arg4[%dma_wait3A_78, %dma_wait3A_79] : memref<160x256xf32, #tpu.memory_space<vmem>> -> memref<80x256xf32, #tpu.memory_space<vmem>>
        %dma_wait3A_81 = arith.constant 0 : i32
        %dma_wait3A_82 = tpu.memref_slice %arg2[%multiple_of3A_73, %dma_wait3A_81] : memref<10000x256xf32, #tpu.memory_space<hbm>> -> memref<80x256xf32, #tpu.memory_space<hbm>>
        tpu.wait_dma2 semaphore(%arg7 : memref<!tpu.dma_semaphore, #tpu.memory_space<semaphore_mem>>) src(%dma_wait3A_82 : memref<80x256xf32, #tpu.memory_space<hbm>>) dst(%dma_wait3A_80 : memref<80x256xf32, #tpu.memory_space<vmem>>)
        %add3A_83 = arith.constant 1 : i32
        %add3A_84 = arith.addi %add3A_57, %add3A_83 : i32
        %lt3A_85 = arith.cmpi slt, %add3A_84, %select_n3A : i32
        %convert_element_type3A_86 = arith.extui %lt3A_85 : i1 to i32
        %cond3A_87 = arith.constant 0 : i32
        %cond3A_88 = arith.cmpi ne, %convert_element_type3A_86, %cond3A_87 : i32
        scf.if %cond3A_88 {
          %add3A_112 = arith.constant 1 : i32
          %add3A_113 = arith.addi %add3A_57, %add3A_112 : i32
          %mul3A_114 = arith.constant 80 : i32
          %mul3A_115 = arith.muli %add3A_113, %mul3A_114 : i32
          %add3A_116 = arith.addi %mul3A_2, %mul3A_115 : i32
          %multiple_of3A_117 = tpu.assume_multiple %add3A_116, 8 : i32
          %dma_start3A_118 = arith.constant 0 : i32
          %dma_start3A_119 = arith.constant 0 : i32
          %dma_start3A_120 = tpu.memref_slice %arg4[%dma_start3A_118, %dma_start3A_119] : memref<160x256xf32, #tpu.memory_space<vmem>> -> memref<80x256xf32, #tpu.memory_space<vmem>>
          %dma_start3A_121 = arith.constant 0 : i32
          %dma_start3A_122 = tpu.memref_slice %arg2[%multiple_of3A_117, %dma_start3A_121] : memref<10000x256xf32, #tpu.memory_space<hbm>> -> memref<80x256xf32, #tpu.memory_space<hbm>>
          %dma_start3A_123 = arith.constant 0 : i32
          %dma_start3A_124 = arith.constant 0 : i32
          %dma_start3A_125 = tpu.memref_slice %arg4[%dma_start3A_123, %dma_start3A_124] : memref<160x256xf32, #tpu.memory_space<vmem>> -> memref<80x256xf32, #tpu.memory_space<vmem>>
          %dma_start3A_126 = arith.constant 0 : i32
          %dma_start3A_127 = tpu.memref_slice %arg2[%multiple_of3A_117, %dma_start3A_126] : memref<10000x256xf32, #tpu.memory_space<hbm>> -> memref<80x256xf32, #tpu.memory_space<hbm>>
          tpu.enqueue_dma source(%dma_start3A_127 : memref<80x256xf32, #tpu.memory_space<hbm>>) target(%dma_start3A_125 : memref<80x256xf32, #tpu.memory_space<vmem>>) target_semaphore(%arg6 : memref<!tpu.dma_semaphore, #tpu.memory_space<semaphore_mem>>)
        } else {
        }
        %ge3A_89 = arith.constant 2 : i32
        %ge3A_90 = arith.cmpi sge, %add3A_57, %ge3A_89 : i32
        %convert_element_type3A_91 = arith.extui %ge3A_90 : i1 to i32
        %cond3A_92 = arith.constant 0 : i32
        %cond3A_93 = arith.cmpi ne, %convert_element_type3A_91, %cond3A_92 : i32
        scf.if %cond3A_93 {
          %sub3A_112 = arith.constant 2 : i32
          %sub3A_113 = arith.subi %add3A_57, %sub3A_112 : i32
          %mul3A_114 = arith.constant 80 : i32
          %mul3A_115 = arith.muli %sub3A_113, %mul3A_114 : i32
          %add3A_116 = arith.addi %mul3A_2, %mul3A_115 : i32
          %multiple_of3A_117 = tpu.assume_multiple %add3A_116, 8 : i32
          %dma_wait3A_118 = arith.constant 80 : i32
          %dma_wait3A_119 = arith.constant 0 : i32
          %dma_wait3A_120 = tpu.memref_slice %arg5[%dma_wait3A_118, %dma_wait3A_119] : memref<160x128xi32, #tpu.memory_space<vmem>> -> memref<80x128xi32, #tpu.memory_space<vmem>>
          %dma_wait3A_121 = arith.constant 0 : i32
          %dma_wait3A_122 = tpu.memref_slice %arg3[%multiple_of3A_117, %dma_wait3A_121] : memref<10000x128xi32, #tpu.memory_space<hbm>> -> memref<80x128xi32, #tpu.memory_space<hbm>>
          %dma_wait3A_123 = arith.constant 0 : i32
          %dma_wait3A_124 = tpu.memref_slice %arg3[%multiple_of3A_117, %dma_wait3A_123] : memref<10000x128xi32, #tpu.memory_space<hbm>> -> memref<80x128xi32, #tpu.memory_space<hbm>>
          %dma_wait3A_125 = arith.constant 80 : i32
          %dma_wait3A_126 = arith.constant 0 : i32
          %dma_wait3A_127 = tpu.memref_slice %arg5[%dma_wait3A_125, %dma_wait3A_126] : memref<160x128xi32, #tpu.memory_space<vmem>> -> memref<80x128xi32, #tpu.memory_space<vmem>>
          tpu.wait_dma2 semaphore(%arg9 : memref<!tpu.dma_semaphore, #tpu.memory_space<semaphore_mem>>) src(%dma_wait3A_127 : memref<80x128xi32, #tpu.memory_space<vmem>>) dst(%dma_wait3A_124 : memref<80x128xi32, #tpu.memory_space<hbm>>)
        } else {
        }
        %scan3A = arith.constant 0 : i32
        %scan3A_94 = arith.constant 80 : i32
        %scan3A_95 = arith.addi %scan3A, %scan3A_94 : i32
        %scan3A_96 = arith.constant 1 : i32
        scf.for %scan3A_112 = %scan3A to %scan3A_95 step %scan3A_96  : i32 {
          %mul3A_113 = arith.constant 1 : i32
          %mul3A_114 = arith.muli %scan3A_112, %mul3A_113 : i32
          %add3A_115 = arith.constant 0 : i32
          %add3A_116 = arith.addi %add3A_115, %mul3A_114 : i32
          %add3A_117 = arith.constant 80 : i32
          %add3A_118 = arith.addi %add3A_116, %add3A_117 : i32
          %get3A = arith.index_cast %add3A_118 : i32 to index
          %get3A_119 = arith.constant 0 : index
          %get3A_120 = tpu.vector_load %arg4[%get3A, %get3A_119] {strides = array<i32>} : memref<160x256xf32, #tpu.memory_space<vmem>>, vector<1x16xf32>,
          %get3A_121 = vector.shape_cast %get3A_120 : vector<1x16xf32> to vector<16xf32>
          %get3A_122 = arith.index_cast %add3A_118 : i32 to index
          %get3A_123 = arith.constant 16 : index
          %get3A_124 = tpu.vector_load %arg4[%get3A_122, %get3A_123] {strides = array<i32>} : memref<160x256xf32, #tpu.memory_space<vmem>>, vector<1x16xf32>,
          %get3A_125 = vector.shape_cast %get3A_124 : vector<1x16xf32> to vector<16xf32>
          %bitcast_convert_type3A = tpu.bitcast %get3A_121 : vector<16xf32> -> vector<16xi32>
          %bitcast_convert_type3A_126 = tpu.bitcast %get3A_125 : vector<16xf32> -> vector<16xi32>
          %add3A_127 = arith.addi %bitcast_convert_type3A, %broadcast_in_dim3A_16 : vector<16xi32>
          %shift_right_logical3A = arith.shrui %add3A_127, %broadcast_in_dim3A_20 : vector<16xi32>
          %add3A_128 = arith.addi %bitcast_convert_type3A_126, %broadcast_in_dim3A_16 : vector<16xi32>
          %and3A_129 = arith.andi %add3A_128, %broadcast_in_dim3A_18 : vector<16xi32>
          %or3A = arith.ori %shift_right_logical3A, %and3A_129 : vector<16xi32>
          %swap3A = arith.index_cast %add3A_118 : i32 to index
          %swap3A_130 = arith.constant 0 : index
          %swap3A_131 = tpu.vector_load %arg5[%swap3A, %swap3A_130] {strides = array<i32>} : memref<160x128xi32, #tpu.memory_space<vmem>>, vector<1x16xi32>,
          %swap3A_132 = vector.shape_cast %swap3A_131 : vector<1x16xi32> to vector<16xi32>
          %swap3A_133 = vector.shape_cast %or3A : vector<16xi32> to vector<1x16xi32>
          tpu.vector_store %arg5[%swap3A, %swap3A_130], %swap3A_133 {strides = array<i32>} : memref<160x128xi32, #tpu.memory_space<vmem>>, vector<1x16xi32>,
          %get3A_134 = arith.index_cast %add3A_118 : i32 to index
          %get3A_135 = arith.constant 32 : index
          %get3A_136 = tpu.vector_load %arg4[%get3A_134, %get3A_135] {strides = array<i32>} : memref<160x256xf32, #tpu.memory_space<vmem>>, vector<1x16xf32>,
          %get3A_137 = vector.shape_cast %get3A_136 : vector<1x16xf32> to vector<16xf32>
          %get3A_138 = arith.index_cast %add3A_118 : i32 to index
          %get3A_139 = arith.constant 48 : index
          %get3A_140 = tpu.vector_load %arg4[%get3A_138, %get3A_139] {strides = array<i32>} : memref<160x256xf32, #tpu.memory_space<vmem>>, vector<1x16xf32>,
          %get3A_141 = vector.shape_cast %get3A_140 : vector<1x16xf32> to vector<16xf32>
          %bitcast_convert_type3A_142 = tpu.bitcast %get3A_137 : vector<16xf32> -> vector<16xi32>
          %bitcast_convert_type3A_143 = tpu.bitcast %get3A_141 : vector<16xf32> -> vector<16xi32>
          %add3A_144 = arith.addi %bitcast_convert_type3A_142, %broadcast_in_dim3A_16 : vector<16xi32>
          %shift_right_logical3A_145 = arith.shrui %add3A_144, %broadcast_in_dim3A_20 : vector<16xi32>
          %add3A_146 = arith.addi %bitcast_convert_type3A_143, %broadcast_in_dim3A_16 : vector<16xi32>
          %and3A_147 = arith.andi %add3A_146, %broadcast_in_dim3A_18 : vector<16xi32>
          %or3A_148 = arith.ori %shift_right_logical3A_145, %and3A_147 : vector<16xi32>
          %swap3A_149 = arith.index_cast %add3A_118 : i32 to index
          %swap3A_150 = arith.constant 16 : index
          %swap3A_151 = tpu.vector_load %arg5[%swap3A_149, %swap3A_150] {strides = array<i32>} : memref<160x128xi32, #tpu.memory_space<vmem>>, vector<1x16xi32>,
          %swap3A_152 = vector.shape_cast %swap3A_151 : vector<1x16xi32> to vector<16xi32>
          %swap3A_153 = vector.shape_cast %or3A_148 : vector<16xi32> to vector<1x16xi32>
          tpu.vector_store %arg5[%swap3A_149, %swap3A_150], %swap3A_153 {strides = array<i32>} : memref<160x128xi32, #tpu.memory_space<vmem>>, vector<1x16xi32>,
          %get3A_154 = arith.index_cast %add3A_118 : i32 to index
          %get3A_155 = arith.constant 64 : index
          %get3A_156 = tpu.vector_load %arg4[%get3A_154, %get3A_155] {strides = array<i32>} : memref<160x256xf32, #tpu.memory_space<vmem>>, vector<1x16xf32>,
          %get3A_157 = vector.shape_cast %get3A_156 : vector<1x16xf32> to vector<16xf32>
          %get3A_158 = arith.index_cast %add3A_118 : i32 to index
          %get3A_159 = arith.constant 80 : index
          %get3A_160 = tpu.vector_load %arg4[%get3A_158, %get3A_159] {strides = array<i32>} : memref<160x256xf32, #tpu.memory_space<vmem>>, vector<1x16xf32>,
          %get3A_161 = vector.shape_cast %get3A_160 : vector<1x16xf32> to vector<16xf32>
          %bitcast_convert_type3A_162 = tpu.bitcast %get3A_157 : vector<16xf32> -> vector<16xi32>
          %bitcast_convert_type3A_163 = tpu.bitcast %get3A_161 : vector<16xf32> -> vector<16xi32>
          %add3A_164 = arith.addi %bitcast_convert_type3A_162, %broadcast_in_dim3A_16 : vector<16xi32>
          %shift_right_logical3A_165 = arith.shrui %add3A_164, %broadcast_in_dim3A_20 : vector<16xi32>
          %add3A_166 = arith.addi %bitcast_convert_type3A_163, %broadcast_in_dim3A_16 : vector<16xi32>
          %and3A_167 = arith.andi %add3A_166, %broadcast_in_dim3A_18 : vector<16xi32>
          %or3A_168 = arith.ori %shift_right_logical3A_165, %and3A_167 : vector<16xi32>
          %swap3A_169 = arith.index_cast %add3A_118 : i32 to index
          %swap3A_170 = arith.constant 32 : index
          %swap3A_171 = tpu.vector_load %arg5[%swap3A_169, %swap3A_170] {strides = array<i32>} : memref<160x128xi32, #tpu.memory_space<vmem>>, vector<1x16xi32>,
          %swap3A_172 = vector.shape_cast %swap3A_171 : vector<1x16xi32> to vector<16xi32>
          %swap3A_173 = vector.shape_cast %or3A_168 : vector<16xi32> to vector<1x16xi32>
          tpu.vector_store %arg5[%swap3A_169, %swap3A_170], %swap3A_173 {strides = array<i32>} : memref<160x128xi32, #tpu.memory_space<vmem>>, vector<1x16xi32>,
          %get3A_174 = arith.index_cast %add3A_118 : i32 to index
          %get3A_175 = arith.constant 96 : index
          %get3A_176 = tpu.vector_load %arg4[%get3A_174, %get3A_175] {strides = array<i32>} : memref<160x256xf32, #tpu.memory_space<vmem>>, vector<1x16xf32>,
          %get3A_177 = vector.shape_cast %get3A_176 : vector<1x16xf32> to vector<16xf32>
          %get3A_178 = arith.index_cast %add3A_118 : i32 to index
          %get3A_179 = arith.constant 112 : index
          %get3A_180 = tpu.vector_load %arg4[%get3A_178, %get3A_179] {strides = array<i32>} : memref<160x256xf32, #tpu.memory_space<vmem>>, vector<1x16xf32>,
          %get3A_181 = vector.shape_cast %get3A_180 : vector<1x16xf32> to vector<16xf32>
          %bitcast_convert_type3A_182 = tpu.bitcast %get3A_177 : vector<16xf32> -> vector<16xi32>
          %bitcast_convert_type3A_183 = tpu.bitcast %get3A_181 : vector<16xf32> -> vector<16xi32>
          %add3A_184 = arith.addi %bitcast_convert_type3A_182, %broadcast_in_dim3A_16 : vector<16xi32>
          %shift_right_logical3A_185 = arith.shrui %add3A_184, %broadcast_in_dim3A_20 : vector<16xi32>
          %add3A_186 = arith.addi %bitcast_convert_type3A_183, %broadcast_in_dim3A_16 : vector<16xi32>
          %and3A_187 = arith.andi %add3A_186, %broadcast_in_dim3A_18 : vector<16xi32>
          %or3A_188 = arith.ori %shift_right_logical3A_185, %and3A_187 : vector<16xi32>
          %swap3A_189 = arith.index_cast %add3A_118 : i32 to index
          %swap3A_190 = arith.constant 48 : index
          %swap3A_191 = tpu.vector_load %arg5[%swap3A_189, %swap3A_190] {strides = array<i32>} : memref<160x128xi32, #tpu.memory_space<vmem>>, vector<1x16xi32>,
          %swap3A_192 = vector.shape_cast %swap3A_191 : vector<1x16xi32> to vector<16xi32>
          %swap3A_193 = vector.shape_cast %or3A_188 : vector<16xi32> to vector<1x16xi32>
          tpu.vector_store %arg5[%swap3A_189, %swap3A_190], %swap3A_193 {strides = array<i32>} : memref<160x128xi32, #tpu.memory_space<vmem>>, vector<1x16xi32>,
          %get3A_194 = arith.index_cast %add3A_118 : i32 to index
          %get3A_195 = arith.constant 128 : index
          %get3A_196 = tpu.vector_load %arg4[%get3A_194, %get3A_195] {strides = array<i32>} : memref<160x256xf32, #tpu.memory_space<vmem>>, vector<1x16xf32>,
          %get3A_197 = vector.shape_cast %get3A_196 : vector<1x16xf32> to vector<16xf32>
          %get3A_198 = arith.index_cast %add3A_118 : i32 to index
          %get3A_199 = arith.constant 144 : index
          %get3A_200 = tpu.vector_load %arg4[%get3A_198, %get3A_199] {strides = array<i32>} : memref<160x256xf32, #tpu.memory_space<vmem>>, vector<1x16xf32>,
          %get3A_201 = vector.shape_cast %get3A_200 : vector<1x16xf32> to vector<16xf32>
          %bitcast_convert_type3A_202 = tpu.bitcast %get3A_197 : vector<16xf32> -> vector<16xi32>
          %bitcast_convert_type3A_203 = tpu.bitcast %get3A_201 : vector<16xf32> -> vector<16xi32>
          %add3A_204 = arith.addi %bitcast_convert_type3A_202, %broadcast_in_dim3A_16 : vector<16xi32>
          %shift_right_logical3A_205 = arith.shrui %add3A_204, %broadcast_in_dim3A_20 : vector<16xi32>
          %add3A_206 = arith.addi %bitcast_convert_type3A_203, %broadcast_in_dim3A_16 : vector<16xi32>
          %and3A_207 = arith.andi %add3A_206, %broadcast_in_dim3A_18 : vector<16xi32>
          %or3A_208 = arith.ori %shift_right_logical3A_205, %and3A_207 : vector<16xi32>
          %swap3A_209 = arith.index_cast %add3A_118 : i32 to index
          %swap3A_210 = arith.constant 64 : index
          %swap3A_211 = tpu.vector_load %arg5[%swap3A_209, %swap3A_210] {strides = array<i32>} : memref<160x128xi32, #tpu.memory_space<vmem>>, vector<1x16xi32>,
          %swap3A_212 = vector.shape_cast %swap3A_211 : vector<1x16xi32> to vector<16xi32>
          %swap3A_213 = vector.shape_cast %or3A_208 : vector<16xi32> to vector<1x16xi32>
          tpu.vector_store %arg5[%swap3A_209, %swap3A_210], %swap3A_213 {strides = array<i32>} : memref<160x128xi32, #tpu.memory_space<vmem>>, vector<1x16xi32>,
          %get3A_214 = arith.index_cast %add3A_118 : i32 to index
          %get3A_215 = arith.constant 160 : index
          %get3A_216 = tpu.vector_load %arg4[%get3A_214, %get3A_215] {strides = array<i32>} : memref<160x256xf32, #tpu.memory_space<vmem>>, vector<1x16xf32>,
          %get3A_217 = vector.shape_cast %get3A_216 : vector<1x16xf32> to vector<16xf32>
          %get3A_218 = arith.index_cast %add3A_118 : i32 to index
          %get3A_219 = arith.constant 176 : index
          %get3A_220 = tpu.vector_load %arg4[%get3A_218, %get3A_219] {strides = array<i32>} : memref<160x256xf32, #tpu.memory_space<vmem>>, vector<1x16xf32>,
          %get3A_221 = vector.shape_cast %get3A_220 : vector<1x16xf32> to vector<16xf32>
          %bitcast_convert_type3A_222 = tpu.bitcast %get3A_217 : vector<16xf32> -> vector<16xi32>
          %bitcast_convert_type3A_223 = tpu.bitcast %get3A_221 : vector<16xf32> -> vector<16xi32>
          %add3A_224 = arith.addi %bitcast_convert_type3A_222, %broadcast_in_dim3A_16 : vector<16xi32>
          %shift_right_logical3A_225 = arith.shrui %add3A_224, %broadcast_in_dim3A_20 : vector<16xi32>
          %add3A_226 = arith.addi %bitcast_convert_type3A_223, %broadcast_in_dim3A_16 : vector<16xi32>
          %and3A_227 = arith.andi %add3A_226, %broadcast_in_dim3A_18 : vector<16xi32>
          %or3A_228 = arith.ori %shift_right_logical3A_225, %and3A_227 : vector<16xi32>
          %swap3A_229 = arith.index_cast %add3A_118 : i32 to index
          %swap3A_230 = arith.constant 80 : index
          %swap3A_231 = tpu.vector_load %arg5[%swap3A_229, %swap3A_230] {strides = array<i32>} : memref<160x128xi32, #tpu.memory_space<vmem>>, vector<1x16xi32>,
          %swap3A_232 = vector.shape_cast %swap3A_231 : vector<1x16xi32> to vector<16xi32>
          %swap3A_233 = vector.shape_cast %or3A_228 : vector<16xi32> to vector<1x16xi32>
          tpu.vector_store %arg5[%swap3A_229, %swap3A_230], %swap3A_233 {strides = array<i32>} : memref<160x128xi32, #tpu.memory_space<vmem>>, vector<1x16xi32>,
          %get3A_234 = arith.index_cast %add3A_118 : i32 to index
          %get3A_235 = arith.constant 192 : index
          %get3A_236 = tpu.vector_load %arg4[%get3A_234, %get3A_235] {strides = array<i32>} : memref<160x256xf32, #tpu.memory_space<vmem>>, vector<1x16xf32>,
          %get3A_237 = vector.shape_cast %get3A_236 : vector<1x16xf32> to vector<16xf32>
          %get3A_238 = arith.index_cast %add3A_118 : i32 to index
          %get3A_239 = arith.constant 208 : index
          %get3A_240 = tpu.vector_load %arg4[%get3A_238, %get3A_239] {strides = array<i32>} : memref<160x256xf32, #tpu.memory_space<vmem>>, vector<1x16xf32>,
          %get3A_241 = vector.shape_cast %get3A_240 : vector<1x16xf32> to vector<16xf32>
          %bitcast_convert_type3A_242 = tpu.bitcast %get3A_237 : vector<16xf32> -> vector<16xi32>
          %bitcast_convert_type3A_243 = tpu.bitcast %get3A_241 : vector<16xf32> -> vector<16xi32>
          %add3A_244 = arith.addi %bitcast_convert_type3A_242, %broadcast_in_dim3A_16 : vector<16xi32>
          %shift_right_logical3A_245 = arith.shrui %add3A_244, %broadcast_in_dim3A_20 : vector<16xi32>
          %add3A_246 = arith.addi %bitcast_convert_type3A_243, %broadcast_in_dim3A_16 : vector<16xi32>
          %and3A_247 = arith.andi %add3A_246, %broadcast_in_dim3A_18 : vector<16xi32>
          %or3A_248 = arith.ori %shift_right_logical3A_245, %and3A_247 : vector<16xi32>
          %swap3A_249 = arith.index_cast %add3A_118 : i32 to index
          %swap3A_250 = arith.constant 96 : index
          %swap3A_251 = tpu.vector_load %arg5[%swap3A_249, %swap3A_250] {strides = array<i32>} : memref<160x128xi32, #tpu.memory_space<vmem>>, vector<1x16xi32>,
          %swap3A_252 = vector.shape_cast %swap3A_251 : vector<1x16xi32> to vector<16xi32>
          %swap3A_253 = vector.shape_cast %or3A_248 : vector<16xi32> to vector<1x16xi32>
          tpu.vector_store %arg5[%swap3A_249, %swap3A_250], %swap3A_253 {strides = array<i32>} : memref<160x128xi32, #tpu.memory_space<vmem>>, vector<1x16xi32>,
          %get3A_254 = arith.index_cast %add3A_118 : i32 to index
          %get3A_255 = arith.constant 224 : index
          %get3A_256 = tpu.vector_load %arg4[%get3A_254, %get3A_255] {strides = array<i32>} : memref<160x256xf32, #tpu.memory_space<vmem>>, vector<1x16xf32>,
          %get3A_257 = vector.shape_cast %get3A_256 : vector<1x16xf32> to vector<16xf32>
          %get3A_258 = arith.index_cast %add3A_118 : i32 to index
          %get3A_259 = arith.constant 240 : index
          %get3A_260 = tpu.vector_load %arg4[%get3A_258, %get3A_259] {strides = array<i32>} : memref<160x256xf32, #tpu.memory_space<vmem>>, vector<1x16xf32>,
          %get3A_261 = vector.shape_cast %get3A_260 : vector<1x16xf32> to vector<16xf32>
          %bitcast_convert_type3A_262 = tpu.bitcast %get3A_257 : vector<16xf32> -> vector<16xi32>
          %bitcast_convert_type3A_263 = tpu.bitcast %get3A_261 : vector<16xf32> -> vector<16xi32>
          %add3A_264 = arith.addi %bitcast_convert_type3A_262, %broadcast_in_dim3A_16 : vector<16xi32>
          %shift_right_logical3A_265 = arith.shrui %add3A_264, %broadcast_in_dim3A_20 : vector<16xi32>
          %add3A_266 = arith.addi %bitcast_convert_type3A_263, %broadcast_in_dim3A_16 : vector<16xi32>
          %and3A_267 = arith.andi %add3A_266, %broadcast_in_dim3A_18 : vector<16xi32>
          %or3A_268 = arith.ori %shift_right_logical3A_265, %and3A_267 : vector<16xi32>
          %swap3A_269 = arith.index_cast %add3A_118 : i32 to index
          %swap3A_270 = arith.constant 112 : index
          %swap3A_271 = tpu.vector_load %arg5[%swap3A_269, %swap3A_270] {strides = array<i32>} : memref<160x128xi32, #tpu.memory_space<vmem>>, vector<1x16xi32>,
          %swap3A_272 = vector.shape_cast %swap3A_271 : vector<1x16xi32> to vector<16xi32>
          %swap3A_273 = vector.shape_cast %or3A_268 : vector<16xi32> to vector<1x16xi32>
          tpu.vector_store %arg5[%swap3A_269, %swap3A_270], %swap3A_273 {strides = array<i32>} : memref<160x128xi32, #tpu.memory_space<vmem>>, vector<1x16xi32>,
        }
        %scan3A_97 = arith.constant 80 : i32
        %mul3A_98 = arith.constant 80 : i32
        %mul3A_99 = arith.muli %add3A_57, %mul3A_98 : i32
        %add3A_100 = arith.addi %mul3A_2, %mul3A_99 : i32
        %multiple_of3A_101 = tpu.assume_multiple %add3A_100, 8 : i32
        %dma_start3A_102 = arith.constant 80 : i32
        %dma_start3A_103 = arith.constant 0 : i32
        %dma_start3A_104 = tpu.memref_slice %arg5[%dma_start3A_102, %dma_start3A_103] : memref<160x128xi32, #tpu.memory_space<vmem>> -> memref<80x128xi32, #tpu.memory_space<vmem>>
        %dma_start3A_105 = arith.constant 0 : i32
        %dma_start3A_106 = tpu.memref_slice %arg3[%multiple_of3A_101, %dma_start3A_105] : memref<10000x128xi32, #tpu.memory_space<hbm>> -> memref<80x128xi32, #tpu.memory_space<hbm>>
        %dma_start3A_107 = arith.constant 0 : i32
        %dma_start3A_108 = tpu.memref_slice %arg3[%multiple_of3A_101, %dma_start3A_107] : memref<10000x128xi32, #tpu.memory_space<hbm>> -> memref<80x128xi32, #tpu.memory_space<hbm>>
        %dma_start3A_109 = arith.constant 80 : i32
        %dma_start3A_110 = arith.constant 0 : i32
        %dma_start3A_111 = tpu.memref_slice %arg5[%dma_start3A_109, %dma_start3A_110] : memref<160x128xi32, #tpu.memory_space<vmem>> -> memref<80x128xi32, #tpu.memory_space<vmem>>
        tpu.enqueue_dma source(%dma_start3A_111 : memref<80x128xi32, #tpu.memory_space<vmem>>) target(%dma_start3A_108 : memref<80x128xi32, #tpu.memory_space<hbm>>) target_semaphore(%arg9 : memref<!tpu.dma_semaphore, #tpu.memory_space<semaphore_mem>>)
      } else {
      }
    }
    %ge3A = arith.constant 2 : i32
    %ge3A_37 = arith.cmpi sge, %select_n3A, %ge3A : i32
    %convert_element_type3A = arith.extui %ge3A_37 : i1 to i32
    %cond3A = arith.constant 0 : i32
    %cond3A_38 = arith.cmpi ne, %convert_element_type3A, %cond3A : i32
    scf.if %cond3A_38 {
      %sub3A_55 = arith.constant 2 : i32
      %sub3A_56 = arith.subi %select_n3A, %sub3A_55 : i32
      %and3A_57 = arith.constant 1 : i32
      %and3A_58 = arith.andi %sub3A_56, %and3A_57 : i32
      %eq3A_59 = arith.constant 0 : i32
      %eq3A_60 = arith.cmpi eq, %and3A_58, %eq3A_59 : i32
      %convert_element_type3A_61 = arith.extui %eq3A_60 : i1 to i32
      %cond3A_62 = arith.constant 0 : i32
      %cond3A_63 = arith.cmpi ne, %convert_element_type3A_61, %cond3A_62 : i32
      scf.if %cond3A_63 {
        %sub3A_73 = arith.constant 2 : i32
        %sub3A_74 = arith.subi %select_n3A, %sub3A_73 : i32
        %mul3A_75 = arith.constant 80 : i32
        %mul3A_76 = arith.muli %sub3A_74, %mul3A_75 : i32
        %add3A_77 = arith.addi %mul3A_2, %mul3A_76 : i32
        %multiple_of3A_78 = tpu.assume_multiple %add3A_77, 8 : i32
        %dma_wait3A = arith.constant 0 : i32
        %dma_wait3A_79 = arith.constant 0 : i32
        %dma_wait3A_80 = tpu.memref_slice %arg5[%dma_wait3A, %dma_wait3A_79] : memref<160x128xi32, #tpu.memory_space<vmem>> -> memref<80x128xi32, #tpu.memory_space<vmem>>
        %dma_wait3A_81 = arith.constant 0 : i32
        %dma_wait3A_82 = tpu.memref_slice %arg3[%multiple_of3A_78, %dma_wait3A_81] : memref<10000x128xi32, #tpu.memory_space<hbm>> -> memref<80x128xi32, #tpu.memory_space<hbm>>
        %dma_wait3A_83 = arith.constant 0 : i32
        %dma_wait3A_84 = tpu.memref_slice %arg3[%multiple_of3A_78, %dma_wait3A_83] : memref<10000x128xi32, #tpu.memory_space<hbm>> -> memref<80x128xi32, #tpu.memory_space<hbm>>
        %dma_wait3A_85 = arith.constant 0 : i32
        %dma_wait3A_86 = arith.constant 0 : i32
        %dma_wait3A_87 = tpu.memref_slice %arg5[%dma_wait3A_85, %dma_wait3A_86] : memref<160x128xi32, #tpu.memory_space<vmem>> -> memref<80x128xi32, #tpu.memory_space<vmem>>
        tpu.wait_dma2 semaphore(%arg8 : memref<!tpu.dma_semaphore, #tpu.memory_space<semaphore_mem>>) src(%dma_wait3A_87 : memref<80x128xi32, #tpu.memory_space<vmem>>) dst(%dma_wait3A_84 : memref<80x128xi32, #tpu.memory_space<hbm>>)
      } else {
      }
      %sub3A_64 = arith.constant 2 : i32
      %sub3A_65 = arith.subi %select_n3A, %sub3A_64 : i32
      %and3A_66 = arith.constant 1 : i32
      %and3A_67 = arith.andi %sub3A_65, %and3A_66 : i32
      %eq3A_68 = arith.constant 1 : i32
      %eq3A_69 = arith.cmpi eq, %and3A_67, %eq3A_68 : i32
      %convert_element_type3A_70 = arith.extui %eq3A_69 : i1 to i32
      %cond3A_71 = arith.constant 0 : i32
      %cond3A_72 = arith.cmpi ne, %convert_element_type3A_70, %cond3A_71 : i32
      scf.if %cond3A_72 {
        %sub3A_73 = arith.constant 2 : i32
        %sub3A_74 = arith.subi %select_n3A, %sub3A_73 : i32
        %mul3A_75 = arith.constant 80 : i32
        %mul3A_76 = arith.muli %sub3A_74, %mul3A_75 : i32
        %add3A_77 = arith.addi %mul3A_2, %mul3A_76 : i32
        %multiple_of3A_78 = tpu.assume_multiple %add3A_77, 8 : i32
        %dma_wait3A = arith.constant 80 : i32
        %dma_wait3A_79 = arith.constant 0 : i32
        %dma_wait3A_80 = tpu.memref_slice %arg5[%dma_wait3A, %dma_wait3A_79] : memref<160x128xi32, #tpu.memory_space<vmem>> -> memref<80x128xi32, #tpu.memory_space<vmem>>
        %dma_wait3A_81 = arith.constant 0 : i32
        %dma_wait3A_82 = tpu.memref_slice %arg3[%multiple_of3A_78, %dma_wait3A_81] : memref<10000x128xi32, #tpu.memory_space<hbm>> -> memref<80x128xi32, #tpu.memory_space<hbm>>
        %dma_wait3A_83 = arith.constant 0 : i32
        %dma_wait3A_84 = tpu.memref_slice %arg3[%multiple_of3A_78, %dma_wait3A_83] : memref<10000x128xi32, #tpu.memory_space<hbm>> -> memref<80x128xi32, #tpu.memory_space<hbm>>
        %dma_wait3A_85 = arith.constant 80 : i32
        %dma_wait3A_86 = arith.constant 0 : i32
        %dma_wait3A_87 = tpu.memref_slice %arg5[%dma_wait3A_85, %dma_wait3A_86] : memref<160x128xi32, #tpu.memory_space<vmem>> -> memref<80x128xi32, #tpu.memory_space<vmem>>
        tpu.wait_dma2 semaphore(%arg9 : memref<!tpu.dma_semaphore, #tpu.memory_space<semaphore_mem>>) src(%dma_wait3A_87 : memref<80x128xi32, #tpu.memory_space<vmem>>) dst(%dma_wait3A_84 : memref<80x128xi32, #tpu.memory_space<hbm>>)
      } else {
      }
    } else {
    }
    %sub3A_39 = arith.constant 1 : i32
    %sub3A_40 = arith.subi %select_n3A, %sub3A_39 : i32
    %and3A = arith.constant 1 : i32
    %and3A_41 = arith.andi %sub3A_40, %and3A : i32
    %eq3A = arith.constant 0 : i32
    %eq3A_42 = arith.cmpi eq, %and3A_41, %eq3A : i32
    %convert_element_type3A_43 = arith.extui %eq3A_42 : i1 to i32
    %cond3A_44 = arith.constant 0 : i32
    %cond3A_45 = arith.cmpi ne, %convert_element_type3A_43, %cond3A_44 : i32
    scf.if %cond3A_45 {
      %sub3A_55 = arith.constant 1 : i32
      %sub3A_56 = arith.subi %select_n3A, %sub3A_55 : i32
      %mul3A_57 = arith.constant 80 : i32
      %mul3A_58 = arith.muli %sub3A_56, %mul3A_57 : i32
      %add3A_59 = arith.addi %mul3A_2, %mul3A_58 : i32
      %multiple_of3A_60 = tpu.assume_multiple %add3A_59, 8 : i32
      %dma_wait3A = arith.constant 0 : i32
      %dma_wait3A_61 = arith.constant 0 : i32
      %dma_wait3A_62 = tpu.memref_slice %arg5[%dma_wait3A, %dma_wait3A_61] : memref<160x128xi32, #tpu.memory_space<vmem>> -> memref<80x128xi32, #tpu.memory_space<vmem>>
      %dma_wait3A_63 = arith.constant 0 : i32
      %dma_wait3A_64 = tpu.memref_slice %arg3[%multiple_of3A_60, %dma_wait3A_63] : memref<10000x128xi32, #tpu.memory_space<hbm>> -> memref<80x128xi32, #tpu.memory_space<hbm>>
      %dma_wait3A_65 = arith.constant 0 : i32
      %dma_wait3A_66 = tpu.memref_slice %arg3[%multiple_of3A_60, %dma_wait3A_65] : memref<10000x128xi32, #tpu.memory_space<hbm>> -> memref<80x128xi32, #tpu.memory_space<hbm>>
      %dma_wait3A_67 = arith.constant 0 : i32
      %dma_wait3A_68 = arith.constant 0 : i32
      %dma_wait3A_69 = tpu.memref_slice %arg5[%dma_wait3A_67, %dma_wait3A_68] : memref<160x128xi32, #tpu.memory_space<vmem>> -> memref<80x128xi32, #tpu.memory_space<vmem>>
      tpu.wait_dma2 semaphore(%arg8 : memref<!tpu.dma_semaphore, #tpu.memory_space<semaphore_mem>>) src(%dma_wait3A_69 : memref<80x128xi32, #tpu.memory_space<vmem>>) dst(%dma_wait3A_66 : memref<80x128xi32, #tpu.memory_space<hbm>>)
    } else {
    }
    %sub3A_46 = arith.constant 1 : i32
    %sub3A_47 = arith.subi %select_n3A, %sub3A_46 : i32
    %and3A_48 = arith.constant 1 : i32
    %and3A_49 = arith.andi %sub3A_47, %and3A_48 : i32
    %eq3A_50 = arith.constant 1 : i32
    %eq3A_51 = arith.cmpi eq, %and3A_49, %eq3A_50 : i32
    %convert_element_type3A_52 = arith.extui %eq3A_51 : i1 to i32
    %cond3A_53 = arith.constant 0 : i32
    %cond3A_54 = arith.cmpi ne, %convert_element_type3A_52, %cond3A_53 : i32
    scf.if %cond3A_54 {
      %sub3A_55 = arith.constant 1 : i32
      %sub3A_56 = arith.subi %select_n3A, %sub3A_55 : i32
      %mul3A_57 = arith.constant 80 : i32
      %mul3A_58 = arith.muli %sub3A_56, %mul3A_57 : i32
      %add3A_59 = arith.addi %mul3A_2, %mul3A_58 : i32
      %multiple_of3A_60 = tpu.assume_multiple %add3A_59, 8 : i32
      %dma_wait3A = arith.constant 80 : i32
      %dma_wait3A_61 = arith.constant 0 : i32
      %dma_wait3A_62 = tpu.memref_slice %arg5[%dma_wait3A, %dma_wait3A_61] : memref<160x128xi32, #tpu.memory_space<vmem>> -> memref<80x128xi32, #tpu.memory_space<vmem>>
      %dma_wait3A_63 = arith.constant 0 : i32
      %dma_wait3A_64 = tpu.memref_slice %arg3[%multiple_of3A_60, %dma_wait3A_63] : memref<10000x128xi32, #tpu.memory_space<hbm>> -> memref<80x128xi32, #tpu.memory_space<hbm>>
      %dma_wait3A_65 = arith.constant 0 : i32
      %dma_wait3A_66 = tpu.memref_slice %arg3[%multiple_of3A_60, %dma_wait3A_65] : memref<10000x128xi32, #tpu.memory_space<hbm>> -> memref<80x128xi32, #tpu.memory_space<hbm>>
      %dma_wait3A_67 = arith.constant 80 : i32
      %dma_wait3A_68 = arith.constant 0 : i32
      %dma_wait3A_69 = tpu.memref_slice %arg5[%dma_wait3A_67, %dma_wait3A_68] : memref<160x128xi32, #tpu.memory_space<vmem>> -> memref<80x128xi32, #tpu.memory_space<vmem>>
      tpu.wait_dma2 semaphore(%arg9 : memref<!tpu.dma_semaphore, #tpu.memory_space<semaphore_mem>>) src(%dma_wait3A_69 : memref<80x128xi32, #tpu.memory_space<vmem>>) dst(%dma_wait3A_66 : memref<80x128xi32, #tpu.memory_space<hbm>>)
    } else {
    }
    return
  }
}

module attributes {stable_mosaic.version = 14 : i64} {
  func.func @_mm_kernel(%arg0: i32, %arg1: memref<1000x256xf32, #tpu.memory_space<vmem>>, %arg2: memref<1000x256xf32, #tpu.memory_space<vmem>>, %arg3: memref<256x512xbf16, #tpu.memory_space<vmem>>, %arg4: memref<256x512xbf16, #tpu.memory_space<vmem>>, %arg5: memref<1x512xf32, #tpu.memory_space<vmem>>, %arg6: memref<1000x512xf32, #tpu.memory_space<vmem>>) attributes {dimension_semantics = [#tpu.dimension_semantics<arbitrary>], iteration_bounds = array<i64: 10>, scalar_prefetch = 0 : i64, scratch_operands = 0 : i64, tpu.core_type = #tpu.core_type<tc>, window_params = [{transform_indices = @transform_0, window_bounds = array<i64: 1000, 256>}, {transform_indices = @transform_1, window_bounds = array<i64: 1000, 256>}, {pipeline_mode = #tpu.pipeline_mode<synchronous>, transform_indices = @transform_2, window_bounds = array<i64: 256, 512>}, {pipeline_mode = #tpu.pipeline_mode<synchronous>, transform_indices = @transform_3, window_bounds = array<i64: 256, 512>}, {pipeline_mode = #tpu.pipeline_mode<synchronous>, transform_indices = @transform_4, window_bounds = array<i64: 1, 512>}, {transform_indices = @transform_5, window_bounds = array<i64: 1000, 512>}]} {
    %get3A = arith.constant 0 : index
    %get3A_0 = arith.constant 0 : index
    %get3A_1 = vector.load %arg1[%get3A, %get3A_0] : memref<1000x256xf32, #tpu.memory_space<vmem>>, vector<1000x256xf32>
    %convert_element_type3A = arith.truncf %get3A_1 : vector<1000x256xf32> to vector<1000x256xbf16>
    %get3A_2 = arith.constant 0 : index
    %get3A_3 = arith.constant 0 : index
    %get3A_4 = vector.load %arg2[%get3A_2, %get3A_3] : memref<1000x256xf32, #tpu.memory_space<vmem>>, vector<1000x256xf32>
    %convert_element_type3A_5 = arith.truncf %get3A_4 : vector<1000x256xf32> to vector<1000x256xbf16>
    %get3A_6 = arith.constant 0 : index
    %get3A_7 = arith.constant 0 : index
    %get3A_8 = vector.load %arg3[%get3A_6, %get3A_7] : memref<256x512xbf16, #tpu.memory_space<vmem>>, vector<256x512xbf16>
    %dot_general3A = arith.constant dense<0.000000e+00> : vector<1000x512xf32>
    %dot_general3A_9 = tpu.matmul %convert_element_type3A, %get3A_8, %dot_general3A {dimension_numbers = #tpu.dot_dimension_numbers<[1], [0], [0], [1], [0, 0, 1, 1], [], []>, transpose_lhs_hint = false} : vector<1000x256xbf16>, vector<256x512xbf16>, vector<1000x512xf32> -> vector<1000x512xf32>
    %get3A_10 = arith.constant 0 : index
    %get3A_11 = arith.constant 0 : index
    %get3A_12 = vector.load %arg4[%get3A_10, %get3A_11] : memref<256x512xbf16, #tpu.memory_space<vmem>>, vector<256x512xbf16>
    %dot_general3A_13 = arith.constant dense<0.000000e+00> : vector<1000x512xf32>
    %dot_general3A_14 = tpu.matmul %convert_element_type3A_5, %get3A_12, %dot_general3A_13 {dimension_numbers = #tpu.dot_dimension_numbers<[1], [0], [0], [1], [0, 0, 1, 1], [], []>, transpose_lhs_hint = false} : vector<1000x256xbf16>, vector<256x512xbf16>, vector<1000x512xf32> -> vector<1000x512xf32>
    %add3A = arith.addf %dot_general3A_9, %dot_general3A_14 : vector<1000x512xf32>
    %get3A_15 = arith.constant 0 : index
    %get3A_16 = arith.constant 0 : index
    %get3A_17 = vector.load %arg5[%get3A_15, %get3A_16] : memref<1x512xf32, #tpu.memory_space<vmem>>, vector<1x512xf32>
    %add3A_18 = vector.broadcast %get3A_17 : vector<1x512xf32> to vector<1000x512xf32>
    %add3A_19 = arith.addf %add3A, %add3A_18 : vector<1000x512xf32>
    %swap3A = arith.constant 0 : index
    %swap3A_20 = arith.constant 0 : index
    %swap3A_21 = vector.load %arg6[%swap3A, %swap3A_20] : memref<1000x512xf32, #tpu.memory_space<vmem>>, vector<1000x512xf32>
    tpu.vector_store %arg6[%swap3A, %swap3A_20], %add3A_19 {strides = array<i32>} : memref<1000x512xf32, #tpu.memory_space<vmem>>, vector<1000x512xf32>,
    return
  }
  func.func @transform_0(%arg0: i32) -> (i32, i32) {
    %c0_i32 = arith.constant 0 : i32
    %c0_i32_0 = arith.constant 0 : i32
    return %arg0, %c0_i32 : i32, i32
  }
  func.func @transform_1(%arg0: i32) -> (i32, i32) {
    %c0_i32 = arith.constant 0 : i32
    %c0_i32_0 = arith.constant 0 : i32
    return %arg0, %c0_i32 : i32, i32
  }
  func.func @transform_2(%arg0: i32) -> (i32, i32) {
    %c0_i32 = arith.constant 0 : i32
    %c0_i32_0 = arith.constant 0 : i32
    %c0_i32_1 = arith.constant 0 : i32
    return %c0_i32, %c0_i32_0 : i32, i32
  }
  func.func @transform_3(%arg0: i32) -> (i32, i32) {
    %c0_i32 = arith.constant 0 : i32
    %c0_i32_0 = arith.constant 0 : i32
    %c0_i32_1 = arith.constant 0 : i32
    return %c0_i32, %c0_i32_0 : i32, i32
  }
  func.func @transform_4(%arg0: i32) -> (i32, i32) {
    %c0_i32 = arith.constant 0 : i32
    %c0_i32_0 = arith.constant 0 : i32
    %c0_i32_1 = arith.constant 0 : i32
    return %c0_i32, %c0_i32_0 : i32, i32
  }
  func.func @transform_5(%arg0: i32) -> (i32, i32) {
    %c0_i32 = arith.constant 0 : i32
    %c0_i32_0 = arith.constant 0 : i32
    return %arg0, %c0_i32 : i32, i32
  }
}

</mosaic_0001>

<sc_bundles>
// kernel: kernel.5.cloned.1.call-start
scs
__scs_entry_jumppad:
0x0: {  	(pc) =	sbr.rel $0x88, $3  }
0x1: {  	(tag) =	ssettag $0x0;
	lr =	simm.s32 $0x1  }
0x2: {  	[smem:$0x3F9B] =	sst lr;
	_ =	strace $0xD0000000  }
0x3: {  	_ = 	snop  }
0x4: {  	_ = 	snop  }
0x5: {  	_ = 	snop  }
0x6: {  	_ = 	snop  }
0x7: {  	_ = 	snop  }
__scs_overlays_trampoline_lowered:
0x8: {  	[smem:$0x3FAA] =	sst s0  }
0x9: {  	[smem:$0x3FAB] =	sst s1  }
0xa: {  	[smem:$0x3FAC] =	sst s2  }
0xb: {  	[smem:$0x3FAD] =	sst s3  }
0xc: {  	[smem:$0x3FAE] =	sst s4  }
0xd: {  	[smem:$0x3FAF] =	sst s5  }
0xe: {  	[smem:$0x3FB0] =	sst s6  }
0xf: {  	[smem:$0x3FB1] =	sst s7  }
0x10: {  	[smem:$0x3FB2] =	sst s8  }
0x11: {  	[smem:$0x3FB3] =	sst s9;
	s0 =	simm.s32 @!p0 $0x0  }
0x12: {  	s1 =	sld [smem:$0x3F99];
	s0 =	simm.s32 @p0 $0x1  }
0x13: {  	[smem:$0x3FB4] =	sst s0;
	s0 =	simm.s32 @!p1 $0x0  }
0x14: {  	s2 =	sld [smem:$0x3F98];
	s0 =	simm.s32 @p1 $0x1  }
0x15: {  	[smem:$0x3FB5] =	sst s0;
	s0 =	simm.s32 @!p2 $0x0  }
0x16: {  	s3 =	sld [smem:$0x3FDB];
	s0 =	simm.s32 @p2 $0x1  }
0x17: {  	s4 =	simm.s32 $0x1BF5;
	[smem:$0x3FB7] =	sst s0  }
0x18: {  	s0 =	sld [smem:$0x3F9A];
	_ =	swait.ge [sflag:s4], $0x0  }
0x19: {  	s7 =	sld [smem:$0x3F9B]  }
0x1a: {  	s8 =	sadd.s32 $0xFFFFE003, lr  }
0x1b: {  	s9 =	sadd.s32 $0xFFFFFEF7, lr;
	s5 =	simm.s32 $0xFFFFFFFF;
	p2 =	slt.u32 s8, $0xFFFFF086  }
0x1c: {  	p1 =	slt.u32 s9, $0xF7A;
	s5 =	simm.s32 @!p2 $0x0  }
0x1d: {  	s5 =	simm.s32 @p1 $0x1;
	p0 =	seq.s32 s7, s2  }
0x1e: {  	s7 =	smul.u32 @!p0 $0xF7A, s2;
	p2 =	seq.s32 @!p0 s5, $0x0  }
0x1f: {  	s9 =	smul.u32 $0xF7A, s1;
	s8 =	simm.s32 @!p0 $0x1BF5;
	p2 =	por !p2, p0  }
0x20: {  	[sflag:s8] =	ssyncset.s32 @!p0 $0xFFFFF086;
	s6 =	sadd.s32 @!p0 s3, s7;
	s7 =	simm.s32 @!p0 $0x108  }
0x21: {  	s3 =	sadd.s32 s3, s9;
	s6 =	sadd.s32 @!p0 $0x88, s6;
	s7 =	simm.s32 @p2 $0x1082  }
0x22: {  	[simem:s7], [sflag:s8] =	dma.local @!p0 [hbm:s6], $0xF7A  }
0x23: {  	s9 =	sor.u32 $0xD0000000, s2;
	s6 =	simm.s32 $0x108;
	_ =	swait.ge @!p0 [sflag:s8], $0x0  }
0x24: {  	s3 =	sadd.s32 $0x88, s3;
	s6 =	simm.s32 @!p1 $0x1082;
	[sflag:s4] =	ssyncset.s32 $0xFFFFF086  }
0x25: {  	[simem:s6], [sflag:s4] =	dma.local [hbm:s3], $0xF7A  }
0x26: {  	[smem:$0x3F9B] =	sst s1;
	(tag) =	ssettag s2;
	_ =	strace s9  }
0x27: {  	s1 =	sld [smem:$0x3FAB]  }
0x28: {  	s2 =	sld [smem:$0x3FAC]  }
0x29: {  	s4 =	sld [smem:$0x3FAE]  }
0x2a: {  	p0 =	seq.s32 s5, $0x0;
	s5 =	sld [smem:$0x3FAF]  }
0x2b: {  	s6 =	sld [smem:$0x3FB0]  }
0x2c: {  	s7 =	sld [smem:$0x3FB1]  }
0x2d: {  	s3 =	simm.s32 $0x108;
	s8 =	sld [smem:$0x3FB2]  }
0x2e: {  	s3 =	simm.s32 @!p0 $0x1082;
	s9 =	sld [smem:$0x3FB3]  }
0x2f: {  	lr =	sadd.s32 s0, s3;
	s0 =	sld [smem:$0x3FAA]  }
0x30: {  	s3 =	sld [smem:$0x3FAD]  }
0x31: {  	[smem:$0x3FB6] =	sst s10  }
0x32: {  	s10 =	sld [smem:$0x3FB4];
	_ =	sdelay $0x3  }
0x33: {  	p0 =	seq.s32 s10, $0x1;
	s10 =	sld [smem:$0x3FB6];
	_ =	sdelay $0x3  }
0x34: {  	[smem:$0x3FB6] =	sst s10  }
0x35: {  	s10 =	sld [smem:$0x3FB5];
	_ =	sdelay $0x3  }
0x36: {  	p1 =	seq.s32 s10, $0x1;
	s10 =	sld [smem:$0x3FB6];
	_ =	sdelay $0x3  }
0x37: {  	[smem:$0x3FB6] =	sst s10  }
0x38: {  	s10 =	sld [smem:$0x3FB7]  }
0x39: {  	_ = 	snop;
	(pc) =	sbr.ind lr, $3  }
0x3a: {  	_ = 	snop  }
0x3b: {  	_ = 	snop  }
0x3c: {  	p2 =	seq.s32 s10, $0x1;
	s10 =	sld [smem:$0x3FB6]  }
0x3d: {  	_ =	shalt  }
0x3e: {  	_ =	shalt  }
0x3f: {  	_ =	shalt  }
0x40: {  	_ =	shalt  }
0x41: {  	_ =	shalt  }
0x42: {  	_ =	shalt  }
0x43: {  	_ =	shalt  }
0x44: {  	_ =	shalt  }
0x45: {  	_ =	shalt  }
0x46: {  	_ =	shalt  }
0x47: {  	_ =	shalt  }
0x48: {  	_ =	shalt  }
0x49: {  	_ =	shalt  }
0x4a: {  	_ =	shalt  }
0x4b: {  	_ =	shalt  }
0x4c: {  	_ =	shalt  }
0x4d: {  	_ =	shalt  }
0x4e: {  	_ =	shalt  }
0x4f: {  	_ =	shalt  }
0x50: {  	_ =	shalt  }
0x51: {  	_ =	shalt  }
0x52: {  	_ =	shalt  }
0x53: {  	_ =	shalt  }
0x54: {  	_ =	shalt  }
0x55: {  	_ =	shalt  }
0x56: {  	_ =	shalt  }
0x57: {  	_ =	shalt  }
0x58: {  	_ =	shalt  }
0x59: {  	_ =	shalt  }
0x5a: {  	_ =	shalt  }
0x5b: {  	_ =	shalt  }
0x5c: {  	_ =	shalt  }
0x5d: {  	_ =	shalt  }
0x5e: {  	_ =	shalt  }
0x5f: {  	_ =	shalt  }
0x60: {  	_ =	shalt  }
0x61: {  	_ =	shalt  }
0x62: {  	_ =	shalt  }
0x63: {  	_ =	shalt  }
0x64: {  	_ =	shalt  }
0x65: {  	_ =	shalt  }
0x66: {  	_ =	shalt  }
0x67: {  	_ =	shalt  }
0x68: {  	_ =	shalt  }
0x69: {  	_ =	shalt  }
0x6a: {  	_ =	shalt  }
0x6b: {  	_ =	shalt  }
0x6c: {  	_ =	shalt  }
0x6d: {  	_ =	shalt  }
0x6e: {  	_ =	shalt  }
0x6f: {  	_ =	shalt  }
0x70: {  	_ =	shalt  }
0x71: {  	_ =	shalt  }
0x72: {  	_ =	shalt  }
0x73: {  	_ =	shalt  }
0x74: {  	_ =	shalt  }
0x75: {  	_ =	shalt  }
0x76: {  	_ =	shalt  }
0x77: {  	_ =	shalt  }
0x78: {  	_ =	shalt  }
0x79: {  	_ =	shalt  }
0x7a: {  	_ =	shalt  }
0x7b: {  	_ =	shalt  }
0x7c: {  	_ =	shalt  }
0x7d: {  	_ =	shalt  }
0x7e: {  	_ =	shalt  }
0x7f: {  	_ =	shalt  }
0x80: {  	_ =	shalt  }
0x81: {  	_ =	shalt  }
0x82: {  	_ =	shalt  }
0x83: {  	_ =	shalt  }
0x84: {  	_ =	shalt  }
0x85: {  	_ =	shalt  }
0x86: {  	_ =	shalt  }
0x87: {  	_ =	shalt  }
.Lfunc_end0:
.L_simem_size_0:
called_computation_lowered:
.L_overlay_start_0:
0x88: {  	s2 =	sld [smem:$0x3FD9]  }
0x89: {  	s3 =	sld [smem:$0x3FFE];
	_ =	sdelay $0x1  }
0x8a: {  	s1 =	srdreg.scid  }
0x8b: {  	s0 =	sand.u32 $0x1, s1  }
0x8c: {  	s17 =	sshll.u32 s0, $0xA;
	s2 =	sadd.s32 s3, s2  }
0x8d: {  	s2 =	sadd.s32 s2, s17  }
0x8e: {  	[smem:$0x3FC2] =	sst s2  }
0x8f: {  	_ = 	snop  }
0x90: {  	s2 =	sld [smem:$0x3FC9];
	(tm) =	ssettm $0x1  }
0x91: {  	s18 =	sld [smem:$0x3FFB];
	_ =	sdelay $0x3  }
0x92: {  	_ =	strace s18  }
0x93: {  	s3 =	sld [smem:$0x3FFC];
	_ =	sdelay $0x3  }
0x94: {  	_ =	strace s3  }
0x95: {  	s3 =	sld [smem:$0x3FFD];
	_ =	sdelay $0x3  }
0x96: {  	_ =	strace s3  }
0x97: {  	_ =	strace $0x8FFFFFFF  }
0x98: {  	s19 =	sld [smem:$0x3FDB];
	_ =	sdelay $0x1  }
0x99: {  	s4 =	simm.s32 $_scs_section_size  }
0x9a: {  	s5 =	simm.s32 $_size__tile_overlayer_lowered;
	s6 =	simm.s32 $_tile_overlayer_lowered  }
0x9b: {  	s22 =	simm.s32 $0x1BFF;
	s21 =	sshll.u32 s6, $0x1;
	s3 =	sadd.s32 s4, s19  }
0x9c: {  	s7 =	simm.s32 $0x0;
	s20 =	sshll.u32 s5, $0x1;
	s5 =	sadd.s32 s21, s3  }
0x9d: {  	[timem:s7], [sflag:s22] =	dma.local [hbm:s5], s20  }
0x9e: {  	_ =	swait.ge [sflag:s22], s20  }
0x9f: {  	s4 =	ssub.s32 $0x0, s20;
	[sflag:s22] =	ssyncset.done $0x0  }
0xa0: {  	[sflag:s22] =	ssyncadd.s32 s4;
	_ =	sdelay $0x1  }
0xa1: {  	s23 =	simm.s32 $0x1B8B  }
0xa2: {  	_ =	swait.ge [sflag:s23], $0x1  }
0xa3: {  	[sflag:s23] =	ssyncset.done $0x0  }
0xa4: {  	s25 =	simm.s32 $0x1B8E;
	s24 =	sld [smem:$0x3FFE];
	[sflag:s23] =	ssyncadd.s32 $0xFFFFFFFF  }
0xa5: {  	s26 =	simm.s32 $execute0_lowered;
	[smem:$0x3FD2] =	sst s25  }
0xa6: {  	s5 =	sshll.u32 s26, $0x1;
	_ =	strace $0x80000046;
	[dreg:$0x1] =	wrdreg $0xFFFFFFFF  }
0xa7: {  	s28 =	simm.s32 $_size_execute0_lowered;
	s3 =	sadd.s32 s3, s5;
	[dreg:$0x0] =	wrdreg $0x0  }
0xa8: {  	s5 =	sshll.u32 s28, $0x1;
	[dreg:$0x2] =	wrdreg s3  }
0xa9: {  	[dreg:$0x3] =	wrdreg s5  }
0xaa: {  	[dreg:$0x4] =	wrdreg $0xC0  }
0xab: {  	_ =	task [dreg:s7], $0x5FFFF  }
0xac: {  	[dreg:$0x1] =	wrdreg $0xFFFFFFFF  }
0xad: {  	[dreg:$0x0] =	wrdreg $0x60  }
0xae: {  	[dreg:$0x2] =	wrdreg s2  }
0xaf: {  	[dreg:$0x3] =	wrdreg s24  }
0xb0: {  	[dreg:$0x4] =	wrdreg $0x9  }
0xb1: {  	_ =	task.clear_ibuf [dreg:s7], $0x5FFFF;
	_ =	strace $0x90000046  }
0xb2: {  	s29 =	simm.s32 $0x9;
	_ =	strace $0x80000048  }
0xb3: {  	_ =	swait.ge [sflag:s29], $0x1  }
0xb4: {  	[sflag:s29] =	ssyncadd.s32 $0xFFFFFFFF  }
0xb5: {  	_ =	strace $0x90000048  }
0xb6: {  	_ =	sfence  }
0xb7: {  	s30 =	sld [smem:$0x0];
	_ =	sdelay $0x2  }
0xb8: {  	s31 =	sshll.u32 s1, $0xD;
	s1 =	sshrl.u32 s1, $0x2  }
0xb9: {  	s3 =	sand.u32 $0x4000, s31;
	s1 =	sadd.s32 s1, s30  }
0xba: {  	s0 =	sor.u32 s3, s0;
	s1 =	sshll.u32 s1, $0x11  }
0xbb: {  	s0 =	sor.u32 s1, s0  }
0xbc: {  	s0 =	sadd.s32 $0x8F2B, s0  }
0xbd: {  	[sflag:s0] =	ssyncadd.remote.s32 $0x1  }
0xbe: {  	_ =	sfence.sel $0xFFFF  }
0xbf: {  	[dreg:$0x0] =	wrdreg $0xFFFFFFFF;
	(pc) =	sbr.abs _section_cstart, $3  }
0xc0: {  	[dreg:$0x1] =	wrdreg $0xFFFFFFFF  }
0xc1: {  	_ =	task.clear_ibuf [dreg:s7], $0x2FFFF;
	_ =	strace $0x9FFFFFFF  }
0xc2: {  	(tm) =	ssettm $0x7FFFFFFF  }
0xc3: {  	_ =	shalt  }
tec
execute0_lowered:
.L_overlay_start_1:
0x0: {  	(tag) =	ssettag $0x1  }
0x1: {  	s1 =	rddreg [dreg:$0x0]  }
0x2: {  	s4 =	rddreg [dreg:$0x1]  }
0x3: {  	s0 =	rddreg [dreg:$0x2];
	s3 =	simm.s32 $0x0;
	s5 =	srdreg.scid  }
0x4: {  	s2 =	stileid.u32;
	s11 =	simm.s32 $0x2;
	s12 =	simm.s32 $0xC800  }
0x5: {  	s13 =	simm.s32 $0xA000;
	s14 =	simm.s32 $0x0;
	[smem:$0x7FF] =	sst s3  }
0x6: {  	s5 =	sand.u32 $0x1, s5;
	s6 =	sshll.u32 s2, $0x1;
	s4 =	sadd.s32 $0x2000, s4  }
0x7: {  	_ =	strace $0x80000047;
	s7 =	ssub.s32 $0x2, s5;
	s6 =	sor.u32 s5, s6  }
.Ltmp0:
0x8: {  	s5 =	simm.s32 $0x1;
	p0 =	seq.s32 s6, $0x1F;
	(pc) =	sbr.rel .LBB2_1-.Ltmp0, $4  }
0x9: {  	s8 =	sshrl.u32 s7, $0x1;
	s31 =	smul.u32 $0x2800, s6;
	s5 =	simm.s32 @!p0 $0x4  }
0xa: {  	s6 =	smul.u32 $0x140, s6;
	s10 =	ssub.s32 s7, s8;
	s9 =	sand.u32 $0x1, s5  }
0xb: {  	s7 =	simm.s32 $0x1;
	p1 =	seq.s32 s9, $0x1;
	s9 =	simm.s32 $0x3  }
0xc: {  	s8 =	sadd.s32 s1, s31;
	s10 =	smax.u32 s10, $0x1;
	s9 =	simm.s32 @!p1 $0x4  }
.LBB2_10:
0xd: {  	s15 =	simm.s32 @!p0 $0x3;
	s14 =	sadd.s32 $0x1, s14  }
0xe: {  	_ =	swait.ge @!p0 [sflag:s15], $0x2800;
	p1 =	sne.s32 s14, s10  }
.Ltmp1:
0xf: {  	[sflag:s15] =	ssyncset.done @!p0 $0x0;
	(pc) =	sbr.rel @!p1 .LBB2_11-.Ltmp1, $4  }
0x10: {  	[sflag:s15] =	ssyncadd.s32 @!p0 $0xFFFFD800  }
0x11: {  	_ =	swait.ge [sflag:s9], $0x2800  }
0x12: {  	[sflag:s9] =	ssyncset.done $0x0  }
0x13: {  	[sflag:s9] =	ssyncadd.s32 $0xFFFFD800  }
.LBB2_1:
.Ltmp2:
0x14: {  	(pc) =	sbr.rel .LBB2_2-.Ltmp2, $3  }
0x15: {  	_ =	sdelay $0x1  }
0x16: {  	[tilespmem:s3], [sflag:$0x1] =	stream.linear.gather [hbm4b:s8+s3], $0x5000, $0x38;
	[tilespmem:$0xF000] =	vst v63  }
0x17: {  	s17 =	simm.s32 $0x0  }
.LBB2_9:
0x18: {  	p1 =	sne.s32 s15, s5  }
.Ltmp3:
0x19: {  	_ = 	snop;
	(pc) =	sbr.rel @!p1 .LBB2_10-.Ltmp3, $2  }
0x1a: {  	_ =	sdelay $0x2  }
0x1b: {  	s17 =	smov.u32 s15  }
.LBB2_2:
0x1c: {  	s18 =	sand.u32 $0x1, s17  }
0x1d: {  	p1 =	seq.s32 s18, $0x1  }
.Ltmp4:
0x1e: {  	_ = 	snop;
	(pc) =	sbr.rel @p1 .LBB2_6-.Ltmp4, $3  }
0x1f: {  	_ = 	snop  }
0x20: {  	s15 =	smul.u32 $0x50, s17;
	_ =	sdelay $0x1  }
0x21: {  	s16 =	sadd.s32 s6, s15  }
0x22: {  	s15 =	sor.u32 $0x1, s17  }
0x23: {  	p1 =	sge.u32 s15, s5  }
0x24: {  	s19 =	smul.u32 @!p1 $0x50, s15  }
0x25: {  	_ =	swait.ge [sflag:s7], $0x5000  }
0x26: {  	[sflag:s7] =	ssyncset.done $0x0;
	s19 =	sadd.s32 @!p1 s6, s19  }
0x27: {  	[sflag:s7] =	ssyncadd.s32 $0xFFFFB000;
	s19 =	sshll.u32 @!p1 s19, $0x5  }
0x28: {  	s20 =	simm.s32 @!p1 $0x0;
	s21 =	simm.s32 @!p1 $0x5000;
	s19 =	sadd.s32 @!p1 s1, s19  }
0x29: {  	[tilespmem:s21], [sflag:$0x2] =	stream.linear.gather @!p1 [hbm4b:s19+s20], $0x5000, $0x38;
	[tilespmem:$0xF000] =	vst v63  }
0x2a: {  	p1 =	slt.u32 s17, $0x2  }
0x2b: {  	s20 =	simm.s32 @!p1 $0x3  }
0x2c: {  	s19 =	simm.s32 $0x0;
	_ =	swait.ge @!p1 [sflag:s20], $0x2800  }
0x2d: {  	s31 =	sand.u32 $0x7800, s19;
	s22 =	sand.u32 $0x380, s19;
	[sflag:s20] =	ssyncset.done @!p1 $0x0  }
0x2e: {  	s21 =	sor.u32 s22, s31;
	[sflag:s20] =	ssyncadd.s32 @!p1 $0xFFFFD800  }
0x2f: {  	v0 =	vld [tilespmem:s21+$0x0]  }
0x30: {  	v1 =	vld [tilespmem:s21+$0x10];
	_ =	sdelay $0x4  }
0x31: {  	v0 =	vadd.s32 $0x8000, v0;
	v1 =	vadd.s32 $0x8000, v1  }
0x32: {  	v0 =	vshrl.u32 v0, $0x10;
	v1 =	vand.u32 $0xFFFF0000, v1  }
0x33: {  	s20 =	simm.s32 $0xA040;
	v0 =	vor.u32 v0, v1  }
0x34: {  	[tilespmem:s20+$0xFFFFFFC0] =	vst v0  }
0x35: {  	v0 =	vld [tilespmem:s21+$0x20]  }
0x36: {  	v1 =	vld [tilespmem:s21+$0x30];
	_ =	sdelay $0x4  }
0x37: {  	v0 =	vadd.s32 $0x8000, v0;
	v1 =	vadd.s32 $0x8000, v1  }
0x38: {  	v0 =	vshrl.u32 v0, $0x10;
	v1 =	vand.u32 $0xFFFF0000, v1  }
0x39: {  	v0 =	vor.u32 v0, v1  }
0x3a: {  	[tilespmem:s20+$0xFFFFFFD0] =	vst v0  }
0x3b: {  	v0 =	vld [tilespmem:s21+$0x40]  }
0x3c: {  	v1 =	vld [tilespmem:s21+$0x50];
	_ =	sdelay $0x4  }
0x3d: {  	v0 =	vadd.s32 $0x8000, v0;
	v1 =	vadd.s32 $0x8000, v1  }
0x3e: {  	v0 =	vshrl.u32 v0, $0x10;
	v1 =	vand.u32 $0xFFFF0000, v1  }
0x3f: {  	v0 =	vor.u32 v0, v1  }
0x40: {  	[tilespmem:s20+$0xFFFFFFE0] =	vst v0  }
0x41: {  	v0 =	vld [tilespmem:s21+$0x60]  }
0x42: {  	v1 =	vld [tilespmem:s21+$0x70];
	_ =	sdelay $0x4  }
0x43: {  	v0 =	vadd.s32 $0x8000, v0;
	v1 =	vadd.s32 $0x8000, v1  }
0x44: {  	v0 =	vshrl.u32 v0, $0x10;
	v1 =	vand.u32 $0xFFFF0000, v1  }
0x45: {  	v0 =	vor.u32 v0, v1  }
0x46: {  	[tilespmem:s20+$0xFFFFFFF0] =	vst v0  }
0x47: {  	v0 =	vld [tilespmem:s21+$0x400]  }
0x48: {  	v1 =	vld [tilespmem:s21+$0x410];
	_ =	sdelay $0x4  }
0x49: {  	v0 =	vadd.s32 $0x8000, v0;
	v1 =	vadd.s32 $0x8000, v1  }
0x4a: {  	v0 =	vshrl.u32 v0, $0x10;
	v1 =	vand.u32 $0xFFFF0000, v1  }
0x4b: {  	v0 =	vor.u32 v0, v1  }
0x4c: {  	[tilespmem:s20+$0x0] =	vst v0  }
0x4d: {  	v0 =	vld [tilespmem:s21+$0x420]  }
0x4e: {  	v1 =	vld [tilespmem:s21+$0x430];
	_ =	sdelay $0x4  }
0x4f: {  	v0 =	vadd.s32 $0x8000, v0;
	v1 =	vadd.s32 $0x8000, v1  }
0x50: {  	v0 =	vshrl.u32 v0, $0x10;
	v1 =	vand.u32 $0xFFFF0000, v1  }
0x51: {  	v0 =	vor.u32 v0, v1  }
0x52: {  	[tilespmem:s20+$0x10] =	vst v0  }
0x53: {  	v0 =	vld [tilespmem:s21+$0x440]  }
0x54: {  	v1 =	vld [tilespmem:s21+$0x450];
	_ =	sdelay $0x4  }
0x55: {  	v0 =	vadd.s32 $0x8000, v0;
	v1 =	vadd.s32 $0x8000, v1  }
0x56: {  	v0 =	vshrl.u32 v0, $0x10;
	v1 =	vand.u32 $0xFFFF0000, v1  }
0x57: {  	v0 =	vor.u32 v0, v1  }
0x58: {  	[tilespmem:s20+$0x20] =	vst v0  }
0x59: {  	s23 =	simm.s32 $0x100;
	s22 =	simm.s32 $0xA040;
	v0 =	vld [tilespmem:s21+$0x460]  }
.LBB2_4:
0x5a: {  	p1 =	sne.s32 s23, $0x4F00;
	v1 =	vld [tilespmem:s21+$0x470];
	s19 =	sadd.s32 $0x80, s19;
	s20 =	sadd.s32 $0x80, s20  }
0x5b: {  	s21 =	smov.u32 s23;
	s23 =	sadd.s32 $0x100, s23;
	_ =	sdelay $0x2  }
0x5c: {  	v0 =	vadd.s32 $0x8000, v0  }
0x5d: {  	v0 =	vshrl.u32 v0, $0x10;
	v1 =	vadd.s32 $0x8000, v1  }
0x5e: {  	v1 =	vand.u32 $0xFFFF0000, v1  }
0x5f: {  	s21 =	sand.u32 $0x7800, s21;
	s24 =	sand.u32 $0x380, s19;
	v0 =	vor.u32 v0, v1  }
0x60: {  	s21 =	sor.u32 s24, s21;
	[tilespmem:s22+$0x30] =	vst v0;
	s22 =	smov.u32 s20  }
0x61: {  	v0 =	vld [tilespmem:s21+$0x0]  }
0x62: {  	v1 =	vld [tilespmem:s21+$0x10];
	_ =	sdelay $0x3  }
0x63: {  	v0 =	vadd.s32 $0x8000, v0  }
0x64: {  	v0 =	vshrl.u32 v0, $0x10;
	v1 =	vadd.s32 $0x8000, v1  }
0x65: {  	v1 =	vand.u32 $0xFFFF0000, v1  }
0x66: {  	v0 =	vor.u32 v0, v1  }
0x67: {  	[tilespmem:s20+$0xFFFFFFC0] =	vst v0  }
0x68: {  	v0 =	vld [tilespmem:s21+$0x20]  }
0x69: {  	v1 =	vld [tilespmem:s21+$0x30];
	_ =	sdelay $0x3  }
0x6a: {  	v0 =	vadd.s32 $0x8000, v0  }
0x6b: {  	v0 =	vshrl.u32 v0, $0x10;
	v1 =	vadd.s32 $0x8000, v1  }
0x6c: {  	v1 =	vand.u32 $0xFFFF0000, v1  }
0x6d: {  	v0 =	vor.u32 v0, v1  }
0x6e: {  	[tilespmem:s20+$0xFFFFFFD0] =	vst v0  }
0x6f: {  	v0 =	vld [tilespmem:s21+$0x40]  }
0x70: {  	v1 =	vld [tilespmem:s21+$0x50];
	_ =	sdelay $0x3  }
0x71: {  	v0 =	vadd.s32 $0x8000, v0  }
0x72: {  	v0 =	vshrl.u32 v0, $0x10;
	v1 =	vadd.s32 $0x8000, v1  }
0x73: {  	v1 =	vand.u32 $0xFFFF0000, v1  }
0x74: {  	v0 =	vor.u32 v0, v1  }
0x75: {  	[tilespmem:s20+$0xFFFFFFE0] =	vst v0  }
0x76: {  	v0 =	vld [tilespmem:s21+$0x60]  }
0x77: {  	v1 =	vld [tilespmem:s21+$0x70];
	_ =	sdelay $0x3  }
0x78: {  	v0 =	vadd.s32 $0x8000, v0  }
0x79: {  	v0 =	vshrl.u32 v0, $0x10;
	v1 =	vadd.s32 $0x8000, v1  }
0x7a: {  	v1 =	vand.u32 $0xFFFF0000, v1  }
0x7b: {  	v0 =	vor.u32 v0, v1  }
0x7c: {  	[tilespmem:s20+$0xFFFFFFF0] =	vst v0  }
0x7d: {  	v0 =	vld [tilespmem:s21+$0x400]  }
0x7e: {  	v1 =	vld [tilespmem:s21+$0x410];
	_ =	sdelay $0x3  }
0x7f: {  	v0 =	vadd.s32 $0x8000, v0  }
0x80: {  	v0 =	vshrl.u32 v0, $0x10;
	v1 =	vadd.s32 $0x8000, v1  }
0x81: {  	v1 =	vand.u32 $0xFFFF0000, v1  }
0x82: {  	v0 =	vor.u32 v0, v1  }
0x83: {  	[tilespmem:s20+$0x0] =	vst v0  }
0x84: {  	v0 =	vld [tilespmem:s21+$0x420]  }
0x85: {  	v1 =	vld [tilespmem:s21+$0x430];
	_ =	sdelay $0x3  }
0x86: {  	v0 =	vadd.s32 $0x8000, v0  }
0x87: {  	v0 =	vshrl.u32 v0, $0x10;
	v1 =	vadd.s32 $0x8000, v1  }
0x88: {  	v1 =	vand.u32 $0xFFFF0000, v1  }
0x89: {  	v0 =	vor.u32 v0, v1  }
0x8a: {  	[tilespmem:s20+$0x10] =	vst v0  }
0x8b: {  	v0 =	vld [tilespmem:s21+$0x440]  }
0x8c: {  	v1 =	vld [tilespmem:s21+$0x450];
	_ =	sdelay $0x3  }
0x8d: {  	v0 =	vadd.s32 $0x8000, v0  }
.Ltmp5:
0x8e: {  	v0 =	vshrl.u32 v0, $0x10;
	v1 =	vadd.s32 $0x8000, v1;
	(pc) =	sbr.rel @p1 .LBB2_4-.Ltmp5, $4  }
0x8f: {  	v1 =	vand.u32 $0xFFFF0000, v1  }
0x90: {  	v0 =	vor.u32 v0, v1  }
0x91: {  	[tilespmem:s20+$0x20] =	vst v0  }
0x92: {  	v0 =	vld [tilespmem:s21+$0x460]  }
0x93: {  	v1 =	vld [tilespmem:s21+$0x470];
	_ =	sdelay $0x3  }
0x94: {  	p1 =	seq.s32 s18, $0x0  }
.Ltmp6:
0x95: {  	v0 =	vadd.s32 $0x8000, v0;
	v1 =	vadd.s32 $0x8000, v1;
	(pc) =	sbr.rel @p1 .LBB2_9-.Ltmp6, $4  }
0x96: {  	v0 =	vshrl.u32 v0, $0x10;
	v1 =	vand.u32 $0xFFFF0000, v1  }
0x97: {  	s19 =	sshll.u32 s16, $0x4;
	v0 =	vor.u32 v0, v1  }
0x98: {  	s19 =	sadd.s32 s4, s19;
	[tilespmem:s22+$0x30] =	vst v0  }
0x99: {  	[hbm4b:s19+s3] =	stream.linear.scatter [tilespmem:s13], [sflag:$0x3], $0x2800, $0x38;
	[tilespmem:$0xF000] =	vst v63  }
.LBB2_6:
0x9a: {  	s15 =	sadd.s32 $0x1, s17  }
0x9b: {  	p1 =	sge.u32 s15, s5  }
0x9c: {  	s18 =	smul.u32 @!p1 $0x50, s15;
	_ =	sdelay $0x1  }
0x9d: {  	_ =	swait.ge [sflag:s11], $0x5000;
	s18 =	sadd.s32 @!p1 s6, s18  }
0x9e: {  	[sflag:s11] =	ssyncset.done $0x0;
	s18 =	sshll.u32 @!p1 s18, $0x5  }
0x9f: {  	[sflag:s11] =	ssyncadd.s32 $0xFFFFB000;
	s19 =	simm.s32 @!p1 $0x0;
	s18 =	sadd.s32 @!p1 s1, s18  }
0xa0: {  	[tilespmem:s19], [sflag:$0x1] =	stream.linear.gather @!p1 [hbm4b:s18+s19], $0x5000, $0x38;
	[tilespmem:$0xF000] =	vst v63  }
0xa1: {  	p1 =	slt.u32 s17, $0x2  }
0xa2: {  	s18 =	simm.s32 @!p1 $0x4  }
0xa3: {  	s31 =	simm.s32 $0x5000;
	s17 =	simm.s32 $0x0;
	_ =	swait.ge @!p1 [sflag:s18], $0x2800  }
0xa4: {  	s19 =	sand.u32 $0xF800, s31;
	s20 =	sand.u32 $0x380, s17;
	[sflag:s18] =	ssyncset.done @!p1 $0x0  }
0xa5: {  	s19 =	sor.u32 s20, s19;
	[sflag:s18] =	ssyncadd.s32 @!p1 $0xFFFFD800  }
0xa6: {  	v0 =	vld [tilespmem:s19+$0x0]  }
0xa7: {  	v1 =	vld [tilespmem:s19+$0x10];
	_ =	sdelay $0x4  }
0xa8: {  	v0 =	vadd.s32 $0x8000, v0;
	v1 =	vadd.s32 $0x8000, v1  }
0xa9: {  	v0 =	vshrl.u32 v0, $0x10;
	v1 =	vand.u32 $0xFFFF0000, v1  }
0xaa: {  	s18 =	simm.s32 $0xC870;
	v0 =	vor.u32 v0, v1  }
0xab: {  	[tilespmem:s18+$0xFFFFFF90] =	vst v0  }
0xac: {  	v0 =	vld [tilespmem:s19+$0x20]  }
0xad: {  	v1 =	vld [tilespmem:s19+$0x30];
	_ =	sdelay $0x4  }
0xae: {  	v0 =	vadd.s32 $0x8000, v0;
	v1 =	vadd.s32 $0x8000, v1  }
0xaf: {  	v0 =	vshrl.u32 v0, $0x10;
	v1 =	vand.u32 $0xFFFF0000, v1  }
0xb0: {  	v0 =	vor.u32 v0, v1  }
0xb1: {  	[tilespmem:s18+$0xFFFFFFA0] =	vst v0  }
0xb2: {  	v0 =	vld [tilespmem:s19+$0x40]  }
0xb3: {  	v1 =	vld [tilespmem:s19+$0x50];
	_ =	sdelay $0x4  }
0xb4: {  	v0 =	vadd.s32 $0x8000, v0;
	v1 =	vadd.s32 $0x8000, v1  }
0xb5: {  	v0 =	vshrl.u32 v0, $0x10;
	v1 =	vand.u32 $0xFFFF0000, v1  }
0xb6: {  	v0 =	vor.u32 v0, v1  }
0xb7: {  	[tilespmem:s18+$0xFFFFFFB0] =	vst v0  }
0xb8: {  	v0 =	vld [tilespmem:s19+$0x60]  }
0xb9: {  	v1 =	vld [tilespmem:s19+$0x70];
	_ =	sdelay $0x4  }
0xba: {  	v0 =	vadd.s32 $0x8000, v0;
	v1 =	vadd.s32 $0x8000, v1  }
0xbb: {  	v0 =	vshrl.u32 v0, $0x10;
	v1 =	vand.u32 $0xFFFF0000, v1  }
0xbc: {  	v0 =	vor.u32 v0, v1  }
0xbd: {  	[tilespmem:s18+$0xFFFFFFC0] =	vst v0  }
0xbe: {  	v0 =	vld [tilespmem:s19+$0x400]  }
0xbf: {  	v1 =	vld [tilespmem:s19+$0x410];
	_ =	sdelay $0x4  }
0xc0: {  	v0 =	vadd.s32 $0x8000, v0;
	v1 =	vadd.s32 $0x8000, v1  }
0xc1: {  	v0 =	vshrl.u32 v0, $0x10;
	v1 =	vand.u32 $0xFFFF0000, v1  }
0xc2: {  	v0 =	vor.u32 v0, v1  }
0xc3: {  	[tilespmem:s18+$0xFFFFFFD0] =	vst v0  }
0xc4: {  	v0 =	vld [tilespmem:s19+$0x420]  }
0xc5: {  	v1 =	vld [tilespmem:s19+$0x430];
	_ =	sdelay $0x4  }
0xc6: {  	v0 =	vadd.s32 $0x8000, v0;
	v1 =	vadd.s32 $0x8000, v1  }
0xc7: {  	v0 =	vshrl.u32 v0, $0x10;
	v1 =	vand.u32 $0xFFFF0000, v1  }
0xc8: {  	v0 =	vor.u32 v0, v1  }
0xc9: {  	[tilespmem:s18+$0xFFFFFFE0] =	vst v0  }
0xca: {  	v0 =	vld [tilespmem:s19+$0x440]  }
0xcb: {  	v1 =	vld [tilespmem:s19+$0x450];
	_ =	sdelay $0x4  }
0xcc: {  	v0 =	vadd.s32 $0x8000, v0;
	v1 =	vadd.s32 $0x8000, v1  }
0xcd: {  	v0 =	vshrl.u32 v0, $0x10;
	v1 =	vand.u32 $0xFFFF0000, v1  }
0xce: {  	v0 =	vor.u32 v0, v1  }
0xcf: {  	[tilespmem:s18+$0xFFFFFFF0] =	vst v0  }
0xd0: {  	s21 =	simm.s32 $0x5100;
	s20 =	simm.s32 $0xC870;
	v0 =	vld [tilespmem:s19+$0x460]  }
.LBB2_7:
0xd1: {  	p1 =	sne.s32 s21, $0x9F00;
	v1 =	vld [tilespmem:s19+$0x470];
	s17 =	sadd.s32 $0x80, s17;
	s18 =	sadd.s32 $0x80, s18  }
0xd2: {  	s19 =	smov.u32 s21;
	s21 =	sadd.s32 $0x100, s21;
	_ =	sdelay $0x2  }
0xd3: {  	v0 =	vadd.s32 $0x8000, v0  }
0xd4: {  	v0 =	vshrl.u32 v0, $0x10;
	v1 =	vadd.s32 $0x8000, v1  }
0xd5: {  	v1 =	vand.u32 $0xFFFF0000, v1  }
0xd6: {  	s19 =	sand.u32 $0xF800, s19;
	s22 =	sand.u32 $0x380, s17;
	v0 =	vor.u32 v0, v1  }
0xd7: {  	s19 =	sor.u32 s22, s19;
	[tilespmem:s20+$0x0] =	vst v0;
	s20 =	smov.u32 s18  }
0xd8: {  	v0 =	vld [tilespmem:s19+$0x0]  }
0xd9: {  	v1 =	vld [tilespmem:s19+$0x10];
	_ =	sdelay $0x3  }
0xda: {  	v0 =	vadd.s32 $0x8000, v0  }
0xdb: {  	v0 =	vshrl.u32 v0, $0x10;
	v1 =	vadd.s32 $0x8000, v1  }
0xdc: {  	v1 =	vand.u32 $0xFFFF0000, v1  }
0xdd: {  	v0 =	vor.u32 v0, v1  }
0xde: {  	[tilespmem:s18+$0xFFFFFF90] =	vst v0  }
0xdf: {  	v0 =	vld [tilespmem:s19+$0x20]  }
0xe0: {  	v1 =	vld [tilespmem:s19+$0x30];
	_ =	sdelay $0x3  }
0xe1: {  	v0 =	vadd.s32 $0x8000, v0  }
0xe2: {  	v0 =	vshrl.u32 v0, $0x10;
	v1 =	vadd.s32 $0x8000, v1  }
0xe3: {  	v1 =	vand.u32 $0xFFFF0000, v1  }
0xe4: {  	v0 =	vor.u32 v0, v1  }
0xe5: {  	[tilespmem:s18+$0xFFFFFFA0] =	vst v0  }
0xe6: {  	v0 =	vld [tilespmem:s19+$0x40]  }
0xe7: {  	v1 =	vld [tilespmem:s19+$0x50];
	_ =	sdelay $0x3  }
0xe8: {  	v0 =	vadd.s32 $0x8000, v0  }
0xe9: {  	v0 =	vshrl.u32 v0, $0x10;
	v1 =	vadd.s32 $0x8000, v1  }
0xea: {  	v1 =	vand.u32 $0xFFFF0000, v1  }
0xeb: {  	v0 =	vor.u32 v0, v1  }
0xec: {  	[tilespmem:s18+$0xFFFFFFB0] =	vst v0  }
0xed: {  	v0 =	vld [tilespmem:s19+$0x60]  }
0xee: {  	v1 =	vld [tilespmem:s19+$0x70];
	_ =	sdelay $0x3  }
0xef: {  	v0 =	vadd.s32 $0x8000, v0  }
0xf0: {  	v0 =	vshrl.u32 v0, $0x10;
	v1 =	vadd.s32 $0x8000, v1  }
0xf1: {  	v1 =	vand.u32 $0xFFFF0000, v1  }
0xf2: {  	v0 =	vor.u32 v0, v1  }
0xf3: {  	[tilespmem:s18+$0xFFFFFFC0] =	vst v0  }
0xf4: {  	v0 =	vld [tilespmem:s19+$0x400]  }
0xf5: {  	v1 =	vld [tilespmem:s19+$0x410];
	_ =	sdelay $0x3  }
0xf6: {  	v0 =	vadd.s32 $0x8000, v0  }
0xf7: {  	v0 =	vshrl.u32 v0, $0x10;
	v1 =	vadd.s32 $0x8000, v1  }
0xf8: {  	v1 =	vand.u32 $0xFFFF0000, v1  }
0xf9: {  	v0 =	vor.u32 v0, v1  }
0xfa: {  	[tilespmem:s18+$0xFFFFFFD0] =	vst v0  }
0xfb: {  	v0 =	vld [tilespmem:s19+$0x420]  }
0xfc: {  	v1 =	vld [tilespmem:s19+$0x430];
	_ =	sdelay $0x3  }
0xfd: {  	v0 =	vadd.s32 $0x8000, v0  }
0xfe: {  	v0 =	vshrl.u32 v0, $0x10;
	v1 =	vadd.s32 $0x8000, v1  }
0xff: {  	v1 =	vand.u32 $0xFFFF0000, v1  }
0x100: {  	v0 =	vor.u32 v0, v1  }
0x101: {  	[tilespmem:s18+$0xFFFFFFE0] =	vst v0  }
0x102: {  	v0 =	vld [tilespmem:s19+$0x440]  }
0x103: {  	v1 =	vld [tilespmem:s19+$0x450];
	_ =	sdelay $0x3  }
0x104: {  	v0 =	vadd.s32 $0x8000, v0  }
.Ltmp7:
0x105: {  	v0 =	vshrl.u32 v0, $0x10;
	v1 =	vadd.s32 $0x8000, v1;
	(pc) =	sbr.rel @p1 .LBB2_7-.Ltmp7, $4  }
0x106: {  	v1 =	vand.u32 $0xFFFF0000, v1  }
0x107: {  	v0 =	vor.u32 v0, v1  }
0x108: {  	[tilespmem:s18+$0xFFFFFFF0] =	vst v0  }
0x109: {  	v0 =	vld [tilespmem:s19+$0x460]  }
0x10a: {  	v1 =	vld [tilespmem:s19+$0x470];
	_ =	sdelay $0x4  }
.Ltmp8:
0x10b: {  	v0 =	vadd.s32 $0x8000, v0;
	v1 =	vadd.s32 $0x8000, v1;
	(pc) =	sbr.rel .LBB2_9-.Ltmp8, $4  }
0x10c: {  	v0 =	vshrl.u32 v0, $0x10;
	v1 =	vand.u32 $0xFFFF0000, v1  }
0x10d: {  	s16 =	sshll.u32 s16, $0x4;
	v0 =	vor.u32 v0, v1  }
0x10e: {  	s16 =	sadd.s32 s4, s16;
	[tilespmem:s20+$0x0] =	vst v0  }
0x10f: {  	[hbm4b:s16+s3] =	stream.linear.scatter [tilespmem:s12], [sflag:$0x4], $0x2800, $0x38;
	[tilespmem:$0xF000] =	vst v63  }
.LBB2_11:
0x110: {  	_ =	sfence.sel $0x180000  }
0x111: {  	[bflag:$0x0] =	sbarrier.arrive $0xFFFF  }
0x112: {  	p0 =	sne.s32 s2, $0x0;
	_ =	strace $0x90000047  }
0x113: {  	s0 =	sadd.s32 @!p0 $0x100000, s0;
	[bflag:$0x2] =	sbarrier.arrive $0xFFFF  }
0x114: {  	[sflag:s0] =	ssyncadd.tile.s32 @!p0 $0x1;
	_ =	shalt  }
.Lfunc_end2:
_tile_overlayer_lowered:
.L_overlay_start_2:
0x115: {  	(tag) =	ssettag $0x2  }
0x116: {  	s0 =	rddreg [dreg:$0x0];
	s2 =	stileid.u32  }
0x117: {  	s1 =	rddreg [dreg:$0x1];
	p0 =	sne.s32 s2, $0x0  }
0x118: {  	s3 =	rddreg [dreg:$0x2];
	[bflag:$0x3] =	sbarrier.arrive $0xFFFF;
	s2 =	simm.s32 @!p0 $0x1C05  }
0x119: {  	[timem:s3], [sflag:s2] =	dma.local @!p0 [hbm:s0], s1  }
0x11a: {  	s0 =	simm.s32 @!p0 $0x5  }
0x11b: {  	_ =	swait.ge @!p0 [sflag:s0], s1  }
0x11c: {  	s1 =	ssub.s32 @!p0 $0x0, s1;
	[sflag:s0] =	ssyncset.done @!p0 $0x0  }
0x11d: {  	[sflag:s0] =	ssyncadd.s32 @!p0 s1  }
0x11e: {  	[bflag:$0x3] =	sbarrier.arrive $0xFFFF  }
0x11f: {  	_ =	shalt  }

// kernel: kernel.8.cloned.1.call-start
scs
__scs_entry_jumppad:
0x0: {  	(pc) =	sbr.rel $0x88, $3  }
0x1: {  	(tag) =	ssettag $0x0;
	lr =	simm.s32 $0x1  }
0x2: {  	[smem:$0x3F9B] =	sst lr;
	_ =	strace $0xD0000000  }
0x3: {  	_ = 	snop  }
0x4: {  	_ = 	snop  }
0x5: {  	_ = 	snop  }
0x6: {  	_ = 	snop  }
0x7: {  	_ = 	snop  }
__scs_overlays_trampoline_lowered:
0x8: {  	[smem:$0x3FAA] =	sst s0  }
0x9: {  	[smem:$0x3FAB] =	sst s1  }
0xa: {  	[smem:$0x3FAC] =	sst s2  }
0xb: {  	[smem:$0x3FAD] =	sst s3  }
0xc: {  	[smem:$0x3FAE] =	sst s4  }
0xd: {  	[smem:$0x3FAF] =	sst s5  }
0xe: {  	[smem:$0x3FB0] =	sst s6  }
0xf: {  	[smem:$0x3FB1] =	sst s7  }
0x10: {  	[smem:$0x3FB2] =	sst s8  }
0x11: {  	[smem:$0x3FB3] =	sst s9;
	s0 =	simm.s32 @!p0 $0x0  }
0x12: {  	s1 =	sld [smem:$0x3F99];
	s0 =	simm.s32 @p0 $0x1  }
0x13: {  	[smem:$0x3FB4] =	sst s0;
	s0 =	simm.s32 @!p1 $0x0  }
0x14: {  	s2 =	sld [smem:$0x3F98];
	s0 =	simm.s32 @p1 $0x1  }
0x15: {  	[smem:$0x3FB5] =	sst s0;
	s0 =	simm.s32 @!p2 $0x0  }
0x16: {  	s3 =	sld [smem:$0x3FDB];
	s0 =	simm.s32 @p2 $0x1  }
0x17: {  	s4 =	simm.s32 $0x1BF5;
	[smem:$0x3FB7] =	sst s0  }
0x18: {  	s0 =	sld [smem:$0x3F9A];
	_ =	swait.ge [sflag:s4], $0x0  }
0x19: {  	s7 =	sld [smem:$0x3F9B]  }
0x1a: {  	s8 =	sadd.s32 $0xFFFFE003, lr  }
0x1b: {  	s9 =	sadd.s32 $0xFFFFFEF7, lr;
	s5 =	simm.s32 $0xFFFFFFFF;
	p2 =	slt.u32 s8, $0xFFFFF086  }
0x1c: {  	p1 =	slt.u32 s9, $0xF7A;
	s5 =	simm.s32 @!p2 $0x0  }
0x1d: {  	s5 =	simm.s32 @p1 $0x1;
	p0 =	seq.s32 s7, s2  }
0x1e: {  	s7 =	smul.u32 @!p0 $0xF7A, s2;
	p2 =	seq.s32 @!p0 s5, $0x0  }
0x1f: {  	s9 =	smul.u32 $0xF7A, s1;
	s8 =	simm.s32 @!p0 $0x1BF5;
	p2 =	por !p2, p0  }
0x20: {  	[sflag:s8] =	ssyncset.s32 @!p0 $0xFFFFF086;
	s6 =	sadd.s32 @!p0 s3, s7;
	s7 =	simm.s32 @!p0 $0x108  }
0x21: {  	s3 =	sadd.s32 s3, s9;
	s6 =	sadd.s32 @!p0 $0x88, s6;
	s7 =	simm.s32 @p2 $0x1082  }
0x22: {  	[simem:s7], [sflag:s8] =	dma.local @!p0 [hbm:s6], $0xF7A  }
0x23: {  	s9 =	sor.u32 $0xD0000000, s2;
	s6 =	simm.s32 $0x108;
	_ =	swait.ge @!p0 [sflag:s8], $0x0  }
0x24: {  	s3 =	sadd.s32 $0x88, s3;
	s6 =	simm.s32 @!p1 $0x1082;
	[sflag:s4] =	ssyncset.s32 $0xFFFFF086  }
0x25: {  	[simem:s6], [sflag:s4] =	dma.local [hbm:s3], $0xF7A  }
0x26: {  	[smem:$0x3F9B] =	sst s1;
	(tag) =	ssettag s2;
	_ =	strace s9  }
0x27: {  	s1 =	sld [smem:$0x3FAB]  }
0x28: {  	s2 =	sld [smem:$0x3FAC]  }
0x29: {  	s4 =	sld [smem:$0x3FAE]  }
0x2a: {  	p0 =	seq.s32 s5, $0x0;
	s5 =	sld [smem:$0x3FAF]  }
0x2b: {  	s6 =	sld [smem:$0x3FB0]  }
0x2c: {  	s7 =	sld [smem:$0x3FB1]  }
0x2d: {  	s3 =	simm.s32 $0x108;
	s8 =	sld [smem:$0x3FB2]  }
0x2e: {  	s3 =	simm.s32 @!p0 $0x1082;
	s9 =	sld [smem:$0x3FB3]  }
0x2f: {  	lr =	sadd.s32 s0, s3;
	s0 =	sld [smem:$0x3FAA]  }
0x30: {  	s3 =	sld [smem:$0x3FAD]  }
0x31: {  	[smem:$0x3FB6] =	sst s10  }
0x32: {  	s10 =	sld [smem:$0x3FB4];
	_ =	sdelay $0x3  }
0x33: {  	p0 =	seq.s32 s10, $0x1;
	s10 =	sld [smem:$0x3FB6];
	_ =	sdelay $0x3  }
0x34: {  	[smem:$0x3FB6] =	sst s10  }
0x35: {  	s10 =	sld [smem:$0x3FB5];
	_ =	sdelay $0x3  }
0x36: {  	p1 =	seq.s32 s10, $0x1;
	s10 =	sld [smem:$0x3FB6];
	_ =	sdelay $0x3  }
0x37: {  	[smem:$0x3FB6] =	sst s10  }
0x38: {  	s10 =	sld [smem:$0x3FB7]  }
0x39: {  	_ = 	snop;
	(pc) =	sbr.ind lr, $3  }
0x3a: {  	_ = 	snop  }
0x3b: {  	_ = 	snop  }
0x3c: {  	p2 =	seq.s32 s10, $0x1;
	s10 =	sld [smem:$0x3FB6]  }
0x3d: {  	_ =	shalt  }
0x3e: {  	_ =	shalt  }
0x3f: {  	_ =	shalt  }
0x40: {  	_ =	shalt  }
0x41: {  	_ =	shalt  }
0x42: {  	_ =	shalt  }
0x43: {  	_ =	shalt  }
0x44: {  	_ =	shalt  }
0x45: {  	_ =	shalt  }
0x46: {  	_ =	shalt  }
0x47: {  	_ =	shalt  }
0x48: {  	_ =	shalt  }
0x49: {  	_ =	shalt  }
0x4a: {  	_ =	shalt  }
0x4b: {  	_ =	shalt  }
0x4c: {  	_ =	shalt  }
0x4d: {  	_ =	shalt  }
0x4e: {  	_ =	shalt  }
0x4f: {  	_ =	shalt  }
0x50: {  	_ =	shalt  }
0x51: {  	_ =	shalt  }
0x52: {  	_ =	shalt  }
0x53: {  	_ =	shalt  }
0x54: {  	_ =	shalt  }
0x55: {  	_ =	shalt  }
0x56: {  	_ =	shalt  }
0x57: {  	_ =	shalt  }
0x58: {  	_ =	shalt  }
0x59: {  	_ =	shalt  }
0x5a: {  	_ =	shalt  }
0x5b: {  	_ =	shalt  }
0x5c: {  	_ =	shalt  }
0x5d: {  	_ =	shalt  }
0x5e: {  	_ =	shalt  }
0x5f: {  	_ =	shalt  }
0x60: {  	_ =	shalt  }
0x61: {  	_ =	shalt  }
0x62: {  	_ =	shalt  }
0x63: {  	_ =	shalt  }
0x64: {  	_ =	shalt  }
0x65: {  	_ =	shalt  }
0x66: {  	_ =	shalt  }
0x67: {  	_ =	shalt  }
0x68: {  	_ =	shalt  }
0x69: {  	_ =	shalt  }
0x6a: {  	_ =	shalt  }
0x6b: {  	_ =	shalt  }
0x6c: {  	_ =	shalt  }
0x6d: {  	_ =	shalt  }
0x6e: {  	_ =	shalt  }
0x6f: {  	_ =	shalt  }
0x70: {  	_ =	shalt  }
0x71: {  	_ =	shalt  }
0x72: {  	_ =	shalt  }
0x73: {  	_ =	shalt  }
0x74: {  	_ =	shalt  }
0x75: {  	_ =	shalt  }
0x76: {  	_ =	shalt  }
0x77: {  	_ =	shalt  }
0x78: {  	_ =	shalt  }
0x79: {  	_ =	shalt  }
0x7a: {  	_ =	shalt  }
0x7b: {  	_ =	shalt  }
0x7c: {  	_ =	shalt  }
0x7d: {  	_ =	shalt  }
0x7e: {  	_ =	shalt  }
0x7f: {  	_ =	shalt  }
0x80: {  	_ =	shalt  }
0x81: {  	_ =	shalt  }
0x82: {  	_ =	shalt  }
0x83: {  	_ =	shalt  }
0x84: {  	_ =	shalt  }
0x85: {  	_ =	shalt  }
0x86: {  	_ =	shalt  }
0x87: {  	_ =	shalt  }
.Lfunc_end0:
.L_simem_size_0:
called_computation.1_lowered:
.L_overlay_start_0:
0x88: {  	s2 =	sld [smem:$0x3FD9]  }
0x89: {  	s3 =	sld [smem:$0x3FFE];
	_ =	sdelay $0x1  }
0x8a: {  	s1 =	srdreg.scid  }
0x8b: {  	s0 =	sand.u32 $0x1, s1  }
0x8c: {  	s17 =	sshll.u32 s0, $0xA;
	s2 =	sadd.s32 s3, s2  }
0x8d: {  	s2 =	sadd.s32 s2, s17  }
0x8e: {  	[smem:$0x3FC2] =	sst s2  }
0x8f: {  	_ = 	snop  }
0x90: {  	s2 =	sld [smem:$0x3FD0];
	(tm) =	ssettm $0x1  }
0x91: {  	s18 =	sld [smem:$0x3FFB];
	_ =	sdelay $0x3  }
0x92: {  	_ =	strace s18  }
0x93: {  	s3 =	sld [smem:$0x3FFC];
	_ =	sdelay $0x3  }
0x94: {  	_ =	strace s3  }
0x95: {  	s3 =	sld [smem:$0x3FFD];
	_ =	sdelay $0x3  }
0x96: {  	_ =	strace s3  }
0x97: {  	_ =	strace $0x8FFFFFFF  }
0x98: {  	s19 =	sld [smem:$0x3FDB];
	_ =	sdelay $0x1  }
0x99: {  	s4 =	simm.s32 $_scs_section_size  }
0x9a: {  	s5 =	simm.s32 $_size__tile_overlayer_lowered;
	s6 =	simm.s32 $_tile_overlayer_lowered  }
0x9b: {  	s22 =	simm.s32 $0x1BFF;
	s21 =	sshll.u32 s6, $0x1;
	s3 =	sadd.s32 s4, s19  }
0x9c: {  	s7 =	simm.s32 $0x0;
	s20 =	sshll.u32 s5, $0x1;
	s5 =	sadd.s32 s21, s3  }
0x9d: {  	[timem:s7], [sflag:s22] =	dma.local [hbm:s5], s20  }
0x9e: {  	_ =	swait.ge [sflag:s22], s20  }
0x9f: {  	s4 =	ssub.s32 $0x0, s20;
	[sflag:s22] =	ssyncset.done $0x0  }
0xa0: {  	[sflag:s22] =	ssyncadd.s32 s4;
	_ =	sdelay $0x1  }
0xa1: {  	s23 =	simm.s32 $0x1B8B  }
0xa2: {  	_ =	swait.ge [sflag:s23], $0x1  }
0xa3: {  	[sflag:s23] =	ssyncset.done $0x0  }
0xa4: {  	s25 =	simm.s32 $0x1B8E;
	s24 =	sld [smem:$0x3FFE];
	[sflag:s23] =	ssyncadd.s32 $0xFFFFFFFF  }
0xa5: {  	s26 =	simm.s32 $execute0_lowered;
	[smem:$0x3FD2] =	sst s25  }
0xa6: {  	s5 =	sshll.u32 s26, $0x1;
	_ =	strace $0x80000049;
	[dreg:$0x1] =	wrdreg $0xFFFFFFFF  }
0xa7: {  	s28 =	simm.s32 $_size_execute0_lowered;
	s3 =	sadd.s32 s3, s5;
	[dreg:$0x0] =	wrdreg $0x0  }
0xa8: {  	s5 =	sshll.u32 s28, $0x1;
	[dreg:$0x2] =	wrdreg s3  }
0xa9: {  	[dreg:$0x3] =	wrdreg s5  }
0xaa: {  	[dreg:$0x4] =	wrdreg $0xC0  }
0xab: {  	_ =	task [dreg:s7], $0x5FFFF  }
0xac: {  	[dreg:$0x1] =	wrdreg $0xFFFFFFFF  }
0xad: {  	[dreg:$0x0] =	wrdreg $0x60  }
0xae: {  	[dreg:$0x2] =	wrdreg s24  }
0xaf: {  	[dreg:$0x3] =	wrdreg s2  }
0xb0: {  	[dreg:$0x4] =	wrdreg $0x9  }
0xb1: {  	_ =	task.clear_ibuf [dreg:s7], $0x5FFFF;
	_ =	strace $0x90000049  }
0xb2: {  	s29 =	simm.s32 $0x9;
	_ =	strace $0x8000004B  }
0xb3: {  	_ =	swait.ge [sflag:s29], $0x1  }
0xb4: {  	[sflag:s29] =	ssyncadd.s32 $0xFFFFFFFF  }
0xb5: {  	_ =	strace $0x9000004B  }
0xb6: {  	_ =	sfence  }
0xb7: {  	s30 =	sld [smem:$0x0];
	_ =	sdelay $0x2  }
0xb8: {  	s31 =	sshll.u32 s1, $0xD;
	s1 =	sshrl.u32 s1, $0x2  }
0xb9: {  	s3 =	sand.u32 $0x4000, s31;
	s1 =	sadd.s32 s1, s30  }
0xba: {  	s0 =	sor.u32 s3, s0;
	s1 =	sshll.u32 s1, $0x11  }
0xbb: {  	s0 =	sor.u32 s1, s0  }
0xbc: {  	s0 =	sadd.s32 $0x8F2B, s0  }
0xbd: {  	[sflag:s0] =	ssyncadd.remote.s32 $0x1  }
0xbe: {  	_ =	sfence.sel $0xFFFF  }
0xbf: {  	[dreg:$0x0] =	wrdreg $0xFFFFFFFF;
	(pc) =	sbr.abs _section_cstart, $3  }
0xc0: {  	[dreg:$0x1] =	wrdreg $0xFFFFFFFF  }
0xc1: {  	_ =	task.clear_ibuf [dreg:s7], $0x2FFFF;
	_ =	strace $0x9FFFFFFF  }
0xc2: {  	(tm) =	ssettm $0x7FFFFFFF  }
0xc3: {  	_ =	shalt  }
tec
execute0_lowered:
.L_overlay_start_1:
0x0: {  	(tag) =	ssettag $0x1  }
0x1: {  	s0 =	srdreg.scid  }
0x2: {  	s2 =	stileid.u32;
	s1 =	rddreg [dreg:$0x0];
	s9 =	simm.s32 $0x5  }
0x3: {  	s10 =	simm.s32 $0x180;
	s11 =	simm.s32 $0x200;
	s12 =	simm.s32 $0x1  }
0x4: {  	s13 =	simm.s32 $0x80;
	s14 =	simm.s32 $0x280;
	s15 =	simm.s32 $0x4  }
0x5: {  	s16 =	simm.s32 $0x3;
	s0 =	sand.u32 $0x1, s0;
	s3 =	sshll.u32 s2, $0x1  }
0x6: {  	s17 =	simm.s32 $0x2;
	s18 =	simm.s32 $0x4280;
	s4 =	sor.u32 s0, s3  }
0x7: {  	s19 =	simm.s32 $0x0;
	s0 =	ssub.s32 $0x2, s0;
	s4 =	smul.u32 $0x140, s4  }
.Ltmp0:
0x8: {  	s2 =	rddreg [dreg:$0x1];
	s8 =	sshrl.u32 s0, $0x1;
	(pc) =	sbr.rel .LBB2_1-.Ltmp0, $4  }
0x9: {  	s3 =	simm.s32 $0x0;
	s0 =	ssub.s32 s0, s8;
	s6 =	sshrl.u32 s4, $0x3  }
0xa: {  	[smem:$0x7FF] =	sst s3;
	s0 =	smax.u32 s0, $0x1;
	s7 =	sadd.s32 s6, s1  }
0xb: {  	_ =	strace $0x8000004A;
	[dreg:$0x4] =	wrdreg s0;
	s31 =	sadd.s32 $0x29200, s7  }
0xc: {  	v0 =	vimm.f32 $0.0e+00;
	s5 =	sadd.s32 $0x2000, s1;
	s6 =	sadd.s32 $0x29800, s1;
	[dreg:$0x3] =	wrdreg s31  }
.LBB2_17:
0xd: {  	s0 =	sand.u32 $0x1, s24  }
0xe: {  	p0 =	seq.s32 s0, $0x1;
	s0 =	simm.s32 $0x2  }
0xf: {  	s0 =	simm.s32 @!p0 $0x1  }
0x10: {  	_ =	swait.ge [sflag:s0], $0x80  }
0x11: {  	s1 =	simm.s32 $0x3;
	[sflag:s0] =	ssyncset.done $0x0  }
0x12: {  	s1 =	simm.s32 @!p0 $0x4;
	[sflag:s0] =	ssyncadd.s32 $0xFFFFFF80  }
0x13: {  	_ =	swait.ge [sflag:s1], $0x4000  }
0x14: {  	s19 =	sadd.s32 $0x1, s19;
	s31 =	rddreg [dreg:$0x4]  }
0x15: {  	p0 =	sne.s32 s19, s31  }
.Ltmp1:
0x16: {  	_ = 	snop;
	(pc) =	sbr.rel @!p0 .LBB2_18-.Ltmp1, $3  }
0x17: {  	_ =	sdelay $0x1  }
0x18: {  	[sflag:s1] =	ssyncset.done $0x0  }
0x19: {  	[sflag:s1] =	ssyncadd.s32 $0xFFFFC000  }
.LBB2_1:
0x1a: {  	s0 =	rddreg [dreg:$0x3]  }
0x1b: {  	[tilespmem:s3], [sflag:$0x5] =	stream.linear.gather [hbm4b:s0+s3], $0x150, $0x38;
	[tilespmem:$0xC280] =	vst v63  }
0x1c: {  	_ =	swait.ge [sflag:s9], $0x150  }
0x1d: {  	[sflag:s9] =	ssyncset.done $0x0  }
0x1e: {  	[sflag:s9] =	ssyncadd.s32 $0xFFFFFEB0  }
0x1f: {  	v1 =	vld [tilespmem:$0x0];
	_ =	sdelay $0x4  }
0x20: {  	(v2sf) =	vpush v1, $0x0;
	_ =	sdelay $0xe  }
0x21: {  	s30 =	spop (v2sf)  }
0x22: {  	s1 =	sshrl.u32 s30, $0x3  }
0x23: {  	s31 =	sadd.s32 $0x80, s30;
	s1 =	sadd.s32 s6, s1  }
0x24: {  	[tilespmem:s10], [sflag:$0x1] =	stream.linear.gather [hbm4b:s1+s3], $0x80, $0x38;
	[tilespmem:$0xC280] =	vst v63  }
0x25: {  	s1 =	sshrl.u32 s31, $0x3  }
0x26: {  	s1 =	sadd.s32 s6, s1  }
0x27: {  	[tilespmem:s11], [sflag:$0x2] =	stream.linear.gather [hbm4b:s1+s3], $0x80, $0x38;
	[tilespmem:$0xC280] =	vst v63  }
.Ltmp2:
0x28: {  	_ = 	snop;
	(pc) =	sbr.rel .LBB2_2-.Ltmp2, $4  }
0x29: {  	s24 =	simm.s32 $0xFFFFFFFF;
	s25 =	simm.s32 $0x0;
	_ =	swait.ge [sflag:s12], $0x80  }
0x2a: {  	s20 =	sand.u32 $0xFFFFFFF8, s30;
	s22 =	sadd.s32 $0x100, s30;
	[sflag:s12] =	ssyncset.done $0x0  }
0x2b: {  	s21 =	sxor.u32 $0xFFFFFFFF, s20;
	s23 =	ssub.s32 $0x0, s20;
	[sflag:s12] =	ssyncadd.s32 $0xFFFFFF80  }
0x2c: {  	[tilespmem:s14], [sflag:$0x3] =	stream.indirect.gather [hbm4b:s5+s13], $0x80, s10, s13, $0xb8;
	[tilespmem:$0xC280] =	vst v63  }
.LBB2_3:
0x2d: {  	v16 =	vpsel p0, $0x0, v0  }
0x2e: {  	v15 =	vpsel p0, $0x0, v0;
	v14 =	vpsel p0, $0x0, v0;
	v13 =	vpsel p0, $0x0, v0  }
0x2f: {  	v12 =	vpsel p0, $0x0, v0;
	v11 =	vpsel p0, $0x0, v0;
	v10 =	vpsel p0, $0x0, v0  }
0x30: {  	v9 =	vpsel p0, $0x0, v0;
	v8 =	vpsel p0, $0x0, v0;
	v7 =	vpsel p0, $0x0, v0  }
0x31: {  	v6 =	vpsel p0, $0x0, v0;
	v5 =	vpsel p0, $0x0, v0;
	v4 =	vpsel p0, $0x0, v0  }
0x32: {  	s24 =	smov.u32 @p0 s24;
	v3 =	vpsel p0, $0x0, v0;
	v2 =	vpsel p0, $0x0, v0;
	v1 =	vpsel p0, $0x0, v0  }
.LBB2_16:
0x33: {  	s0 =	ssub.s32 s28, s26  }
0x34: {  	p0 =	sgt.s32 s0, $0x1  }
0x35: {  	s0 =	simm.s32 @!p0 $0x1  }
0x36: {  	v17 =	vmov s0  }
0x37: {  	v17 =	vcvt.s32.f32 v17;
	_ =	sdelay $0x1  }
0x38: {  	v17 =	vbroadcast v17, $0x0;
	_ =	sdelay $0x1  }
0x39: {  	(erf) = vrcp.f32 v17;
	_ =	sdelay $0x8  }
0x3a: {  	s30 =	sshll.u32 s25, $0x8;
	s1 =	sshll.u32 s25, $0x7;
	v17 =	vpop (erf)  }
0x3b: {  	s1 =	sand.u32 $0x380, s1;
	s0 =	sand.u32 $0x3800, s30;
	v16 =	vmul.f32 v16, v17  }
0x3c: {  	s0 =	sor.u32 s1, s0;
	v15 =	vmul.f32 v15, v17  }
0x3d: {  	v14 =	vmul.f32 v14, v17;
	[tilespmem:s0+$0x8280] =	vst v16  }
0x3e: {  	v13 =	vmul.f32 v13, v17;
	[tilespmem:s0+$0x8290] =	vst v15  }
0x3f: {  	v12 =	vmul.f32 v12, v17;
	[tilespmem:s0+$0x82A0] =	vst v14  }
0x40: {  	v11 =	vmul.f32 v11, v17;
	[tilespmem:s0+$0x82B0] =	vst v13  }
0x41: {  	v10 =	vmul.f32 v10, v17;
	[tilespmem:s0+$0x82C0] =	vst v12  }
0x42: {  	v9 =	vmul.f32 v9, v17;
	[tilespmem:s0+$0x82D0] =	vst v11  }
0x43: {  	v8 =	vmul.f32 v8, v17;
	[tilespmem:s0+$0x82E0] =	vst v10  }
0x44: {  	v7 =	vmul.f32 v7, v17;
	[tilespmem:s0+$0x82F0] =	vst v9  }
0x45: {  	v6 =	vmul.f32 v6, v17;
	[tilespmem:s0+$0x8680] =	vst v8  }
0x46: {  	s31 =	sand.u32 $0x3F, s25;
	v5 =	vmul.f32 v5, v17;
	[tilespmem:s0+$0x8690] =	vst v7  }
0x47: {  	p0 =	sne.s32 s31, $0x3F;
	v4 =	vmul.f32 v4, v17;
	[tilespmem:s0+$0x86A0] =	vst v6  }
0x48: {  	s1 =	sadd.s32 @!p0 s4, s25;
	v3 =	vmul.f32 v3, v17;
	[tilespmem:s0+$0x86B0] =	vst v5  }
0x49: {  	s1 =	sshll.u32 @!p0 s1, $0x8;
	v2 =	vmul.f32 v2, v17;
	[tilespmem:s0+$0x86C0] =	vst v4  }
0x4a: {  	s1 =	sadd.s32 @!p0 $0xFFFFC100, s1;
	v1 =	vmul.f32 v1, v17;
	[tilespmem:s0+$0x86D0] =	vst v3  }
0x4b: {  	s7 =	simm.s32 @!p0 $0x8280;
	s25 =	sadd.s32 $0x1, s25;
	s1 =	sshrl.u32 @!p0 s1, $0x3;
	[tilespmem:s0+$0x86E0] =	vst v2  }
0x4c: {  	p1 =	sne.s32 s25, $0x140;
	[tilespmem:s0+$0x86F0] =	vst v1;
	s0 =	sadd.s32 @!p0 s2, s1;
	s1 =	simm.s32 @!p0 $0x0  }
0x4d: {  	[hbm4b:s0+s1] =	stream.linear.scatter @!p0 [tilespmem:s7], [sflag:$0x5], $0x4000, $0x38;
	[tilespmem:$0xC280] =	vst v63  }
.Ltmp3:
0x4e: {  	_ = 	snop;
	(pc) =	sbr.rel @!p1 .LBB2_17-.Ltmp3, $4  }
0x4f: {  	s0 =	simm.s32 @!p0 $0x5  }
0x50: {  	_ =	swait.ge @!p0 [sflag:s0], $0x4000  }
0x51: {  	[sflag:s0] =	ssyncset.done @!p0 $0x0  }
0x52: {  	[sflag:s0] =	ssyncadd.s32 @!p0 $0xFFFFC000  }
.LBB2_2:
0x53: {  	v1 =	vld [tilespmem:s25+$0x0];
	_ =	sdelay $0x4  }
0x54: {  	(v2sf) =	vpush v1, $0x0  }
0x55: {  	(v2sf) =	vpush v1, $0x1;
	_ =	sdelay $0xd  }
0x56: {  	s26 =	spop (v2sf)  }
0x57: {  	s28 =	spop (v2sf)  }
0x58: {  	s0 =	ssub.s32 s26, s20;
	s1 =	sadd.s32 s21, s28  }
0x59: {  	s29 =	sshrl.u32 s0, $0x7;
	s31 =	sshrl.u32 s1, $0x7  }
0x5a: {  	s0 =	ssub.s32 s31, s29  }
0x5b: {  	p0 =	sle.s32 s28, s26;
	s30 =	sadd.s32 $0x1, s0  }
0x5c: {  	p1 =	slt.s32 @!p0 s30, $0x1  }
0x5d: {  	p1 =	por p0, p1  }
.Ltmp4:
0x5e: {  	_ = 	snop;
	(pc) =	sbr.rel @p1 .LBB2_3-.Ltmp4, $1  }
0x5f: {  	_ =	sdelay $0x3  }
0x60: {  	v1 =	vimm.f32 $0.0e+00  }
.Ltmp5:
0x61: {  	v2 =	vimm.f32 $0.0e+00;
	v3 =	vimm.f32 $0.0e+00;
	v4 =	vimm.f32 $0.0e+00;
	(pc) =	sbr.rel .LBB2_5-.Ltmp5, $4  }
0x62: {  	v5 =	vimm.f32 $0.0e+00;
	v6 =	vimm.f32 $0.0e+00;
	v7 =	vimm.f32 $0.0e+00  }
0x63: {  	v8 =	vimm.f32 $0.0e+00;
	v9 =	vimm.f32 $0.0e+00;
	v10 =	vimm.f32 $0.0e+00  }
0x64: {  	s0 =	sand.u32 $0x1, s29;
	v11 =	vimm.f32 $0.0e+00;
	v12 =	vimm.f32 $0.0e+00;
	v13 =	vimm.f32 $0.0e+00  }
0x65: {  	s31 =	simm.s32 $0x0;
	v14 =	vimm.f32 $0.0e+00;
	v15 =	vimm.f32 $0.0e+00;
	v16 =	vimm.f32 $0.0e+00;
	p0 =	seq.s32 s0, $0x1  }
.LBB2_14:
0x66: {  	v24 =	vshll.u32 v19, $0x10;
	v62 =	vand.u32 $0xFFFF0000, v21  }
0x67: {  	v19 =	vand.u32 $0xFFFF0000, v19;
	v63 =	vshll.u32 v17, $0x10;
	v8 =	vadd.f32 v22, v8  }
0x68: {  	v25 =	vand.u32 $0xFFFF0000, v18;
	v7 =	vadd.f32 v23, v7;
	v9 =	vadd.f32 v19, v9  }
0x69: {  	v17 =	vand.u32 $0xFFFF0000, v17;
	v11 =	vadd.f32 v25, v11;
	v6 =	vadd.f32 v20, v6  }
0x6a: {  	v18 =	vshll.u32 v18, $0x10;
	v15 =	vadd.f32 v62, v15;
	v10 =	vadd.f32 v24, v10  }
0x6b: {  	v19 =	vshll.u32 v21, $0x10;
	v2 =	vadd.f32 v63, v2;
	v1 =	vadd.f32 v17, v1  }
0x6c: {  	v12 =	vadd.f32 v18, v12;
	v16 =	vadd.f32 v19, v16  }
.LBB2_15:
0x6d: {  	s31 =	sadd.s32 $0x1, s31  }
0x6e: {  	p1 =	sgt.s32 s30, s31  }
.Ltmp6:
0x6f: {  	_ = 	snop;
	(pc) =	sbr.rel @!p1 .LBB2_16-.Ltmp6, $2  }
0x70: {  	_ =	sdelay $0x2  }
0x71: {  	p0 =	por !p0, !p0  }
.LBB2_5:
0x72: {  	s0 =	smov.u32 s24;
	s24 =	sadd.s32 s29, s31  }
0x73: {  	p1 =	sne.s32 s24, s0  }
.Ltmp7:
0x74: {  	_ = 	snop;
	(pc) =	sbr.rel @p1 .LBB2_7-.Ltmp7, $1  }
0x75: {  	_ =	sdelay $0x3  }
.Ltmp8:
0x76: {  	(pc) =	sbr.rel .LBB2_11-.Ltmp8, $2  }
0x77: {  	_ =	sdelay $0x2  }
0x78: {  	s0 =	sshll.u32 s24, $0x7  }
.LBB2_7:
0x79: {  	s0 =	sand.u32 $0x1, s24  }
0x7a: {  	p1 =	seq.s32 s0, $0x0  }
.Ltmp9:
0x7b: {  	_ = 	snop;
	(pc) =	sbr.rel @p1 .LBB2_9-.Ltmp9, $1  }
0x7c: {  	_ =	sdelay $0x3  }
.Ltmp10:
0x7d: {  	(pc) =	sbr.rel .LBB2_10-.Ltmp10, $4  }
0x7e: {  	s0 =	sshll.u32 s24, $0x7  }
0x7f: {  	s1 =	sadd.s32 s0, s22  }
0x80: {  	s1 =	sshrl.u32 s1, $0x3  }
0x81: {  	s1 =	sadd.s32 s6, s1  }
.LBB2_9:
0x82: {  	_ =	swait.ge [sflag:s16], $0x4000  }
0x83: {  	[sflag:s16] =	ssyncset.done $0x0  }
0x84: {  	s0 =	sshll.u32 s24, $0x7;
	[sflag:s16] =	ssyncadd.s32 $0xFFFFC000  }
0x85: {  	s1 =	sadd.s32 s0, s22;
	_ =	swait.ge [sflag:s17], $0x80  }
.Ltmp11:
0x86: {  	s1 =	sshrl.u32 s1, $0x3;
	[sflag:s17] =	ssyncset.done $0x0;
	(pc) =	sbr.rel @p1 .LBB2_11-.Ltmp11, $4  }
0x87: {  	s1 =	sadd.s32 s6, s1;
	[sflag:s17] =	ssyncadd.s32 $0xFFFFFF80  }
0x88: {  	[tilespmem:s10], [sflag:$0x1] =	stream.linear.gather [hbm4b:s1+s3], $0x80, $0x38;
	[tilespmem:$0xC280] =	vst v63  }
0x89: {  	_ = 	snop  }
0x8a: {  	[tilespmem:s18], [sflag:$0x4] =	stream.indirect.gather [hbm4b:s5+s13], $0x80, s11, s13, $0xb8;
	[tilespmem:$0xC280] =	vst v63  }
.LBB2_10:
0x8b: {  	_ =	swait.ge [sflag:s15], $0x4000  }
0x8c: {  	[sflag:s15] =	ssyncset.done $0x0  }
0x8d: {  	[sflag:s15] =	ssyncadd.s32 $0xFFFFC000  }
0x8e: {  	_ =	swait.ge [sflag:s12], $0x80  }
0x8f: {  	[sflag:s12] =	ssyncset.done $0x0  }
0x90: {  	[sflag:s12] =	ssyncadd.s32 $0xFFFFFF80  }
0x91: {  	[tilespmem:s11], [sflag:$0x2] =	stream.linear.gather [hbm4b:s1+s3], $0x80, $0x38;
	[tilespmem:$0xC280] =	vst v63  }
0x92: {  	_ = 	snop  }
0x93: {  	[tilespmem:s14], [sflag:$0x3] =	stream.indirect.gather [hbm4b:s5+s13], $0x80, s10, s13, $0xb8;
	[tilespmem:$0xC280] =	vst v63  }
.LBB2_11:
0x94: {  	s7 =	sadd.s32 s20, s0  }
0x95: {  	s1 =	sadd.s32 $0x80, s7  }
0x96: {  	p1 =	sgt.s32 s26, s7;
	p2 =	slt.s32 s28, s1  }
0x97: {  	s7 =	smov.u32 @p1 s26;
	s1 =	smov.u32 @p2 s28  }
0x98: {  	s1 =	ssub.s32 s1, s7  }
0x99: {  	p1 =	slt.s32 s1, $0x1  }
.Ltmp12:
0x9a: {  	_ = 	snop;
	(pc) =	sbr.rel @p1 .LBB2_15-.Ltmp12, $1  }
0x9b: {  	_ =	sdelay $0x3  }
0x9c: {  	s8 =	simm.s32 $0x1  }
0x9d: {  	s8 =	simm.s32 @!p0 $0x0  }
0x9e: {  	s7 =	sadd.s32 s7, s23;
	s8 =	sshll.u32 s8, $0x7  }
0x9f: {  	s7 =	sadd.s32 s8, s7  }
0xa0: {  	s0 =	ssub.s32 s7, s0  }
0xa1: {  	s0 =	sshll.u32 s0, $0x9  }
0xa2: {  	s0 =	sshra.s32 s0, $0x2  }
0xa3: {  	s8 =	sadd.s32 $0x2C0, s0  }
0xa4: {  	v17 =	vld [tilespmem:s8+$0xFFFFFFD0]  }
0xa5: {  	v21 =	vld [tilespmem:s8+$0x10];
	_ =	sdelay $0x1  }
0xa6: {  	v18 =	vld [tilespmem:s8+$0x20]  }
0xa7: {  	v23 =	vld [tilespmem:s8+$0x0]  }
0xa8: {  	p1 =	sgt.s32 s1, $0x1;
	v19 =	vld [tilespmem:s8+$0xFFFFFFF0];
	v20 =	vshll.u32 v17, $0x10;
	v17 =	vand.u32 $0xFFFF0000, v17  }
.Ltmp13:
0xa9: {  	v25 =	vand.u32 $0xFFFF0000, v21;
	v14 =	vadd.f32 v20, v14;
	v20 =	vshll.u32 v21, $0x10;
	v21 =	vld [tilespmem:s8+$0xFFFFFFC0];
	(pc) =	sbr.rel @!p1 .LBB2_14-.Ltmp13, $4  }
0xaa: {  	v13 =	vadd.f32 v17, v13;
	v17 =	vld [tilespmem:s8+$0x30]  }
0xab: {  	v22 =	vshll.u32 v18, $0x10;
	v24 =	vand.u32 $0xFFFF0000, v18;
	v18 =	vld [tilespmem:s8+$0xFFFFFFE0]  }
0xac: {  	v4 =	vadd.f32 v22, v4;
	v22 =	vshll.u32 v23, $0x10  }
0xad: {  	s0 =	simm.s32 $0x1;
	s7 =	sadd.s32 $0x80, s8;
	v3 =	vadd.f32 v24, v3;
	v23 =	vand.u32 $0xFFFF0000, v23;
	v5 =	vadd.f32 v25, v5  }
.LBB2_13:
0xae: {  	v24 =	vld [tilespmem:s7+$0xFFFFFFD0];
	s0 =	sadd.s32 $0x1, s0;
	v25 =	vshll.u32 v19, $0x10;
	v8 =	vadd.f32 v22, v8;
	v7 =	vadd.f32 v23, v7  }
0xaf: {  	v22 =	vand.u32 $0xFFFF0000, v21;
	v19 =	vand.u32 $0xFFFF0000, v19;
	v26 =	vshll.u32 v17, $0x10;
	v23 =	vld [tilespmem:s7+$0x10];
	p1 =	slt.s32 s0, s1  }
0xb0: {  	v21 =	vshll.u32 v21, $0x10;
	v28 =	vand.u32 $0xFFFF0000, v18;
	v9 =	vadd.f32 v19, v9;
	v27 =	vld [tilespmem:s7+$0x20]  }
0xb1: {  	v6 =	vadd.f32 v20, v6;
	v20 =	vand.u32 $0xFFFF0000, v17;
	v11 =	vadd.f32 v28, v11;
	v29 =	vld [tilespmem:s7+$0x0]  }
0xb2: {  	v15 =	vadd.f32 v22, v15;
	v22 =	vshll.u32 v18, $0x10;
	v10 =	vadd.f32 v25, v10;
	v19 =	vld [tilespmem:s7+$0xFFFFFFF0]  }
0xb3: {  	v16 =	vadd.f32 v21, v16;
	v2 =	vadd.f32 v26, v2;
	v18 =	vshll.u32 v24, $0x10;
	v17 =	vld [tilespmem:s7+$0x30]  }
.Ltmp14:
0xb4: {  	v1 =	vadd.f32 v20, v1;
	v24 =	vand.u32 $0xFFFF0000, v24;
	v14 =	vadd.f32 v18, v14;
	v18 =	vld [tilespmem:s7+$0xFFFFFFE0];
	(pc) =	sbr.rel @p1 .LBB2_13-.Ltmp14, $4  }
0xb5: {  	v13 =	vadd.f32 v24, v13;
	v21 =	vld [tilespmem:s7+$0xFFFFFFC0];
	v24 =	vshll.u32 v27, $0x10;
	v25 =	vand.u32 $0xFFFF0000, v27  }
0xb6: {  	v12 =	vadd.f32 v22, v12;
	v20 =	vshll.u32 v23, $0x10;
	v4 =	vadd.f32 v24, v4  }
0xb7: {  	v22 =	vshll.u32 v29, $0x10;
	v24 =	vand.u32 $0xFFFF0000, v23;
	v3 =	vadd.f32 v25, v3  }
0xb8: {  	s7 =	sadd.s32 $0x80, s7;
	v23 =	vand.u32 $0xFFFF0000, v29;
	v5 =	vadd.f32 v24, v5  }
.Ltmp15:
0xb9: {  	_ = 	snop;
	(pc) =	sbr.rel .LBB2_14-.Ltmp15, $1  }
0xba: {  	_ =	sdelay $0x3  }
.LBB2_18:
0xbb: {  	_ =	sfence.sel $0x180000  }
0xbc: {  	[bflag:$0x0] =	sbarrier.arrive $0xFFFF  }
0xbd: {  	_ =	strace $0x9000004A  }
0xbe: {  	s0 =	stileid.u32;
	[bflag:$0x2] =	sbarrier.arrive $0xFFFF  }
0xbf: {  	p0 =	sne.s32 s0, $0x0;
	s0 =	rddreg [dreg:$0x2]  }
0xc0: {  	s0 =	sadd.s32 @!p0 $0x100000, s0  }
0xc1: {  	[sflag:s0] =	ssyncadd.tile.s32 @!p0 $0x1;
	_ =	shalt  }
.Lfunc_end2:
_tile_overlayer_lowered:
.L_overlay_start_2:
0xc2: {  	(tag) =	ssettag $0x2  }
0xc3: {  	s0 =	rddreg [dreg:$0x0];
	s2 =	stileid.u32  }
0xc4: {  	s1 =	rddreg [dreg:$0x1];
	p0 =	sne.s32 s2, $0x0  }
0xc5: {  	s3 =	rddreg [dreg:$0x2];
	[bflag:$0x3] =	sbarrier.arrive $0xFFFF;
	s2 =	simm.s32 @!p0 $0x1C05  }
0xc6: {  	[timem:s3], [sflag:s2] =	dma.local @!p0 [hbm:s0], s1  }
0xc7: {  	s0 =	simm.s32 @!p0 $0x5  }
0xc8: {  	_ =	swait.ge @!p0 [sflag:s0], s1  }
0xc9: {  	s1 =	ssub.s32 @!p0 $0x0, s1;
	[sflag:s0] =	ssyncset.done @!p0 $0x0  }
0xca: {  	[sflag:s0] =	ssyncadd.s32 @!p0 s1  }
0xcb: {  	[bflag:$0x3] =	sbarrier.arrive $0xFFFF  }
0xcc: {  	_ =	shalt  }

</sc_bundles>
